<compile_context>
chip_gen: v7x
topology: tpu7x:2x2x1
jax: 0.10.2.dev20260603
libtpu: 0.0.44.dev20260713+nightly
codegen_flags: <defaults>
</compile_context>

<pallas_src>
import functools

import jax
import jax.numpy as jnp
from jax import lax
from jax.experimental import pallas as pl
from jax.experimental.pallas import tpu as pltpu
from jax.experimental.pallas import tpu_sc as plsc

_K = 20
_BLK = 256
_PW = 144
_CHUNK = 256


def _topk_body(h_ref, xb_ref, xa_ref, xt_ref, we1_ref,
               idx_ref, p_ref, *, n, d_h, d_x, hid, blk, n_total):
    b = pl.program_id(0)
    i = pl.program_id(1)

    h_blk = h_ref[...]
    x_blk = xb_ref[...]
    xt = xt_ref[...]

    d = jnp.zeros((blk, n), jnp.float32)
    for c in range(d_x):
        diff = x_blk[:, c:c + 1] - xt[c:c + 1, :]
        d = d + diff * diff
    row_ids = i * blk + lax.broadcasted_iota(jnp.int32, (blk, 1), 0)
    col_ids = lax.broadcasted_iota(jnp.int32, (blk, n), 1)
    d = jnp.where(col_ids == row_ids, d + 1e10, d)

    base = b * n
    for k in range(_K):
        d2 = jnp.min(d, axis=1, keepdims=True)
        is_min = d == d2
        idx = jnp.min(jnp.where(is_min, col_ids, n), axis=1, keepdims=True)
        idx_ref[:, k:k + 1] = idx + base
        d = jnp.where(col_ids == idx, 1e30, d)

    g_blk = jnp.dot(h_blk, we1_ref[pl.ds(d_h, d_h), :],
                    preferred_element_type=jnp.float32)
    pad = jnp.zeros((blk, _PW - hid - d_x), jnp.float32)
    p_ref[...] = jnp.concatenate([g_blk, x_blk, pad], axis=1)


def _sc_gather_body(table_hbm, idx_hbm, out_hbm, idx_v, rows_v, sem,
                    *, n_chunks, chunk, num_cores):
    wid = lax.axis_index("s") * num_cores + lax.axis_index("c")
    base = wid * (n_chunks * chunk)
    pltpu.sync_copy(idx_hbm.at[wid], idx_v)
    for j in range(n_chunks):
        pltpu.async_copy(table_hbm.at[idx_v.at[j]], rows_v, sem).wait()
        pltpu.sync_copy(rows_v, out_hbm.at[pl.ds(base + j * chunk, chunk)])


def _edge_body(g_ref, h_ref, x_ref, we1_ref, be1_ref, we2_ref, be2_ref,
               wh1_ref, bh1_ref, wh2_ref, bh2_ref, wct_ref, bc_ref,
               wst_ref, bs_ref, hout_ref, xout_ref, *, d_h, d_x, hid, blk):
    h_blk = h_ref[...]
    x_blk = x_ref[...]
    g3 = g_ref[...]

    h1_blk = jnp.dot(h_blk, we1_ref[pl.ds(0, d_h), :],
                     preferred_element_type=jnp.float32)
    w_last = we1_ref[pl.ds(2 * d_h, 1), :]
    be1 = be1_ref[...]
    be2 = be2_ref[...]
    we2 = we2_ref[...]
    wct = wct_ref[...]
    bc = bc_ref[...]

    m_acc = jnp.zeros((blk, hid), jnp.float32)
    x_acc = jnp.zeros((blk, d_x), jnp.float32)
    for k in range(_K):
        g_j = g3[k, :, :hid]
        x_j = g3[k, :, hid:hid + d_x]
        x_diff = x_j - x_blk
        d2 = jnp.sum(x_diff * x_diff, axis=1, keepdims=True)
        e = h1_blk + g_j + d2 * w_last + be1
        s = e * jax.nn.sigmoid(e)
        m_ij = jnp.dot(s, we2, preferred_element_type=jnp.float32) + be2
        m_acc = m_acc + m_ij
        w = jnp.sum(m_ij * wct, axis=1, keepdims=True) + bc
        x_acc = x_acc + w * x_diff

    t = (jnp.dot(h_blk, wh1_ref[pl.ds(0, d_h), :],
                 preferred_element_type=jnp.float32)
         + jnp.dot(m_acc, wh1_ref[pl.ds(d_h, hid), :],
                   preferred_element_type=jnp.float32)
         + bh1_ref[...])
    t = t * jax.nn.sigmoid(t)
    h_new = (jnp.dot(t, wh2_ref[...], preferred_element_type=jnp.float32)
             + bh2_ref[...] + h_blk)
    hout_ref[...] = h_new

    scale = jnp.tanh(jnp.sum(h_new * wst_ref[...], axis=1, keepdims=True)
                     + bs_ref[...])
    norm = jnp.sqrt(jnp.sum(x_acc * x_acc, axis=1, keepdims=True)) + 1e-8
    xout_ref[...] = x_blk + scale * (x_acc / norm) * 0.1


def _pipeline(h, x, W_e1, b_e1, W_e2, b_e2, W_h1, b_h1, W_h2, b_h2,
              W_c, b_c, W_s, b_s):
    b_sz, n, d_h = h.shape
    d_x = x.shape[-1]
    hid = W_e2.shape[0]
    blk = _BLK
    while n % blk:
        blk //= 2
    nb = n // blk
    nt = b_sz * n
    ne = nt * _K

    xt = jnp.swapaxes(x, 1, 2)

    topk = functools.partial(_topk_body, n=n, d_h=d_h, d_x=d_x, hid=hid,
                             blk=blk, n_total=nt)
    idx, ptab = pl.pallas_call(
        topk,
        grid=(b_sz, nb),
        in_specs=[
            pl.BlockSpec((None, blk, d_h), lambda b, i: (b, i, 0)),
            pl.BlockSpec((None, blk, d_x), lambda b, i: (b, i, 0)),
            pl.BlockSpec((None, n, d_x), lambda b, i: (b, 0, 0)),
            pl.BlockSpec((None, d_x, n), lambda b, i: (b, 0, 0)),
            pl.BlockSpec((2 * d_h + 1, hid), lambda b, i: (0, 0)),
        ],
        out_specs=[
            pl.BlockSpec((blk, _K), lambda b, i: (b * (n // blk) + i, 0)),
            pl.BlockSpec((blk, _PW), lambda b, i: (b * (n // blk) + i, 0)),
        ],
        out_shape=[
            jax.ShapeDtypeStruct((nt, _K), jnp.int32),
            jax.ShapeDtypeStruct((nt, _PW), jnp.float32),
        ],
    )(h, x, x, xt, W_e1)

    info = plsc.get_sparse_core_info()
    nw = info.num_cores * info.num_subcores
    rows_per_w = ne // nw
    n_chunks = rows_per_w // _CHUNK
    idx3 = jnp.transpose(idx).reshape(nw, n_chunks, _CHUNK)

    mesh = plsc.VectorSubcoreMesh(core_axis_name="c", subcore_axis_name="s")
    gather = functools.partial(_sc_gather_body, n_chunks=n_chunks,
                               chunk=_CHUNK, num_cores=info.num_cores)
    gfn = pl.kernel(
        gather,
        mesh=mesh,
        compiler_params=pltpu.CompilerParams(use_tc_tiling_on_sc=False),
        out_type=jax.ShapeDtypeStruct((ne, _PW), jnp.float32),
        scratch_types=[
            pltpu.VMEM((n_chunks, _CHUNK), jnp.int32),
            pltpu.VMEM((_CHUNK, _PW), jnp.float32),
            pltpu.SemaphoreType.DMA,
        ],
    )
    gout = gfn(ptab, idx3)
    g3 = gout.reshape(_K, nt, _PW)

    h2 = h.reshape(nt, d_h)
    x2 = x.reshape(nt, d_x)
    be1 = b_e1.reshape(1, hid)
    be2 = b_e2.reshape(1, hid)
    bh1 = b_h1.reshape(1, d_h)
    bh2 = b_h2.reshape(1, d_h)
    wct = W_c.reshape(1, hid)
    bc = b_c.reshape(1, 1)
    wst = W_s.reshape(1, d_h)
    bs = b_s.reshape(1, 1)

    full = lambda shape: pl.BlockSpec(shape, lambda i: (0,) * len(shape))
    edge = functools.partial(_edge_body, d_h=d_h, d_x=d_x, hid=hid, blk=blk)
    h_new, x_new = pl.pallas_call(
        edge,
        grid=(nt // blk,),
        in_specs=[
            pl.BlockSpec((_K, blk, _PW), lambda i: (0, i, 0)),
            pl.BlockSpec((blk, d_h), lambda i: (i, 0)),
            pl.BlockSpec((blk, d_x), lambda i: (i, 0)),
            full((2 * d_h + 1, hid)), full((1, hid)),
            full((hid, hid)), full((1, hid)),
            full((d_h + hid, d_h)), full((1, d_h)),
            full((d_h, d_h)), full((1, d_h)),
            full((1, hid)), full((1, 1)),
            full((1, d_h)), full((1, 1)),
        ],
        out_specs=[
            pl.BlockSpec((blk, d_h), lambda i: (i, 0)),
            pl.BlockSpec((blk, d_x), lambda i: (i, 0)),
        ],
        out_shape=[
            jax.ShapeDtypeStruct((nt, d_h), jnp.float32),
            jax.ShapeDtypeStruct((nt, d_x), jnp.float32),
        ],
    )(g3, h2, x2, W_e1, be1, W_e2, be2, W_h1, bh1, W_h2, bh2,
      wct, bc, wst, bs)
    return h_new.reshape(b_sz, n, d_h), x_new.reshape(b_sz, n, d_x)


def kernel(h, x, *weights):
    b_sz = h.shape[0]
    if b_sz % 2:
        return _pipeline(h, x, *weights)
    hb = b_sz // 2
    h0, x0 = _pipeline(h[:hb], x[:hb], *weights)
    h1, x1 = _pipeline(h[hb:], x[hb:], *weights)
    return (jnp.concatenate([h0, h1], axis=0),
            jnp.concatenate([x0, x1], axis=0))

# --- scband reference (transcript-rebuilt; emitter-appended) ---
"""Pipeline reference for scband-egnnlayer-59021440582202 (READ-ONLY COPY).

The authoritative reference and input builder live on the scoring server;
editing this copy changes nothing except your own understanding.
"""

import jax, jax.numpy as jnp
import numpy as np

B, N, D_H, D_X, HID, K = 4, 2048, 128, 3, 128, 20


def knn_graph(x, k):
    b, n, d = x.shape
    xi = x[:, :, None, :]
    xj = x[:, None, :, :]
    distances = jnp.sum((xi - xj) ** 2, axis=-1)
    distances = distances + jnp.eye(n)[None, :, :] * 10000000000.0
    indices = jnp.argsort(distances, axis=-1)[:, :, :k]
    return indices


def _dense_init(key, fan_in, fan_out):
    kw, kb = jax.random.split(key)
    lim = 1.0 / np.sqrt(fan_in)
    W = jax.random.uniform(kw, (fan_in, fan_out), jnp.float32, -lim, lim)
    b = jax.random.uniform(kb, (fan_out,), jnp.float32, -lim, lim)
    return W, b


def setup_inputs(seed: int = 0) -> dict:
    key = jax.random.key(seed)
    ks = jax.random.split(key, 8)
    h = jax.random.normal(ks[0], (B, N, D_H), dtype=jnp.float32)
    x = jax.random.normal(ks[1], (B, N, D_X), dtype=jnp.float32)
    W_e1, b_e1 = _dense_init(ks[2], 2 * D_H + 1, HID)
    W_e2, b_e2 = _dense_init(ks[3], HID, HID)
    W_h1, b_h1 = _dense_init(ks[4], D_H + HID, D_H)
    W_h2, b_h2 = _dense_init(ks[5], D_H, D_H)
    W_c, b_c = _dense_init(ks[6], HID, 1)
    W_s, b_s = _dense_init(ks[7], D_H, 1)
    return {"h": h, "x": x, "W_e1": W_e1, "b_e1": b_e1, "W_e2": W_e2, "b_e2": b_e2,
            "W_h1": W_h1, "b_h1": b_h1, "W_h2": W_h2, "b_h2": b_h2,
            "W_c": W_c, "b_c": b_c, "W_s": W_s, "b_s": b_s}


def reference(h, x, W_e1, b_e1, W_e2, b_e2, W_h1, b_h1, W_h2, b_h2, W_c, b_c, W_s, b_s):
    b_sz, n, d_h = h.shape
    d_x = x.shape[-1]
    knn_indices = knn_graph(x, K)
    batch_indices = jnp.arange(b_sz)[:, None, None]
    h_j = h[batch_indices, knn_indices]
    x_j = x[batch_indices, knn_indices]
    h_i = h[:, :, None, :]
    x_i = x[:, :, None, :]
    x_diff = x_j - x_i
    dist_sq = jnp.sum(x_diff ** 2, axis=-1, keepdims=True)
    edge_input = jnp.concatenate([jnp.tile(h_i, (1, 1, K, 1)), h_j, dist_sq], axis=-1)
    edge_flat = edge_input.reshape(b_sz * n * K, 2 * d_h + 1)
    m_ij = edge_flat @ W_e1 + b_e1
    m_ij = jax.nn.silu(m_ij)
    m_ij = m_ij @ W_e2 + b_e2
    m_ij = m_ij.reshape(b_sz, n, K, HID)
    m_i = jnp.sum(m_ij, axis=2)
    h_input = jnp.concatenate([h, m_i], axis=-1)
    h_new = h_input @ W_h1 + b_h1
    h_new = jax.nn.silu(h_new)
    h_new = h_new @ W_h2 + b_h2
    h_new = h + h_new
    coord_weights = m_ij.reshape(b_sz * n * K, HID) @ W_c + b_c
    coord_weights = coord_weights.reshape(b_sz, n, K, 1)
    x_update = jnp.sum(coord_weights * x_diff, axis=2)
    x_update_norm = jnp.linalg.norm(x_update, axis=-1, keepdims=True) + 1e-08
    x_update_normalized = x_update / x_update_norm
    scale = h_new @ W_s + b_s
    scale = jnp.tanh(scale)
    x_new = x + scale * x_update_normalized * 0.1
    return (h_new, x_new)

if __name__ == "__main__":
    import jax
    _d = setup_inputs()
    print(jax.jit(kernel)(*tuple(_d.values())))

</pallas_src>

<mosaic_0001>
#map = affine_map<(d0, d1) -> (0, 0)>
#map1 = affine_map<(d0, d1) -> (0, 0, 0)>
module attributes {stable_mosaic.version = 14 : i64} {
  func.func @_sc_gather_body(%arg0: i32, %arg1: i32, %arg2: memref<4096x144xf32, #tpu.memory_space<hbm>>, %arg3: memref<32x10x256xi32, #tpu.memory_space<hbm>>, %arg4: memref<81920x144xf32, #tpu.memory_space<hbm>>, %arg5: memref<10x256xi32, #tpu.memory_space<vmem>>, %arg6: memref<256x144xf32, #tpu.memory_space<vmem>>, %arg7: memref<!tpu.dma_semaphore, #tpu.memory_space<semaphore_mem>>) attributes {dimension_semantics = [#tpu.dimension_semantics<core_parallel>, #tpu.dimension_semantics<subcore_parallel>], iteration_bounds = array<i64: 2, 16>, scalar_prefetch = 0 : i64, scratch_operands = 3 : i64, tpu.core_type = #tpu.core_type<sc_vector_subcore>, window_params = [{transform_indices = #map}, {transform_indices = #map1}, {transform_indices = #map}]} {
    %mul3A = arith.constant 2 : i32
    %mul3A_0 = arith.muli %arg1, %mul3A : i32
    %add3A = arith.addi %mul3A_0, %arg0 : i32
    %mul3A_1 = arith.constant 2560 : i32
    %mul3A_2 = arith.muli %add3A, %mul3A_1 : i32
    "tpu.region"() ({
      %run_scoped3A = tpu.sem_alloc : memref<!tpu.dma_semaphore, #tpu.memory_space<semaphore_mem>>
      %dma_start3A_161 = arith.constant 0 : i32
      %dma_start3A_162 = arith.constant 0 : i32
      %dma_start3A_163 = tpu.memref_slice %arg3[%add3A, %dma_start3A_161, %dma_start3A_162] : memref<32x10x256xi32, #tpu.memory_space<hbm>> -> memref<1x10x256xi32, #tpu.memory_space<hbm>>
      %dma_start3A_164 = tpu.memref_squeeze %dma_start3A_163 : memref<1x10x256xi32, #tpu.memory_space<hbm>> -> memref<10x256xi32, #tpu.memory_space<hbm>>
      %dma_start3A_165 = arith.constant 0 : i32
      %dma_start3A_166 = arith.constant 0 : i32
      %dma_start3A_167 = tpu.memref_slice %arg3[%add3A, %dma_start3A_165, %dma_start3A_166] : memref<32x10x256xi32, #tpu.memory_space<hbm>> -> memref<1x10x256xi32, #tpu.memory_space<hbm>>
      %dma_start3A_168 = tpu.memref_squeeze %dma_start3A_167 : memref<1x10x256xi32, #tpu.memory_space<hbm>> -> memref<10x256xi32, #tpu.memory_space<hbm>>
      tpu.enqueue_dma source(%dma_start3A_168 : memref<10x256xi32, #tpu.memory_space<hbm>>) target(%arg5 : memref<10x256xi32, #tpu.memory_space<vmem>>) target_semaphore(%run_scoped3A : memref<!tpu.dma_semaphore, #tpu.memory_space<semaphore_mem>>)
      %dma_wait3A_169 = arith.constant 0 : i32
      %dma_wait3A_170 = arith.constant 0 : i32
      %dma_wait3A_171 = tpu.memref_slice %arg3[%add3A, %dma_wait3A_169, %dma_wait3A_170] : memref<32x10x256xi32, #tpu.memory_space<hbm>> -> memref<1x10x256xi32, #tpu.memory_space<hbm>>
      %dma_wait3A_172 = tpu.memref_squeeze %dma_wait3A_171 : memref<1x10x256xi32, #tpu.memory_space<hbm>> -> memref<10x256xi32, #tpu.memory_space<hbm>>
      %dma_wait3A_173 = arith.constant 0 : i32
      %dma_wait3A_174 = arith.constant 0 : i32
      %dma_wait3A_175 = tpu.memref_slice %arg3[%add3A, %dma_wait3A_173, %dma_wait3A_174] : memref<32x10x256xi32, #tpu.memory_space<hbm>> -> memref<1x10x256xi32, #tpu.memory_space<hbm>>
      %dma_wait3A_176 = tpu.memref_squeeze %dma_wait3A_175 : memref<1x10x256xi32, #tpu.memory_space<hbm>> -> memref<10x256xi32, #tpu.memory_space<hbm>>
      tpu.wait_dma2 semaphore(%run_scoped3A : memref<!tpu.dma_semaphore, #tpu.memory_space<semaphore_mem>>) src(%dma_wait3A_176 : memref<10x256xi32, #tpu.memory_space<hbm>>) dst(%arg5 : memref<10x256xi32, #tpu.memory_space<vmem>>)
      tpu.yield
    }) : () -> ()
    %dma_start3A = arith.constant 0 : i32
    %dma_start3A_3 = arith.constant 0 : i32
    %dma_start3A_4 = tpu.memref_slice %arg5[%dma_start3A, %dma_start3A_3] : memref<10x256xi32, #tpu.memory_space<vmem>> -> memref<1x256xi32, #tpu.memory_space<vmem>>
    %dma_start3A_5 = tpu.memref_squeeze %dma_start3A_4 : memref<1x256xi32, #tpu.memory_space<vmem>> -> memref<256xi32, #tpu.memory_space<vmem>>
    %dma_start3A_6 = arith.constant 0 : i32
    %dma_start3A_7 = arith.constant 0 : i32
    %dma_start3A_8 = tpu.memref_slice %arg2[%dma_start3A_6, %dma_start3A_7] : memref<4096x144xf32, #tpu.memory_space<hbm>> -> memref<4096x144xf32, #tpu.memory_space<hbm>>
    tpu.enqueue_indirect_dma source(%dma_start3A_8 : memref<4096x144xf32, #tpu.memory_space<hbm>>) target(%arg6 : memref<256x144xf32, #tpu.memory_space<vmem>>) offsets(%dma_start3A_5 : memref<256xi32, #tpu.memory_space<vmem>>) semaphore(%arg7 : memref<!tpu.dma_semaphore, #tpu.memory_space<semaphore_mem>>)
    %dma_wait3A = arith.constant 0 : i32
    %dma_wait3A_9 = arith.constant 0 : i32
    %dma_wait3A_10 = tpu.memref_slice %arg5[%dma_wait3A, %dma_wait3A_9] : memref<10x256xi32, #tpu.memory_space<vmem>> -> memref<1x256xi32, #tpu.memory_space<vmem>>
    %dma_wait3A_11 = tpu.memref_squeeze %dma_wait3A_10 : memref<1x256xi32, #tpu.memory_space<vmem>> -> memref<256xi32, #tpu.memory_space<vmem>>
    %dma_wait3A_12 = arith.constant 0 : i32
    %dma_wait3A_13 = arith.constant 0 : i32
    %dma_wait3A_14 = tpu.memref_slice %arg2[%dma_wait3A_12, %dma_wait3A_13] : memref<4096x144xf32, #tpu.memory_space<hbm>> -> memref<4096x144xf32, #tpu.memory_space<hbm>>
    tpu.wait_indirect_dma semaphore(%arg7 : memref<!tpu.dma_semaphore, #tpu.memory_space<semaphore_mem>>) src(%dma_wait3A_14 : memref<4096x144xf32, #tpu.memory_space<hbm>>) dst(%arg6 : memref<256x144xf32, #tpu.memory_space<vmem>>)
    %add3A_15 = arith.constant 0 : i32
    %add3A_16 = arith.addi %mul3A_2, %add3A_15 : i32
    "tpu.region"() ({
      %run_scoped3A = tpu.sem_alloc : memref<!tpu.dma_semaphore, #tpu.memory_space<semaphore_mem>>
      %dma_start3A_161 = arith.constant 0 : i32
      %dma_start3A_162 = tpu.memref_slice %arg4[%add3A_16, %dma_start3A_161] : memref<81920x144xf32, #tpu.memory_space<hbm>> -> memref<256x144xf32, #tpu.memory_space<hbm>>
      %dma_start3A_163 = arith.constant 0 : i32
      %dma_start3A_164 = tpu.memref_slice %arg4[%add3A_16, %dma_start3A_163] : memref<81920x144xf32, #tpu.memory_space<hbm>> -> memref<256x144xf32, #tpu.memory_space<hbm>>
      tpu.enqueue_dma source(%arg6 : memref<256x144xf32, #tpu.memory_space<vmem>>) target(%dma_start3A_164 : memref<256x144xf32, #tpu.memory_space<hbm>>) target_semaphore(%run_scoped3A : memref<!tpu.dma_semaphore, #tpu.memory_space<semaphore_mem>>)
      %dma_wait3A_165 = arith.constant 0 : i32
      %dma_wait3A_166 = tpu.memref_slice %arg4[%add3A_16, %dma_wait3A_165] : memref<81920x144xf32, #tpu.memory_space<hbm>> -> memref<256x144xf32, #tpu.memory_space<hbm>>
      %dma_wait3A_167 = arith.constant 0 : i32
      %dma_wait3A_168 = tpu.memref_slice %arg4[%add3A_16, %dma_wait3A_167] : memref<81920x144xf32, #tpu.memory_space<hbm>> -> memref<256x144xf32, #tpu.memory_space<hbm>>
      tpu.wait_dma2 semaphore(%run_scoped3A : memref<!tpu.dma_semaphore, #tpu.memory_space<semaphore_mem>>) src(%arg6 : memref<256x144xf32, #tpu.memory_space<vmem>>) dst(%dma_wait3A_168 : memref<256x144xf32, #tpu.memory_space<hbm>>)
      tpu.yield
    }) : () -> ()
    %dma_start3A_17 = arith.constant 1 : i32
    %dma_start3A_18 = arith.constant 0 : i32
    %dma_start3A_19 = tpu.memref_slice %arg5[%dma_start3A_17, %dma_start3A_18] : memref<10x256xi32, #tpu.memory_space<vmem>> -> memref<1x256xi32, #tpu.memory_space<vmem>>
    %dma_start3A_20 = tpu.memref_squeeze %dma_start3A_19 : memref<1x256xi32, #tpu.memory_space<vmem>> -> memref<256xi32, #tpu.memory_space<vmem>>
    %dma_start3A_21 = arith.constant 0 : i32
    %dma_start3A_22 = arith.constant 0 : i32
    %dma_start3A_23 = tpu.memref_slice %arg2[%dma_start3A_21, %dma_start3A_22] : memref<4096x144xf32, #tpu.memory_space<hbm>> -> memref<4096x144xf32, #tpu.memory_space<hbm>>
    tpu.enqueue_indirect_dma source(%dma_start3A_23 : memref<4096x144xf32, #tpu.memory_space<hbm>>) target(%arg6 : memref<256x144xf32, #tpu.memory_space<vmem>>) offsets(%dma_start3A_20 : memref<256xi32, #tpu.memory_space<vmem>>) semaphore(%arg7 : memref<!tpu.dma_semaphore, #tpu.memory_space<semaphore_mem>>)
    %dma_wait3A_24 = arith.constant 1 : i32
    %dma_wait3A_25 = arith.constant 0 : i32
    %dma_wait3A_26 = tpu.memref_slice %arg5[%dma_wait3A_24, %dma_wait3A_25] : memref<10x256xi32, #tpu.memory_space<vmem>> -> memref<1x256xi32, #tpu.memory_space<vmem>>
    %dma_wait3A_27 = tpu.memref_squeeze %dma_wait3A_26 : memref<1x256xi32, #tpu.memory_space<vmem>> -> memref<256xi32, #tpu.memory_space<vmem>>
    %dma_wait3A_28 = arith.constant 0 : i32
    %dma_wait3A_29 = arith.constant 0 : i32
    %dma_wait3A_30 = tpu.memref_slice %arg2[%dma_wait3A_28, %dma_wait3A_29] : memref<4096x144xf32, #tpu.memory_space<hbm>> -> memref<4096x144xf32, #tpu.memory_space<hbm>>
    tpu.wait_indirect_dma semaphore(%arg7 : memref<!tpu.dma_semaphore, #tpu.memory_space<semaphore_mem>>) src(%dma_wait3A_30 : memref<4096x144xf32, #tpu.memory_space<hbm>>) dst(%arg6 : memref<256x144xf32, #tpu.memory_space<vmem>>)
    %add3A_31 = arith.constant 256 : i32
    %add3A_32 = arith.addi %mul3A_2, %add3A_31 : i32
    "tpu.region"() ({
      %run_scoped3A = tpu.sem_alloc : memref<!tpu.dma_semaphore, #tpu.memory_space<semaphore_mem>>
      %dma_start3A_161 = arith.constant 0 : i32
      %dma_start3A_162 = tpu.memref_slice %arg4[%add3A_32, %dma_start3A_161] : memref<81920x144xf32, #tpu.memory_space<hbm>> -> memref<256x144xf32, #tpu.memory_space<hbm>>
      %dma_start3A_163 = arith.constant 0 : i32
      %dma_start3A_164 = tpu.memref_slice %arg4[%add3A_32, %dma_start3A_163] : memref<81920x144xf32, #tpu.memory_space<hbm>> -> memref<256x144xf32, #tpu.memory_space<hbm>>
      tpu.enqueue_dma source(%arg6 : memref<256x144xf32, #tpu.memory_space<vmem>>) target(%dma_start3A_164 : memref<256x144xf32, #tpu.memory_space<hbm>>) target_semaphore(%run_scoped3A : memref<!tpu.dma_semaphore, #tpu.memory_space<semaphore_mem>>)
      %dma_wait3A_165 = arith.constant 0 : i32
      %dma_wait3A_166 = tpu.memref_slice %arg4[%add3A_32, %dma_wait3A_165] : memref<81920x144xf32, #tpu.memory_space<hbm>> -> memref<256x144xf32, #tpu.memory_space<hbm>>
      %dma_wait3A_167 = arith.constant 0 : i32
      %dma_wait3A_168 = tpu.memref_slice %arg4[%add3A_32, %dma_wait3A_167] : memref<81920x144xf32, #tpu.memory_space<hbm>> -> memref<256x144xf32, #tpu.memory_space<hbm>>
      tpu.wait_dma2 semaphore(%run_scoped3A : memref<!tpu.dma_semaphore, #tpu.memory_space<semaphore_mem>>) src(%arg6 : memref<256x144xf32, #tpu.memory_space<vmem>>) dst(%dma_wait3A_168 : memref<256x144xf32, #tpu.memory_space<hbm>>)
      tpu.yield
    }) : () -> ()
    %dma_start3A_33 = arith.constant 2 : i32
    %dma_start3A_34 = arith.constant 0 : i32
    %dma_start3A_35 = tpu.memref_slice %arg5[%dma_start3A_33, %dma_start3A_34] : memref<10x256xi32, #tpu.memory_space<vmem>> -> memref<1x256xi32, #tpu.memory_space<vmem>>
    %dma_start3A_36 = tpu.memref_squeeze %dma_start3A_35 : memref<1x256xi32, #tpu.memory_space<vmem>> -> memref<256xi32, #tpu.memory_space<vmem>>
    %dma_start3A_37 = arith.constant 0 : i32
    %dma_start3A_38 = arith.constant 0 : i32
    %dma_start3A_39 = tpu.memref_slice %arg2[%dma_start3A_37, %dma_start3A_38] : memref<4096x144xf32, #tpu.memory_space<hbm>> -> memref<4096x144xf32, #tpu.memory_space<hbm>>
    tpu.enqueue_indirect_dma source(%dma_start3A_39 : memref<4096x144xf32, #tpu.memory_space<hbm>>) target(%arg6 : memref<256x144xf32, #tpu.memory_space<vmem>>) offsets(%dma_start3A_36 : memref<256xi32, #tpu.memory_space<vmem>>) semaphore(%arg7 : memref<!tpu.dma_semaphore, #tpu.memory_space<semaphore_mem>>)
    %dma_wait3A_40 = arith.constant 2 : i32
    %dma_wait3A_41 = arith.constant 0 : i32
    %dma_wait3A_42 = tpu.memref_slice %arg5[%dma_wait3A_40, %dma_wait3A_41] : memref<10x256xi32, #tpu.memory_space<vmem>> -> memref<1x256xi32, #tpu.memory_space<vmem>>
    %dma_wait3A_43 = tpu.memref_squeeze %dma_wait3A_42 : memref<1x256xi32, #tpu.memory_space<vmem>> -> memref<256xi32, #tpu.memory_space<vmem>>
    %dma_wait3A_44 = arith.constant 0 : i32
    %dma_wait3A_45 = arith.constant 0 : i32
    %dma_wait3A_46 = tpu.memref_slice %arg2[%dma_wait3A_44, %dma_wait3A_45] : memref<4096x144xf32, #tpu.memory_space<hbm>> -> memref<4096x144xf32, #tpu.memory_space<hbm>>
    tpu.wait_indirect_dma semaphore(%arg7 : memref<!tpu.dma_semaphore, #tpu.memory_space<semaphore_mem>>) src(%dma_wait3A_46 : memref<4096x144xf32, #tpu.memory_space<hbm>>) dst(%arg6 : memref<256x144xf32, #tpu.memory_space<vmem>>)
    %add3A_47 = arith.constant 512 : i32
    %add3A_48 = arith.addi %mul3A_2, %add3A_47 : i32
    "tpu.region"() ({
      %run_scoped3A = tpu.sem_alloc : memref<!tpu.dma_semaphore, #tpu.memory_space<semaphore_mem>>
      %dma_start3A_161 = arith.constant 0 : i32
      %dma_start3A_162 = tpu.memref_slice %arg4[%add3A_48, %dma_start3A_161] : memref<81920x144xf32, #tpu.memory_space<hbm>> -> memref<256x144xf32, #tpu.memory_space<hbm>>
      %dma_start3A_163 = arith.constant 0 : i32
      %dma_start3A_164 = tpu.memref_slice %arg4[%add3A_48, %dma_start3A_163] : memref<81920x144xf32, #tpu.memory_space<hbm>> -> memref<256x144xf32, #tpu.memory_space<hbm>>
      tpu.enqueue_dma source(%arg6 : memref<256x144xf32, #tpu.memory_space<vmem>>) target(%dma_start3A_164 : memref<256x144xf32, #tpu.memory_space<hbm>>) target_semaphore(%run_scoped3A : memref<!tpu.dma_semaphore, #tpu.memory_space<semaphore_mem>>)
      %dma_wait3A_165 = arith.constant 0 : i32
      %dma_wait3A_166 = tpu.memref_slice %arg4[%add3A_48, %dma_wait3A_165] : memref<81920x144xf32, #tpu.memory_space<hbm>> -> memref<256x144xf32, #tpu.memory_space<hbm>>
      %dma_wait3A_167 = arith.constant 0 : i32
      %dma_wait3A_168 = tpu.memref_slice %arg4[%add3A_48, %dma_wait3A_167] : memref<81920x144xf32, #tpu.memory_space<hbm>> -> memref<256x144xf32, #tpu.memory_space<hbm>>
      tpu.wait_dma2 semaphore(%run_scoped3A : memref<!tpu.dma_semaphore, #tpu.memory_space<semaphore_mem>>) src(%arg6 : memref<256x144xf32, #tpu.memory_space<vmem>>) dst(%dma_wait3A_168 : memref<256x144xf32, #tpu.memory_space<hbm>>)
      tpu.yield
    }) : () -> ()
    %dma_start3A_49 = arith.constant 3 : i32
    %dma_start3A_50 = arith.constant 0 : i32
    %dma_start3A_51 = tpu.memref_slice %arg5[%dma_start3A_49, %dma_start3A_50] : memref<10x256xi32, #tpu.memory_space<vmem>> -> memref<1x256xi32, #tpu.memory_space<vmem>>
    %dma_start3A_52 = tpu.memref_squeeze %dma_start3A_51 : memref<1x256xi32, #tpu.memory_space<vmem>> -> memref<256xi32, #tpu.memory_space<vmem>>
    %dma_start3A_53 = arith.constant 0 : i32
    %dma_start3A_54 = arith.constant 0 : i32
    %dma_start3A_55 = tpu.memref_slice %arg2[%dma_start3A_53, %dma_start3A_54] : memref<4096x144xf32, #tpu.memory_space<hbm>> -> memref<4096x144xf32, #tpu.memory_space<hbm>>
    tpu.enqueue_indirect_dma source(%dma_start3A_55 : memref<4096x144xf32, #tpu.memory_space<hbm>>) target(%arg6 : memref<256x144xf32, #tpu.memory_space<vmem>>) offsets(%dma_start3A_52 : memref<256xi32, #tpu.memory_space<vmem>>) semaphore(%arg7 : memref<!tpu.dma_semaphore, #tpu.memory_space<semaphore_mem>>)
    %dma_wait3A_56 = arith.constant 3 : i32
    %dma_wait3A_57 = arith.constant 0 : i32
    %dma_wait3A_58 = tpu.memref_slice %arg5[%dma_wait3A_56, %dma_wait3A_57] : memref<10x256xi32, #tpu.memory_space<vmem>> -> memref<1x256xi32, #tpu.memory_space<vmem>>
    %dma_wait3A_59 = tpu.memref_squeeze %dma_wait3A_58 : memref<1x256xi32, #tpu.memory_space<vmem>> -> memref<256xi32, #tpu.memory_space<vmem>>
    %dma_wait3A_60 = arith.constant 0 : i32
    %dma_wait3A_61 = arith.constant 0 : i32
    %dma_wait3A_62 = tpu.memref_slice %arg2[%dma_wait3A_60, %dma_wait3A_61] : memref<4096x144xf32, #tpu.memory_space<hbm>> -> memref<4096x144xf32, #tpu.memory_space<hbm>>
    tpu.wait_indirect_dma semaphore(%arg7 : memref<!tpu.dma_semaphore, #tpu.memory_space<semaphore_mem>>) src(%dma_wait3A_62 : memref<4096x144xf32, #tpu.memory_space<hbm>>) dst(%arg6 : memref<256x144xf32, #tpu.memory_space<vmem>>)
    %add3A_63 = arith.constant 768 : i32
    %add3A_64 = arith.addi %mul3A_2, %add3A_63 : i32
    "tpu.region"() ({
      %run_scoped3A = tpu.sem_alloc : memref<!tpu.dma_semaphore, #tpu.memory_space<semaphore_mem>>
      %dma_start3A_161 = arith.constant 0 : i32
      %dma_start3A_162 = tpu.memref_slice %arg4[%add3A_64, %dma_start3A_161] : memref<81920x144xf32, #tpu.memory_space<hbm>> -> memref<256x144xf32, #tpu.memory_space<hbm>>
      %dma_start3A_163 = arith.constant 0 : i32
      %dma_start3A_164 = tpu.memref_slice %arg4[%add3A_64, %dma_start3A_163] : memref<81920x144xf32, #tpu.memory_space<hbm>> -> memref<256x144xf32, #tpu.memory_space<hbm>>
      tpu.enqueue_dma source(%arg6 : memref<256x144xf32, #tpu.memory_space<vmem>>) target(%dma_start3A_164 : memref<256x144xf32, #tpu.memory_space<hbm>>) target_semaphore(%run_scoped3A : memref<!tpu.dma_semaphore, #tpu.memory_space<semaphore_mem>>)
      %dma_wait3A_165 = arith.constant 0 : i32
      %dma_wait3A_166 = tpu.memref_slice %arg4[%add3A_64, %dma_wait3A_165] : memref<81920x144xf32, #tpu.memory_space<hbm>> -> memref<256x144xf32, #tpu.memory_space<hbm>>
      %dma_wait3A_167 = arith.constant 0 : i32
      %dma_wait3A_168 = tpu.memref_slice %arg4[%add3A_64, %dma_wait3A_167] : memref<81920x144xf32, #tpu.memory_space<hbm>> -> memref<256x144xf32, #tpu.memory_space<hbm>>
      tpu.wait_dma2 semaphore(%run_scoped3A : memref<!tpu.dma_semaphore, #tpu.memory_space<semaphore_mem>>) src(%arg6 : memref<256x144xf32, #tpu.memory_space<vmem>>) dst(%dma_wait3A_168 : memref<256x144xf32, #tpu.memory_space<hbm>>)
      tpu.yield
    }) : () -> ()
    %dma_start3A_65 = arith.constant 4 : i32
    %dma_start3A_66 = arith.constant 0 : i32
    %dma_start3A_67 = tpu.memref_slice %arg5[%dma_start3A_65, %dma_start3A_66] : memref<10x256xi32, #tpu.memory_space<vmem>> -> memref<1x256xi32, #tpu.memory_space<vmem>>
    %dma_start3A_68 = tpu.memref_squeeze %dma_start3A_67 : memref<1x256xi32, #tpu.memory_space<vmem>> -> memref<256xi32, #tpu.memory_space<vmem>>
    %dma_start3A_69 = arith.constant 0 : i32
    %dma_start3A_70 = arith.constant 0 : i32
    %dma_start3A_71 = tpu.memref_slice %arg2[%dma_start3A_69, %dma_start3A_70] : memref<4096x144xf32, #tpu.memory_space<hbm>> -> memref<4096x144xf32, #tpu.memory_space<hbm>>
    tpu.enqueue_indirect_dma source(%dma_start3A_71 : memref<4096x144xf32, #tpu.memory_space<hbm>>) target(%arg6 : memref<256x144xf32, #tpu.memory_space<vmem>>) offsets(%dma_start3A_68 : memref<256xi32, #tpu.memory_space<vmem>>) semaphore(%arg7 : memref<!tpu.dma_semaphore, #tpu.memory_space<semaphore_mem>>)
    %dma_wait3A_72 = arith.constant 4 : i32
    %dma_wait3A_73 = arith.constant 0 : i32
    %dma_wait3A_74 = tpu.memref_slice %arg5[%dma_wait3A_72, %dma_wait3A_73] : memref<10x256xi32, #tpu.memory_space<vmem>> -> memref<1x256xi32, #tpu.memory_space<vmem>>
    %dma_wait3A_75 = tpu.memref_squeeze %dma_wait3A_74 : memref<1x256xi32, #tpu.memory_space<vmem>> -> memref<256xi32, #tpu.memory_space<vmem>>
    %dma_wait3A_76 = arith.constant 0 : i32
    %dma_wait3A_77 = arith.constant 0 : i32
    %dma_wait3A_78 = tpu.memref_slice %arg2[%dma_wait3A_76, %dma_wait3A_77] : memref<4096x144xf32, #tpu.memory_space<hbm>> -> memref<4096x144xf32, #tpu.memory_space<hbm>>
    tpu.wait_indirect_dma semaphore(%arg7 : memref<!tpu.dma_semaphore, #tpu.memory_space<semaphore_mem>>) src(%dma_wait3A_78 : memref<4096x144xf32, #tpu.memory_space<hbm>>) dst(%arg6 : memref<256x144xf32, #tpu.memory_space<vmem>>)
    %add3A_79 = arith.constant 1024 : i32
    %add3A_80 = arith.addi %mul3A_2, %add3A_79 : i32
    "tpu.region"() ({
      %run_scoped3A = tpu.sem_alloc : memref<!tpu.dma_semaphore, #tpu.memory_space<semaphore_mem>>
      %dma_start3A_161 = arith.constant 0 : i32
      %dma_start3A_162 = tpu.memref_slice %arg4[%add3A_80, %dma_start3A_161] : memref<81920x144xf32, #tpu.memory_space<hbm>> -> memref<256x144xf32, #tpu.memory_space<hbm>>
      %dma_start3A_163 = arith.constant 0 : i32
      %dma_start3A_164 = tpu.memref_slice %arg4[%add3A_80, %dma_start3A_163] : memref<81920x144xf32, #tpu.memory_space<hbm>> -> memref<256x144xf32, #tpu.memory_space<hbm>>
      tpu.enqueue_dma source(%arg6 : memref<256x144xf32, #tpu.memory_space<vmem>>) target(%dma_start3A_164 : memref<256x144xf32, #tpu.memory_space<hbm>>) target_semaphore(%run_scoped3A : memref<!tpu.dma_semaphore, #tpu.memory_space<semaphore_mem>>)
      %dma_wait3A_165 = arith.constant 0 : i32
      %dma_wait3A_166 = tpu.memref_slice %arg4[%add3A_80, %dma_wait3A_165] : memref<81920x144xf32, #tpu.memory_space<hbm>> -> memref<256x144xf32, #tpu.memory_space<hbm>>
      %dma_wait3A_167 = arith.constant 0 : i32
      %dma_wait3A_168 = tpu.memref_slice %arg4[%add3A_80, %dma_wait3A_167] : memref<81920x144xf32, #tpu.memory_space<hbm>> -> memref<256x144xf32, #tpu.memory_space<hbm>>
      tpu.wait_dma2 semaphore(%run_scoped3A : memref<!tpu.dma_semaphore, #tpu.memory_space<semaphore_mem>>) src(%arg6 : memref<256x144xf32, #tpu.memory_space<vmem>>) dst(%dma_wait3A_168 : memref<256x144xf32, #tpu.memory_space<hbm>>)
      tpu.yield
    }) : () -> ()
    %dma_start3A_81 = arith.constant 5 : i32
    %dma_start3A_82 = arith.constant 0 : i32
    %dma_start3A_83 = tpu.memref_slice %arg5[%dma_start3A_81, %dma_start3A_82] : memref<10x256xi32, #tpu.memory_space<vmem>> -> memref<1x256xi32, #tpu.memory_space<vmem>>
    %dma_start3A_84 = tpu.memref_squeeze %dma_start3A_83 : memref<1x256xi32, #tpu.memory_space<vmem>> -> memref<256xi32, #tpu.memory_space<vmem>>
    %dma_start3A_85 = arith.constant 0 : i32
    %dma_start3A_86 = arith.constant 0 : i32
    %dma_start3A_87 = tpu.memref_slice %arg2[%dma_start3A_85, %dma_start3A_86] : memref<4096x144xf32, #tpu.memory_space<hbm>> -> memref<4096x144xf32, #tpu.memory_space<hbm>>
    tpu.enqueue_indirect_dma source(%dma_start3A_87 : memref<4096x144xf32, #tpu.memory_space<hbm>>) target(%arg6 : memref<256x144xf32, #tpu.memory_space<vmem>>) offsets(%dma_start3A_84 : memref<256xi32, #tpu.memory_space<vmem>>) semaphore(%arg7 : memref<!tpu.dma_semaphore, #tpu.memory_space<semaphore_mem>>)
    %dma_wait3A_88 = arith.constant 5 : i32
    %dma_wait3A_89 = arith.constant 0 : i32
    %dma_wait3A_90 = tpu.memref_slice %arg5[%dma_wait3A_88, %dma_wait3A_89] : memref<10x256xi32, #tpu.memory_space<vmem>> -> memref<1x256xi32, #tpu.memory_space<vmem>>
    %dma_wait3A_91 = tpu.memref_squeeze %dma_wait3A_90 : memref<1x256xi32, #tpu.memory_space<vmem>> -> memref<256xi32, #tpu.memory_space<vmem>>
    %dma_wait3A_92 = arith.constant 0 : i32
    %dma_wait3A_93 = arith.constant 0 : i32
    %dma_wait3A_94 = tpu.memref_slice %arg2[%dma_wait3A_92, %dma_wait3A_93] : memref<4096x144xf32, #tpu.memory_space<hbm>> -> memref<4096x144xf32, #tpu.memory_space<hbm>>
    tpu.wait_indirect_dma semaphore(%arg7 : memref<!tpu.dma_semaphore, #tpu.memory_space<semaphore_mem>>) src(%dma_wait3A_94 : memref<4096x144xf32, #tpu.memory_space<hbm>>) dst(%arg6 : memref<256x144xf32, #tpu.memory_space<vmem>>)
    %add3A_95 = arith.constant 1280 : i32
    %add3A_96 = arith.addi %mul3A_2, %add3A_95 : i32
    "tpu.region"() ({
      %run_scoped3A = tpu.sem_alloc : memref<!tpu.dma_semaphore, #tpu.memory_space<semaphore_mem>>
      %dma_start3A_161 = arith.constant 0 : i32
      %dma_start3A_162 = tpu.memref_slice %arg4[%add3A_96, %dma_start3A_161] : memref<81920x144xf32, #tpu.memory_space<hbm>> -> memref<256x144xf32, #tpu.memory_space<hbm>>
      %dma_start3A_163 = arith.constant 0 : i32
      %dma_start3A_164 = tpu.memref_slice %arg4[%add3A_96, %dma_start3A_163] : memref<81920x144xf32, #tpu.memory_space<hbm>> -> memref<256x144xf32, #tpu.memory_space<hbm>>
      tpu.enqueue_dma source(%arg6 : memref<256x144xf32, #tpu.memory_space<vmem>>) target(%dma_start3A_164 : memref<256x144xf32, #tpu.memory_space<hbm>>) target_semaphore(%run_scoped3A : memref<!tpu.dma_semaphore, #tpu.memory_space<semaphore_mem>>)
      %dma_wait3A_165 = arith.constant 0 : i32
      %dma_wait3A_166 = tpu.memref_slice %arg4[%add3A_96, %dma_wait3A_165] : memref<81920x144xf32, #tpu.memory_space<hbm>> -> memref<256x144xf32, #tpu.memory_space<hbm>>
      %dma_wait3A_167 = arith.constant 0 : i32
      %dma_wait3A_168 = tpu.memref_slice %arg4[%add3A_96, %dma_wait3A_167] : memref<81920x144xf32, #tpu.memory_space<hbm>> -> memref<256x144xf32, #tpu.memory_space<hbm>>
      tpu.wait_dma2 semaphore(%run_scoped3A : memref<!tpu.dma_semaphore, #tpu.memory_space<semaphore_mem>>) src(%arg6 : memref<256x144xf32, #tpu.memory_space<vmem>>) dst(%dma_wait3A_168 : memref<256x144xf32, #tpu.memory_space<hbm>>)
      tpu.yield
    }) : () -> ()
    %dma_start3A_97 = arith.constant 6 : i32
    %dma_start3A_98 = arith.constant 0 : i32
    %dma_start3A_99 = tpu.memref_slice %arg5[%dma_start3A_97, %dma_start3A_98] : memref<10x256xi32, #tpu.memory_space<vmem>> -> memref<1x256xi32, #tpu.memory_space<vmem>>
    %dma_start3A_100 = tpu.memref_squeeze %dma_start3A_99 : memref<1x256xi32, #tpu.memory_space<vmem>> -> memref<256xi32, #tpu.memory_space<vmem>>
    %dma_start3A_101 = arith.constant 0 : i32
    %dma_start3A_102 = arith.constant 0 : i32
    %dma_start3A_103 = tpu.memref_slice %arg2[%dma_start3A_101, %dma_start3A_102] : memref<4096x144xf32, #tpu.memory_space<hbm>> -> memref<4096x144xf32, #tpu.memory_space<hbm>>
    tpu.enqueue_indirect_dma source(%dma_start3A_103 : memref<4096x144xf32, #tpu.memory_space<hbm>>) target(%arg6 : memref<256x144xf32, #tpu.memory_space<vmem>>) offsets(%dma_start3A_100 : memref<256xi32, #tpu.memory_space<vmem>>) semaphore(%arg7 : memref<!tpu.dma_semaphore, #tpu.memory_space<semaphore_mem>>)
    %dma_wait3A_104 = arith.constant 6 : i32
    %dma_wait3A_105 = arith.constant 0 : i32
    %dma_wait3A_106 = tpu.memref_slice %arg5[%dma_wait3A_104, %dma_wait3A_105] : memref<10x256xi32, #tpu.memory_space<vmem>> -> memref<1x256xi32, #tpu.memory_space<vmem>>
    %dma_wait3A_107 = tpu.memref_squeeze %dma_wait3A_106 : memref<1x256xi32, #tpu.memory_space<vmem>> -> memref<256xi32, #tpu.memory_space<vmem>>
    %dma_wait3A_108 = arith.constant 0 : i32
    %dma_wait3A_109 = arith.constant 0 : i32
    %dma_wait3A_110 = tpu.memref_slice %arg2[%dma_wait3A_108, %dma_wait3A_109] : memref<4096x144xf32, #tpu.memory_space<hbm>> -> memref<4096x144xf32, #tpu.memory_space<hbm>>
    tpu.wait_indirect_dma semaphore(%arg7 : memref<!tpu.dma_semaphore, #tpu.memory_space<semaphore_mem>>) src(%dma_wait3A_110 : memref<4096x144xf32, #tpu.memory_space<hbm>>) dst(%arg6 : memref<256x144xf32, #tpu.memory_space<vmem>>)
    %add3A_111 = arith.constant 1536 : i32
    %add3A_112 = arith.addi %mul3A_2, %add3A_111 : i32
    "tpu.region"() ({
      %run_scoped3A = tpu.sem_alloc : memref<!tpu.dma_semaphore, #tpu.memory_space<semaphore_mem>>
      %dma_start3A_161 = arith.constant 0 : i32
      %dma_start3A_162 = tpu.memref_slice %arg4[%add3A_112, %dma_start3A_161] : memref<81920x144xf32, #tpu.memory_space<hbm>> -> memref<256x144xf32, #tpu.memory_space<hbm>>
      %dma_start3A_163 = arith.constant 0 : i32
      %dma_start3A_164 = tpu.memref_slice %arg4[%add3A_112, %dma_start3A_163] : memref<81920x144xf32, #tpu.memory_space<hbm>> -> memref<256x144xf32, #tpu.memory_space<hbm>>
      tpu.enqueue_dma source(%arg6 : memref<256x144xf32, #tpu.memory_space<vmem>>) target(%dma_start3A_164 : memref<256x144xf32, #tpu.memory_space<hbm>>) target_semaphore(%run_scoped3A : memref<!tpu.dma_semaphore, #tpu.memory_space<semaphore_mem>>)
      %dma_wait3A_165 = arith.constant 0 : i32
      %dma_wait3A_166 = tpu.memref_slice %arg4[%add3A_112, %dma_wait3A_165] : memref<81920x144xf32, #tpu.memory_space<hbm>> -> memref<256x144xf32, #tpu.memory_space<hbm>>
      %dma_wait3A_167 = arith.constant 0 : i32
      %dma_wait3A_168 = tpu.memref_slice %arg4[%add3A_112, %dma_wait3A_167] : memref<81920x144xf32, #tpu.memory_space<hbm>> -> memref<256x144xf32, #tpu.memory_space<hbm>>
      tpu.wait_dma2 semaphore(%run_scoped3A : memref<!tpu.dma_semaphore, #tpu.memory_space<semaphore_mem>>) src(%arg6 : memref<256x144xf32, #tpu.memory_space<vmem>>) dst(%dma_wait3A_168 : memref<256x144xf32, #tpu.memory_space<hbm>>)
      tpu.yield
    }) : () -> ()
    %dma_start3A_113 = arith.constant 7 : i32
    %dma_start3A_114 = arith.constant 0 : i32
    %dma_start3A_115 = tpu.memref_slice %arg5[%dma_start3A_113, %dma_start3A_114] : memref<10x256xi32, #tpu.memory_space<vmem>> -> memref<1x256xi32, #tpu.memory_space<vmem>>
    %dma_start3A_116 = tpu.memref_squeeze %dma_start3A_115 : memref<1x256xi32, #tpu.memory_space<vmem>> -> memref<256xi32, #tpu.memory_space<vmem>>
    %dma_start3A_117 = arith.constant 0 : i32
    %dma_start3A_118 = arith.constant 0 : i32
    %dma_start3A_119 = tpu.memref_slice %arg2[%dma_start3A_117, %dma_start3A_118] : memref<4096x144xf32, #tpu.memory_space<hbm>> -> memref<4096x144xf32, #tpu.memory_space<hbm>>
    tpu.enqueue_indirect_dma source(%dma_start3A_119 : memref<4096x144xf32, #tpu.memory_space<hbm>>) target(%arg6 : memref<256x144xf32, #tpu.memory_space<vmem>>) offsets(%dma_start3A_116 : memref<256xi32, #tpu.memory_space<vmem>>) semaphore(%arg7 : memref<!tpu.dma_semaphore, #tpu.memory_space<semaphore_mem>>)
    %dma_wait3A_120 = arith.constant 7 : i32
    %dma_wait3A_121 = arith.constant 0 : i32
    %dma_wait3A_122 = tpu.memref_slice %arg5[%dma_wait3A_120, %dma_wait3A_121] : memref<10x256xi32, #tpu.memory_space<vmem>> -> memref<1x256xi32, #tpu.memory_space<vmem>>
    %dma_wait3A_123 = tpu.memref_squeeze %dma_wait3A_122 : memref<1x256xi32, #tpu.memory_space<vmem>> -> memref<256xi32, #tpu.memory_space<vmem>>
    %dma_wait3A_124 = arith.constant 0 : i32
    %dma_wait3A_125 = arith.constant 0 : i32
    %dma_wait3A_126 = tpu.memref_slice %arg2[%dma_wait3A_124, %dma_wait3A_125] : memref<4096x144xf32, #tpu.memory_space<hbm>> -> memref<4096x144xf32, #tpu.memory_space<hbm>>
    tpu.wait_indirect_dma semaphore(%arg7 : memref<!tpu.dma_semaphore, #tpu.memory_space<semaphore_mem>>) src(%dma_wait3A_126 : memref<4096x144xf32, #tpu.memory_space<hbm>>) dst(%arg6 : memref<256x144xf32, #tpu.memory_space<vmem>>)
    %add3A_127 = arith.constant 1792 : i32
    %add3A_128 = arith.addi %mul3A_2, %add3A_127 : i32
    "tpu.region"() ({
      %run_scoped3A = tpu.sem_alloc : memref<!tpu.dma_semaphore, #tpu.memory_space<semaphore_mem>>
      %dma_start3A_161 = arith.constant 0 : i32
      %dma_start3A_162 = tpu.memref_slice %arg4[%add3A_128, %dma_start3A_161] : memref<81920x144xf32, #tpu.memory_space<hbm>> -> memref<256x144xf32, #tpu.memory_space<hbm>>
      %dma_start3A_163 = arith.constant 0 : i32
      %dma_start3A_164 = tpu.memref_slice %arg4[%add3A_128, %dma_start3A_163] : memref<81920x144xf32, #tpu.memory_space<hbm>> -> memref<256x144xf32, #tpu.memory_space<hbm>>
      tpu.enqueue_dma source(%arg6 : memref<256x144xf32, #tpu.memory_space<vmem>>) target(%dma_start3A_164 : memref<256x144xf32, #tpu.memory_space<hbm>>) target_semaphore(%run_scoped3A : memref<!tpu.dma_semaphore, #tpu.memory_space<semaphore_mem>>)
      %dma_wait3A_165 = arith.constant 0 : i32
      %dma_wait3A_166 = tpu.memref_slice %arg4[%add3A_128, %dma_wait3A_165] : memref<81920x144xf32, #tpu.memory_space<hbm>> -> memref<256x144xf32, #tpu.memory_space<hbm>>
      %dma_wait3A_167 = arith.constant 0 : i32
      %dma_wait3A_168 = tpu.memref_slice %arg4[%add3A_128, %dma_wait3A_167] : memref<81920x144xf32, #tpu.memory_space<hbm>> -> memref<256x144xf32, #tpu.memory_space<hbm>>
      tpu.wait_dma2 semaphore(%run_scoped3A : memref<!tpu.dma_semaphore, #tpu.memory_space<semaphore_mem>>) src(%arg6 : memref<256x144xf32, #tpu.memory_space<vmem>>) dst(%dma_wait3A_168 : memref<256x144xf32, #tpu.memory_space<hbm>>)
      tpu.yield
    }) : () -> ()
    %dma_start3A_129 = arith.constant 8 : i32
    %dma_start3A_130 = arith.constant 0 : i32
    %dma_start3A_131 = tpu.memref_slice %arg5[%dma_start3A_129, %dma_start3A_130] : memref<10x256xi32, #tpu.memory_space<vmem>> -> memref<1x256xi32, #tpu.memory_space<vmem>>
    %dma_start3A_132 = tpu.memref_squeeze %dma_start3A_131 : memref<1x256xi32, #tpu.memory_space<vmem>> -> memref<256xi32, #tpu.memory_space<vmem>>
    %dma_start3A_133 = arith.constant 0 : i32
    %dma_start3A_134 = arith.constant 0 : i32
    %dma_start3A_135 = tpu.memref_slice %arg2[%dma_start3A_133, %dma_start3A_134] : memref<4096x144xf32, #tpu.memory_space<hbm>> -> memref<4096x144xf32, #tpu.memory_space<hbm>>
    tpu.enqueue_indirect_dma source(%dma_start3A_135 : memref<4096x144xf32, #tpu.memory_space<hbm>>) target(%arg6 : memref<256x144xf32, #tpu.memory_space<vmem>>) offsets(%dma_start3A_132 : memref<256xi32, #tpu.memory_space<vmem>>) semaphore(%arg7 : memref<!tpu.dma_semaphore, #tpu.memory_space<semaphore_mem>>)
    %dma_wait3A_136 = arith.constant 8 : i32
    %dma_wait3A_137 = arith.constant 0 : i32
    %dma_wait3A_138 = tpu.memref_slice %arg5[%dma_wait3A_136, %dma_wait3A_137] : memref<10x256xi32, #tpu.memory_space<vmem>> -> memref<1x256xi32, #tpu.memory_space<vmem>>
    %dma_wait3A_139 = tpu.memref_squeeze %dma_wait3A_138 : memref<1x256xi32, #tpu.memory_space<vmem>> -> memref<256xi32, #tpu.memory_space<vmem>>
    %dma_wait3A_140 = arith.constant 0 : i32
    %dma_wait3A_141 = arith.constant 0 : i32
    %dma_wait3A_142 = tpu.memref_slice %arg2[%dma_wait3A_140, %dma_wait3A_141] : memref<4096x144xf32, #tpu.memory_space<hbm>> -> memref<4096x144xf32, #tpu.memory_space<hbm>>
    tpu.wait_indirect_dma semaphore(%arg7 : memref<!tpu.dma_semaphore, #tpu.memory_space<semaphore_mem>>) src(%dma_wait3A_142 : memref<4096x144xf32, #tpu.memory_space<hbm>>) dst(%arg6 : memref<256x144xf32, #tpu.memory_space<vmem>>)
    %add3A_143 = arith.constant 2048 : i32
    %add3A_144 = arith.addi %mul3A_2, %add3A_143 : i32
    "tpu.region"() ({
      %run_scoped3A = tpu.sem_alloc : memref<!tpu.dma_semaphore, #tpu.memory_space<semaphore_mem>>
      %dma_start3A_161 = arith.constant 0 : i32
      %dma_start3A_162 = tpu.memref_slice %arg4[%add3A_144, %dma_start3A_161] : memref<81920x144xf32, #tpu.memory_space<hbm>> -> memref<256x144xf32, #tpu.memory_space<hbm>>
      %dma_start3A_163 = arith.constant 0 : i32
      %dma_start3A_164 = tpu.memref_slice %arg4[%add3A_144, %dma_start3A_163] : memref<81920x144xf32, #tpu.memory_space<hbm>> -> memref<256x144xf32, #tpu.memory_space<hbm>>
      tpu.enqueue_dma source(%arg6 : memref<256x144xf32, #tpu.memory_space<vmem>>) target(%dma_start3A_164 : memref<256x144xf32, #tpu.memory_space<hbm>>) target_semaphore(%run_scoped3A : memref<!tpu.dma_semaphore, #tpu.memory_space<semaphore_mem>>)
      %dma_wait3A_165 = arith.constant 0 : i32
      %dma_wait3A_166 = tpu.memref_slice %arg4[%add3A_144, %dma_wait3A_165] : memref<81920x144xf32, #tpu.memory_space<hbm>> -> memref<256x144xf32, #tpu.memory_space<hbm>>
      %dma_wait3A_167 = arith.constant 0 : i32
      %dma_wait3A_168 = tpu.memref_slice %arg4[%add3A_144, %dma_wait3A_167] : memref<81920x144xf32, #tpu.memory_space<hbm>> -> memref<256x144xf32, #tpu.memory_space<hbm>>
      tpu.wait_dma2 semaphore(%run_scoped3A : memref<!tpu.dma_semaphore, #tpu.memory_space<semaphore_mem>>) src(%arg6 : memref<256x144xf32, #tpu.memory_space<vmem>>) dst(%dma_wait3A_168 : memref<256x144xf32, #tpu.memory_space<hbm>>)
      tpu.yield
    }) : () -> ()
    %dma_start3A_145 = arith.constant 9 : i32
    %dma_start3A_146 = arith.constant 0 : i32
    %dma_start3A_147 = tpu.memref_slice %arg5[%dma_start3A_145, %dma_start3A_146] : memref<10x256xi32, #tpu.memory_space<vmem>> -> memref<1x256xi32, #tpu.memory_space<vmem>>
    %dma_start3A_148 = tpu.memref_squeeze %dma_start3A_147 : memref<1x256xi32, #tpu.memory_space<vmem>> -> memref<256xi32, #tpu.memory_space<vmem>>
    %dma_start3A_149 = arith.constant 0 : i32
    %dma_start3A_150 = arith.constant 0 : i32
    %dma_start3A_151 = tpu.memref_slice %arg2[%dma_start3A_149, %dma_start3A_150] : memref<4096x144xf32, #tpu.memory_space<hbm>> -> memref<4096x144xf32, #tpu.memory_space<hbm>>
    tpu.enqueue_indirect_dma source(%dma_start3A_151 : memref<4096x144xf32, #tpu.memory_space<hbm>>) target(%arg6 : memref<256x144xf32, #tpu.memory_space<vmem>>) offsets(%dma_start3A_148 : memref<256xi32, #tpu.memory_space<vmem>>) semaphore(%arg7 : memref<!tpu.dma_semaphore, #tpu.memory_space<semaphore_mem>>)
    %dma_wait3A_152 = arith.constant 9 : i32
    %dma_wait3A_153 = arith.constant 0 : i32
    %dma_wait3A_154 = tpu.memref_slice %arg5[%dma_wait3A_152, %dma_wait3A_153] : memref<10x256xi32, #tpu.memory_space<vmem>> -> memref<1x256xi32, #tpu.memory_space<vmem>>
    %dma_wait3A_155 = tpu.memref_squeeze %dma_wait3A_154 : memref<1x256xi32, #tpu.memory_space<vmem>> -> memref<256xi32, #tpu.memory_space<vmem>>
    %dma_wait3A_156 = arith.constant 0 : i32
    %dma_wait3A_157 = arith.constant 0 : i32
    %dma_wait3A_158 = tpu.memref_slice %arg2[%dma_wait3A_156, %dma_wait3A_157] : memref<4096x144xf32, #tpu.memory_space<hbm>> -> memref<4096x144xf32, #tpu.memory_space<hbm>>
    tpu.wait_indirect_dma semaphore(%arg7 : memref<!tpu.dma_semaphore, #tpu.memory_space<semaphore_mem>>) src(%dma_wait3A_158 : memref<4096x144xf32, #tpu.memory_space<hbm>>) dst(%arg6 : memref<256x144xf32, #tpu.memory_space<vmem>>)
    %add3A_159 = arith.constant 2304 : i32
    %add3A_160 = arith.addi %mul3A_2, %add3A_159 : i32
    "tpu.region"() ({
      %run_scoped3A = tpu.sem_alloc : memref<!tpu.dma_semaphore, #tpu.memory_space<semaphore_mem>>
      %dma_start3A_161 = arith.constant 0 : i32
      %dma_start3A_162 = tpu.memref_slice %arg4[%add3A_160, %dma_start3A_161] : memref<81920x144xf32, #tpu.memory_space<hbm>> -> memref<256x144xf32, #tpu.memory_space<hbm>>
      %dma_start3A_163 = arith.constant 0 : i32
      %dma_start3A_164 = tpu.memref_slice %arg4[%add3A_160, %dma_start3A_163] : memref<81920x144xf32, #tpu.memory_space<hbm>> -> memref<256x144xf32, #tpu.memory_space<hbm>>
      tpu.enqueue_dma source(%arg6 : memref<256x144xf32, #tpu.memory_space<vmem>>) target(%dma_start3A_164 : memref<256x144xf32, #tpu.memory_space<hbm>>) target_semaphore(%run_scoped3A : memref<!tpu.dma_semaphore, #tpu.memory_space<semaphore_mem>>)
      %dma_wait3A_165 = arith.constant 0 : i32
      %dma_wait3A_166 = tpu.memref_slice %arg4[%add3A_160, %dma_wait3A_165] : memref<81920x144xf32, #tpu.memory_space<hbm>> -> memref<256x144xf32, #tpu.memory_space<hbm>>
      %dma_wait3A_167 = arith.constant 0 : i32
      %dma_wait3A_168 = tpu.memref_slice %arg4[%add3A_160, %dma_wait3A_167] : memref<81920x144xf32, #tpu.memory_space<hbm>> -> memref<256x144xf32, #tpu.memory_space<hbm>>
      tpu.wait_dma2 semaphore(%run_scoped3A : memref<!tpu.dma_semaphore, #tpu.memory_space<semaphore_mem>>) src(%arg6 : memref<256x144xf32, #tpu.memory_space<vmem>>) dst(%dma_wait3A_168 : memref<256x144xf32, #tpu.memory_space<hbm>>)
      tpu.yield
    }) : () -> ()
    return
  }
}

#map = affine_map<(d0, d1) -> (0, 0)>
#map1 = affine_map<(d0, d1) -> (0, 0, 0)>
module attributes {stable_mosaic.version = 14 : i64} {
  func.func @_sc_gather_body(%arg0: i32, %arg1: i32, %arg2: memref<4096x144xf32, #tpu.memory_space<hbm>>, %arg3: memref<32x10x256xi32, #tpu.memory_space<hbm>>, %arg4: memref<81920x144xf32, #tpu.memory_space<hbm>>, %arg5: memref<10x256xi32, #tpu.memory_space<vmem>>, %arg6: memref<256x144xf32, #tpu.memory_space<vmem>>, %arg7: memref<!tpu.dma_semaphore, #tpu.memory_space<semaphore_mem>>) attributes {dimension_semantics = [#tpu.dimension_semantics<core_parallel>, #tpu.dimension_semantics<subcore_parallel>], iteration_bounds = array<i64: 2, 16>, scalar_prefetch = 0 : i64, scratch_operands = 3 : i64, tpu.core_type = #tpu.core_type<sc_vector_subcore>, window_params = [{transform_indices = #map}, {transform_indices = #map1}, {transform_indices = #map}]} {
    %mul3A = arith.constant 2 : i32
    %mul3A_0 = arith.muli %arg1, %mul3A : i32
    %add3A = arith.addi %mul3A_0, %arg0 : i32
    %mul3A_1 = arith.constant 2560 : i32
    %mul3A_2 = arith.muli %add3A, %mul3A_1 : i32
    "tpu.region"() ({
      %run_scoped3A = tpu.sem_alloc : memref<!tpu.dma_semaphore, #tpu.memory_space<semaphore_mem>>
      %dma_start3A_161 = arith.constant 0 : i32
      %dma_start3A_162 = arith.constant 0 : i32
      %dma_start3A_163 = tpu.memref_slice %arg3[%add3A, %dma_start3A_161, %dma_start3A_162] : memref<32x10x256xi32, #tpu.memory_space<hbm>> -> memref<1x10x256xi32, #tpu.memory_space<hbm>>
      %dma_start3A_164 = tpu.memref_squeeze %dma_start3A_163 : memref<1x10x256xi32, #tpu.memory_space<hbm>> -> memref<10x256xi32, #tpu.memory_space<hbm>>
      %dma_start3A_165 = arith.constant 0 : i32
      %dma_start3A_166 = arith.constant 0 : i32
      %dma_start3A_167 = tpu.memref_slice %arg3[%add3A, %dma_start3A_165, %dma_start3A_166] : memref<32x10x256xi32, #tpu.memory_space<hbm>> -> memref<1x10x256xi32, #tpu.memory_space<hbm>>
      %dma_start3A_168 = tpu.memref_squeeze %dma_start3A_167 : memref<1x10x256xi32, #tpu.memory_space<hbm>> -> memref<10x256xi32, #tpu.memory_space<hbm>>
      tpu.enqueue_dma source(%dma_start3A_168 : memref<10x256xi32, #tpu.memory_space<hbm>>) target(%arg5 : memref<10x256xi32, #tpu.memory_space<vmem>>) target_semaphore(%run_scoped3A : memref<!tpu.dma_semaphore, #tpu.memory_space<semaphore_mem>>)
      %dma_wait3A_169 = arith.constant 0 : i32
      %dma_wait3A_170 = arith.constant 0 : i32
      %dma_wait3A_171 = tpu.memref_slice %arg3[%add3A, %dma_wait3A_169, %dma_wait3A_170] : memref<32x10x256xi32, #tpu.memory_space<hbm>> -> memref<1x10x256xi32, #tpu.memory_space<hbm>>
      %dma_wait3A_172 = tpu.memref_squeeze %dma_wait3A_171 : memref<1x10x256xi32, #tpu.memory_space<hbm>> -> memref<10x256xi32, #tpu.memory_space<hbm>>
      %dma_wait3A_173 = arith.constant 0 : i32
      %dma_wait3A_174 = arith.constant 0 : i32
      %dma_wait3A_175 = tpu.memref_slice %arg3[%add3A, %dma_wait3A_173, %dma_wait3A_174] : memref<32x10x256xi32, #tpu.memory_space<hbm>> -> memref<1x10x256xi32, #tpu.memory_space<hbm>>
      %dma_wait3A_176 = tpu.memref_squeeze %dma_wait3A_175 : memref<1x10x256xi32, #tpu.memory_space<hbm>> -> memref<10x256xi32, #tpu.memory_space<hbm>>
      tpu.wait_dma2 semaphore(%run_scoped3A : memref<!tpu.dma_semaphore, #tpu.memory_space<semaphore_mem>>) src(%dma_wait3A_176 : memref<10x256xi32, #tpu.memory_space<hbm>>) dst(%arg5 : memref<10x256xi32, #tpu.memory_space<vmem>>)
      tpu.yield
    }) : () -> ()
    %dma_start3A = arith.constant 0 : i32
    %dma_start3A_3 = arith.constant 0 : i32
    %dma_start3A_4 = tpu.memref_slice %arg5[%dma_start3A, %dma_start3A_3] : memref<10x256xi32, #tpu.memory_space<vmem>> -> memref<1x256xi32, #tpu.memory_space<vmem>>
    %dma_start3A_5 = tpu.memref_squeeze %dma_start3A_4 : memref<1x256xi32, #tpu.memory_space<vmem>> -> memref<256xi32, #tpu.memory_space<vmem>>
    %dma_start3A_6 = arith.constant 0 : i32
    %dma_start3A_7 = arith.constant 0 : i32
    %dma_start3A_8 = tpu.memref_slice %arg2[%dma_start3A_6, %dma_start3A_7] : memref<4096x144xf32, #tpu.memory_space<hbm>> -> memref<4096x144xf32, #tpu.memory_space<hbm>>
    tpu.enqueue_indirect_dma source(%dma_start3A_8 : memref<4096x144xf32, #tpu.memory_space<hbm>>) target(%arg6 : memref<256x144xf32, #tpu.memory_space<vmem>>) offsets(%dma_start3A_5 : memref<256xi32, #tpu.memory_space<vmem>>) semaphore(%arg7 : memref<!tpu.dma_semaphore, #tpu.memory_space<semaphore_mem>>)
    %dma_wait3A = arith.constant 0 : i32
    %dma_wait3A_9 = arith.constant 0 : i32
    %dma_wait3A_10 = tpu.memref_slice %arg5[%dma_wait3A, %dma_wait3A_9] : memref<10x256xi32, #tpu.memory_space<vmem>> -> memref<1x256xi32, #tpu.memory_space<vmem>>
    %dma_wait3A_11 = tpu.memref_squeeze %dma_wait3A_10 : memref<1x256xi32, #tpu.memory_space<vmem>> -> memref<256xi32, #tpu.memory_space<vmem>>
    %dma_wait3A_12 = arith.constant 0 : i32
    %dma_wait3A_13 = arith.constant 0 : i32
    %dma_wait3A_14 = tpu.memref_slice %arg2[%dma_wait3A_12, %dma_wait3A_13] : memref<4096x144xf32, #tpu.memory_space<hbm>> -> memref<4096x144xf32, #tpu.memory_space<hbm>>
    tpu.wait_indirect_dma semaphore(%arg7 : memref<!tpu.dma_semaphore, #tpu.memory_space<semaphore_mem>>) src(%dma_wait3A_14 : memref<4096x144xf32, #tpu.memory_space<hbm>>) dst(%arg6 : memref<256x144xf32, #tpu.memory_space<vmem>>)
    %add3A_15 = arith.constant 0 : i32
    %add3A_16 = arith.addi %mul3A_2, %add3A_15 : i32
    "tpu.region"() ({
      %run_scoped3A = tpu.sem_alloc : memref<!tpu.dma_semaphore, #tpu.memory_space<semaphore_mem>>
      %dma_start3A_161 = arith.constant 0 : i32
      %dma_start3A_162 = tpu.memref_slice %arg4[%add3A_16, %dma_start3A_161] : memref<81920x144xf32, #tpu.memory_space<hbm>> -> memref<256x144xf32, #tpu.memory_space<hbm>>
      %dma_start3A_163 = arith.constant 0 : i32
      %dma_start3A_164 = tpu.memref_slice %arg4[%add3A_16, %dma_start3A_163] : memref<81920x144xf32, #tpu.memory_space<hbm>> -> memref<256x144xf32, #tpu.memory_space<hbm>>
      tpu.enqueue_dma source(%arg6 : memref<256x144xf32, #tpu.memory_space<vmem>>) target(%dma_start3A_164 : memref<256x144xf32, #tpu.memory_space<hbm>>) target_semaphore(%run_scoped3A : memref<!tpu.dma_semaphore, #tpu.memory_space<semaphore_mem>>)
      %dma_wait3A_165 = arith.constant 0 : i32
      %dma_wait3A_166 = tpu.memref_slice %arg4[%add3A_16, %dma_wait3A_165] : memref<81920x144xf32, #tpu.memory_space<hbm>> -> memref<256x144xf32, #tpu.memory_space<hbm>>
      %dma_wait3A_167 = arith.constant 0 : i32
      %dma_wait3A_168 = tpu.memref_slice %arg4[%add3A_16, %dma_wait3A_167] : memref<81920x144xf32, #tpu.memory_space<hbm>> -> memref<256x144xf32, #tpu.memory_space<hbm>>
      tpu.wait_dma2 semaphore(%run_scoped3A : memref<!tpu.dma_semaphore, #tpu.memory_space<semaphore_mem>>) src(%arg6 : memref<256x144xf32, #tpu.memory_space<vmem>>) dst(%dma_wait3A_168 : memref<256x144xf32, #tpu.memory_space<hbm>>)
      tpu.yield
    }) : () -> ()
    %dma_start3A_17 = arith.constant 1 : i32
    %dma_start3A_18 = arith.constant 0 : i32
    %dma_start3A_19 = tpu.memref_slice %arg5[%dma_start3A_17, %dma_start3A_18] : memref<10x256xi32, #tpu.memory_space<vmem>> -> memref<1x256xi32, #tpu.memory_space<vmem>>
    %dma_start3A_20 = tpu.memref_squeeze %dma_start3A_19 : memref<1x256xi32, #tpu.memory_space<vmem>> -> memref<256xi32, #tpu.memory_space<vmem>>
    %dma_start3A_21 = arith.constant 0 : i32
    %dma_start3A_22 = arith.constant 0 : i32
    %dma_start3A_23 = tpu.memref_slice %arg2[%dma_start3A_21, %dma_start3A_22] : memref<4096x144xf32, #tpu.memory_space<hbm>> -> memref<4096x144xf32, #tpu.memory_space<hbm>>
    tpu.enqueue_indirect_dma source(%dma_start3A_23 : memref<4096x144xf32, #tpu.memory_space<hbm>>) target(%arg6 : memref<256x144xf32, #tpu.memory_space<vmem>>) offsets(%dma_start3A_20 : memref<256xi32, #tpu.memory_space<vmem>>) semaphore(%arg7 : memref<!tpu.dma_semaphore, #tpu.memory_space<semaphore_mem>>)
    %dma_wait3A_24 = arith.constant 1 : i32
    %dma_wait3A_25 = arith.constant 0 : i32
    %dma_wait3A_26 = tpu.memref_slice %arg5[%dma_wait3A_24, %dma_wait3A_25] : memref<10x256xi32, #tpu.memory_space<vmem>> -> memref<1x256xi32, #tpu.memory_space<vmem>>
    %dma_wait3A_27 = tpu.memref_squeeze %dma_wait3A_26 : memref<1x256xi32, #tpu.memory_space<vmem>> -> memref<256xi32, #tpu.memory_space<vmem>>
    %dma_wait3A_28 = arith.constant 0 : i32
    %dma_wait3A_29 = arith.constant 0 : i32
    %dma_wait3A_30 = tpu.memref_slice %arg2[%dma_wait3A_28, %dma_wait3A_29] : memref<4096x144xf32, #tpu.memory_space<hbm>> -> memref<4096x144xf32, #tpu.memory_space<hbm>>
    tpu.wait_indirect_dma semaphore(%arg7 : memref<!tpu.dma_semaphore, #tpu.memory_space<semaphore_mem>>) src(%dma_wait3A_30 : memref<4096x144xf32, #tpu.memory_space<hbm>>) dst(%arg6 : memref<256x144xf32, #tpu.memory_space<vmem>>)
    %add3A_31 = arith.constant 256 : i32
    %add3A_32 = arith.addi %mul3A_2, %add3A_31 : i32
    "tpu.region"() ({
      %run_scoped3A = tpu.sem_alloc : memref<!tpu.dma_semaphore, #tpu.memory_space<semaphore_mem>>
      %dma_start3A_161 = arith.constant 0 : i32
      %dma_start3A_162 = tpu.memref_slice %arg4[%add3A_32, %dma_start3A_161] : memref<81920x144xf32, #tpu.memory_space<hbm>> -> memref<256x144xf32, #tpu.memory_space<hbm>>
      %dma_start3A_163 = arith.constant 0 : i32
      %dma_start3A_164 = tpu.memref_slice %arg4[%add3A_32, %dma_start3A_163] : memref<81920x144xf32, #tpu.memory_space<hbm>> -> memref<256x144xf32, #tpu.memory_space<hbm>>
      tpu.enqueue_dma source(%arg6 : memref<256x144xf32, #tpu.memory_space<vmem>>) target(%dma_start3A_164 : memref<256x144xf32, #tpu.memory_space<hbm>>) target_semaphore(%run_scoped3A : memref<!tpu.dma_semaphore, #tpu.memory_space<semaphore_mem>>)
      %dma_wait3A_165 = arith.constant 0 : i32
      %dma_wait3A_166 = tpu.memref_slice %arg4[%add3A_32, %dma_wait3A_165] : memref<81920x144xf32, #tpu.memory_space<hbm>> -> memref<256x144xf32, #tpu.memory_space<hbm>>
      %dma_wait3A_167 = arith.constant 0 : i32
      %dma_wait3A_168 = tpu.memref_slice %arg4[%add3A_32, %dma_wait3A_167] : memref<81920x144xf32, #tpu.memory_space<hbm>> -> memref<256x144xf32, #tpu.memory_space<hbm>>
      tpu.wait_dma2 semaphore(%run_scoped3A : memref<!tpu.dma_semaphore, #tpu.memory_space<semaphore_mem>>) src(%arg6 : memref<256x144xf32, #tpu.memory_space<vmem>>) dst(%dma_wait3A_168 : memref<256x144xf32, #tpu.memory_space<hbm>>)
      tpu.yield
    }) : () -> ()
    %dma_start3A_33 = arith.constant 2 : i32
    %dma_start3A_34 = arith.constant 0 : i32
    %dma_start3A_35 = tpu.memref_slice %arg5[%dma_start3A_33, %dma_start3A_34] : memref<10x256xi32, #tpu.memory_space<vmem>> -> memref<1x256xi32, #tpu.memory_space<vmem>>
    %dma_start3A_36 = tpu.memref_squeeze %dma_start3A_35 : memref<1x256xi32, #tpu.memory_space<vmem>> -> memref<256xi32, #tpu.memory_space<vmem>>
    %dma_start3A_37 = arith.constant 0 : i32
    %dma_start3A_38 = arith.constant 0 : i32
    %dma_start3A_39 = tpu.memref_slice %arg2[%dma_start3A_37, %dma_start3A_38] : memref<4096x144xf32, #tpu.memory_space<hbm>> -> memref<4096x144xf32, #tpu.memory_space<hbm>>
    tpu.enqueue_indirect_dma source(%dma_start3A_39 : memref<4096x144xf32, #tpu.memory_space<hbm>>) target(%arg6 : memref<256x144xf32, #tpu.memory_space<vmem>>) offsets(%dma_start3A_36 : memref<256xi32, #tpu.memory_space<vmem>>) semaphore(%arg7 : memref<!tpu.dma_semaphore, #tpu.memory_space<semaphore_mem>>)
    %dma_wait3A_40 = arith.constant 2 : i32
    %dma_wait3A_41 = arith.constant 0 : i32
    %dma_wait3A_42 = tpu.memref_slice %arg5[%dma_wait3A_40, %dma_wait3A_41] : memref<10x256xi32, #tpu.memory_space<vmem>> -> memref<1x256xi32, #tpu.memory_space<vmem>>
    %dma_wait3A_43 = tpu.memref_squeeze %dma_wait3A_42 : memref<1x256xi32, #tpu.memory_space<vmem>> -> memref<256xi32, #tpu.memory_space<vmem>>
    %dma_wait3A_44 = arith.constant 0 : i32
    %dma_wait3A_45 = arith.constant 0 : i32
    %dma_wait3A_46 = tpu.memref_slice %arg2[%dma_wait3A_44, %dma_wait3A_45] : memref<4096x144xf32, #tpu.memory_space<hbm>> -> memref<4096x144xf32, #tpu.memory_space<hbm>>
    tpu.wait_indirect_dma semaphore(%arg7 : memref<!tpu.dma_semaphore, #tpu.memory_space<semaphore_mem>>) src(%dma_wait3A_46 : memref<4096x144xf32, #tpu.memory_space<hbm>>) dst(%arg6 : memref<256x144xf32, #tpu.memory_space<vmem>>)
    %add3A_47 = arith.constant 512 : i32
    %add3A_48 = arith.addi %mul3A_2, %add3A_47 : i32
    "tpu.region"() ({
      %run_scoped3A = tpu.sem_alloc : memref<!tpu.dma_semaphore, #tpu.memory_space<semaphore_mem>>
      %dma_start3A_161 = arith.constant 0 : i32
      %dma_start3A_162 = tpu.memref_slice %arg4[%add3A_48, %dma_start3A_161] : memref<81920x144xf32, #tpu.memory_space<hbm>> -> memref<256x144xf32, #tpu.memory_space<hbm>>
      %dma_start3A_163 = arith.constant 0 : i32
      %dma_start3A_164 = tpu.memref_slice %arg4[%add3A_48, %dma_start3A_163] : memref<81920x144xf32, #tpu.memory_space<hbm>> -> memref<256x144xf32, #tpu.memory_space<hbm>>
      tpu.enqueue_dma source(%arg6 : memref<256x144xf32, #tpu.memory_space<vmem>>) target(%dma_start3A_164 : memref<256x144xf32, #tpu.memory_space<hbm>>) target_semaphore(%run_scoped3A : memref<!tpu.dma_semaphore, #tpu.memory_space<semaphore_mem>>)
      %dma_wait3A_165 = arith.constant 0 : i32
      %dma_wait3A_166 = tpu.memref_slice %arg4[%add3A_48, %dma_wait3A_165] : memref<81920x144xf32, #tpu.memory_space<hbm>> -> memref<256x144xf32, #tpu.memory_space<hbm>>
      %dma_wait3A_167 = arith.constant 0 : i32
      %dma_wait3A_168 = tpu.memref_slice %arg4[%add3A_48, %dma_wait3A_167] : memref<81920x144xf32, #tpu.memory_space<hbm>> -> memref<256x144xf32, #tpu.memory_space<hbm>>
      tpu.wait_dma2 semaphore(%run_scoped3A : memref<!tpu.dma_semaphore, #tpu.memory_space<semaphore_mem>>) src(%arg6 : memref<256x144xf32, #tpu.memory_space<vmem>>) dst(%dma_wait3A_168 : memref<256x144xf32, #tpu.memory_space<hbm>>)
      tpu.yield
    }) : () -> ()
    %dma_start3A_49 = arith.constant 3 : i32
    %dma_start3A_50 = arith.constant 0 : i32
    %dma_start3A_51 = tpu.memref_slice %arg5[%dma_start3A_49, %dma_start3A_50] : memref<10x256xi32, #tpu.memory_space<vmem>> -> memref<1x256xi32, #tpu.memory_space<vmem>>
    %dma_start3A_52 = tpu.memref_squeeze %dma_start3A_51 : memref<1x256xi32, #tpu.memory_space<vmem>> -> memref<256xi32, #tpu.memory_space<vmem>>
    %dma_start3A_53 = arith.constant 0 : i32
    %dma_start3A_54 = arith.constant 0 : i32
    %dma_start3A_55 = tpu.memref_slice %arg2[%dma_start3A_53, %dma_start3A_54] : memref<4096x144xf32, #tpu.memory_space<hbm>> -> memref<4096x144xf32, #tpu.memory_space<hbm>>
    tpu.enqueue_indirect_dma source(%dma_start3A_55 : memref<4096x144xf32, #tpu.memory_space<hbm>>) target(%arg6 : memref<256x144xf32, #tpu.memory_space<vmem>>) offsets(%dma_start3A_52 : memref<256xi32, #tpu.memory_space<vmem>>) semaphore(%arg7 : memref<!tpu.dma_semaphore, #tpu.memory_space<semaphore_mem>>)
    %dma_wait3A_56 = arith.constant 3 : i32
    %dma_wait3A_57 = arith.constant 0 : i32
    %dma_wait3A_58 = tpu.memref_slice %arg5[%dma_wait3A_56, %dma_wait3A_57] : memref<10x256xi32, #tpu.memory_space<vmem>> -> memref<1x256xi32, #tpu.memory_space<vmem>>
    %dma_wait3A_59 = tpu.memref_squeeze %dma_wait3A_58 : memref<1x256xi32, #tpu.memory_space<vmem>> -> memref<256xi32, #tpu.memory_space<vmem>>
    %dma_wait3A_60 = arith.constant 0 : i32
    %dma_wait3A_61 = arith.constant 0 : i32
    %dma_wait3A_62 = tpu.memref_slice %arg2[%dma_wait3A_60, %dma_wait3A_61] : memref<4096x144xf32, #tpu.memory_space<hbm>> -> memref<4096x144xf32, #tpu.memory_space<hbm>>
    tpu.wait_indirect_dma semaphore(%arg7 : memref<!tpu.dma_semaphore, #tpu.memory_space<semaphore_mem>>) src(%dma_wait3A_62 : memref<4096x144xf32, #tpu.memory_space<hbm>>) dst(%arg6 : memref<256x144xf32, #tpu.memory_space<vmem>>)
    %add3A_63 = arith.constant 768 : i32
    %add3A_64 = arith.addi %mul3A_2, %add3A_63 : i32
    "tpu.region"() ({
      %run_scoped3A = tpu.sem_alloc : memref<!tpu.dma_semaphore, #tpu.memory_space<semaphore_mem>>
      %dma_start3A_161 = arith.constant 0 : i32
      %dma_start3A_162 = tpu.memref_slice %arg4[%add3A_64, %dma_start3A_161] : memref<81920x144xf32, #tpu.memory_space<hbm>> -> memref<256x144xf32, #tpu.memory_space<hbm>>
      %dma_start3A_163 = arith.constant 0 : i32
      %dma_start3A_164 = tpu.memref_slice %arg4[%add3A_64, %dma_start3A_163] : memref<81920x144xf32, #tpu.memory_space<hbm>> -> memref<256x144xf32, #tpu.memory_space<hbm>>
      tpu.enqueue_dma source(%arg6 : memref<256x144xf32, #tpu.memory_space<vmem>>) target(%dma_start3A_164 : memref<256x144xf32, #tpu.memory_space<hbm>>) target_semaphore(%run_scoped3A : memref<!tpu.dma_semaphore, #tpu.memory_space<semaphore_mem>>)
      %dma_wait3A_165 = arith.constant 0 : i32
      %dma_wait3A_166 = tpu.memref_slice %arg4[%add3A_64, %dma_wait3A_165] : memref<81920x144xf32, #tpu.memory_space<hbm>> -> memref<256x144xf32, #tpu.memory_space<hbm>>
      %dma_wait3A_167 = arith.constant 0 : i32
      %dma_wait3A_168 = tpu.memref_slice %arg4[%add3A_64, %dma_wait3A_167] : memref<81920x144xf32, #tpu.memory_space<hbm>> -> memref<256x144xf32, #tpu.memory_space<hbm>>
      tpu.wait_dma2 semaphore(%run_scoped3A : memref<!tpu.dma_semaphore, #tpu.memory_space<semaphore_mem>>) src(%arg6 : memref<256x144xf32, #tpu.memory_space<vmem>>) dst(%dma_wait3A_168 : memref<256x144xf32, #tpu.memory_space<hbm>>)
      tpu.yield
    }) : () -> ()
    %dma_start3A_65 = arith.constant 4 : i32
    %dma_start3A_66 = arith.constant 0 : i32
    %dma_start3A_67 = tpu.memref_slice %arg5[%dma_start3A_65, %dma_start3A_66] : memref<10x256xi32, #tpu.memory_space<vmem>> -> memref<1x256xi32, #tpu.memory_space<vmem>>
    %dma_start3A_68 = tpu.memref_squeeze %dma_start3A_67 : memref<1x256xi32, #tpu.memory_space<vmem>> -> memref<256xi32, #tpu.memory_space<vmem>>
    %dma_start3A_69 = arith.constant 0 : i32
    %dma_start3A_70 = arith.constant 0 : i32
    %dma_start3A_71 = tpu.memref_slice %arg2[%dma_start3A_69, %dma_start3A_70] : memref<4096x144xf32, #tpu.memory_space<hbm>> -> memref<4096x144xf32, #tpu.memory_space<hbm>>
    tpu.enqueue_indirect_dma source(%dma_start3A_71 : memref<4096x144xf32, #tpu.memory_space<hbm>>) target(%arg6 : memref<256x144xf32, #tpu.memory_space<vmem>>) offsets(%dma_start3A_68 : memref<256xi32, #tpu.memory_space<vmem>>) semaphore(%arg7 : memref<!tpu.dma_semaphore, #tpu.memory_space<semaphore_mem>>)
    %dma_wait3A_72 = arith.constant 4 : i32
    %dma_wait3A_73 = arith.constant 0 : i32
    %dma_wait3A_74 = tpu.memref_slice %arg5[%dma_wait3A_72, %dma_wait3A_73] : memref<10x256xi32, #tpu.memory_space<vmem>> -> memref<1x256xi32, #tpu.memory_space<vmem>>
    %dma_wait3A_75 = tpu.memref_squeeze %dma_wait3A_74 : memref<1x256xi32, #tpu.memory_space<vmem>> -> memref<256xi32, #tpu.memory_space<vmem>>
    %dma_wait3A_76 = arith.constant 0 : i32
    %dma_wait3A_77 = arith.constant 0 : i32
    %dma_wait3A_78 = tpu.memref_slice %arg2[%dma_wait3A_76, %dma_wait3A_77] : memref<4096x144xf32, #tpu.memory_space<hbm>> -> memref<4096x144xf32, #tpu.memory_space<hbm>>
    tpu.wait_indirect_dma semaphore(%arg7 : memref<!tpu.dma_semaphore, #tpu.memory_space<semaphore_mem>>) src(%dma_wait3A_78 : memref<4096x144xf32, #tpu.memory_space<hbm>>) dst(%arg6 : memref<256x144xf32, #tpu.memory_space<vmem>>)
    %add3A_79 = arith.constant 1024 : i32
    %add3A_80 = arith.addi %mul3A_2, %add3A_79 : i32
    "tpu.region"() ({
      %run_scoped3A = tpu.sem_alloc : memref<!tpu.dma_semaphore, #tpu.memory_space<semaphore_mem>>
      %dma_start3A_161 = arith.constant 0 : i32
      %dma_start3A_162 = tpu.memref_slice %arg4[%add3A_80, %dma_start3A_161] : memref<81920x144xf32, #tpu.memory_space<hbm>> -> memref<256x144xf32, #tpu.memory_space<hbm>>
      %dma_start3A_163 = arith.constant 0 : i32
      %dma_start3A_164 = tpu.memref_slice %arg4[%add3A_80, %dma_start3A_163] : memref<81920x144xf32, #tpu.memory_space<hbm>> -> memref<256x144xf32, #tpu.memory_space<hbm>>
      tpu.enqueue_dma source(%arg6 : memref<256x144xf32, #tpu.memory_space<vmem>>) target(%dma_start3A_164 : memref<256x144xf32, #tpu.memory_space<hbm>>) target_semaphore(%run_scoped3A : memref<!tpu.dma_semaphore, #tpu.memory_space<semaphore_mem>>)
      %dma_wait3A_165 = arith.constant 0 : i32
      %dma_wait3A_166 = tpu.memref_slice %arg4[%add3A_80, %dma_wait3A_165] : memref<81920x144xf32, #tpu.memory_space<hbm>> -> memref<256x144xf32, #tpu.memory_space<hbm>>
      %dma_wait3A_167 = arith.constant 0 : i32
      %dma_wait3A_168 = tpu.memref_slice %arg4[%add3A_80, %dma_wait3A_167] : memref<81920x144xf32, #tpu.memory_space<hbm>> -> memref<256x144xf32, #tpu.memory_space<hbm>>
      tpu.wait_dma2 semaphore(%run_scoped3A : memref<!tpu.dma_semaphore, #tpu.memory_space<semaphore_mem>>) src(%arg6 : memref<256x144xf32, #tpu.memory_space<vmem>>) dst(%dma_wait3A_168 : memref<256x144xf32, #tpu.memory_space<hbm>>)
      tpu.yield
    }) : () -> ()
    %dma_start3A_81 = arith.constant 5 : i32
    %dma_start3A_82 = arith.constant 0 : i32
    %dma_start3A_83 = tpu.memref_slice %arg5[%dma_start3A_81, %dma_start3A_82] : memref<10x256xi32, #tpu.memory_space<vmem>> -> memref<1x256xi32, #tpu.memory_space<vmem>>
    %dma_start3A_84 = tpu.memref_squeeze %dma_start3A_83 : memref<1x256xi32, #tpu.memory_space<vmem>> -> memref<256xi32, #tpu.memory_space<vmem>>
    %dma_start3A_85 = arith.constant 0 : i32
    %dma_start3A_86 = arith.constant 0 : i32
    %dma_start3A_87 = tpu.memref_slice %arg2[%dma_start3A_85, %dma_start3A_86] : memref<4096x144xf32, #tpu.memory_space<hbm>> -> memref<4096x144xf32, #tpu.memory_space<hbm>>
    tpu.enqueue_indirect_dma source(%dma_start3A_87 : memref<4096x144xf32, #tpu.memory_space<hbm>>) target(%arg6 : memref<256x144xf32, #tpu.memory_space<vmem>>) offsets(%dma_start3A_84 : memref<256xi32, #tpu.memory_space<vmem>>) semaphore(%arg7 : memref<!tpu.dma_semaphore, #tpu.memory_space<semaphore_mem>>)
    %dma_wait3A_88 = arith.constant 5 : i32
    %dma_wait3A_89 = arith.constant 0 : i32
    %dma_wait3A_90 = tpu.memref_slice %arg5[%dma_wait3A_88, %dma_wait3A_89] : memref<10x256xi32, #tpu.memory_space<vmem>> -> memref<1x256xi32, #tpu.memory_space<vmem>>
    %dma_wait3A_91 = tpu.memref_squeeze %dma_wait3A_90 : memref<1x256xi32, #tpu.memory_space<vmem>> -> memref<256xi32, #tpu.memory_space<vmem>>
    %dma_wait3A_92 = arith.constant 0 : i32
    %dma_wait3A_93 = arith.constant 0 : i32
    %dma_wait3A_94 = tpu.memref_slice %arg2[%dma_wait3A_92, %dma_wait3A_93] : memref<4096x144xf32, #tpu.memory_space<hbm>> -> memref<4096x144xf32, #tpu.memory_space<hbm>>
    tpu.wait_indirect_dma semaphore(%arg7 : memref<!tpu.dma_semaphore, #tpu.memory_space<semaphore_mem>>) src(%dma_wait3A_94 : memref<4096x144xf32, #tpu.memory_space<hbm>>) dst(%arg6 : memref<256x144xf32, #tpu.memory_space<vmem>>)
    %add3A_95 = arith.constant 1280 : i32
    %add3A_96 = arith.addi %mul3A_2, %add3A_95 : i32
    "tpu.region"() ({
      %run_scoped3A = tpu.sem_alloc : memref<!tpu.dma_semaphore, #tpu.memory_space<semaphore_mem>>
      %dma_start3A_161 = arith.constant 0 : i32
      %dma_start3A_162 = tpu.memref_slice %arg4[%add3A_96, %dma_start3A_161] : memref<81920x144xf32, #tpu.memory_space<hbm>> -> memref<256x144xf32, #tpu.memory_space<hbm>>
      %dma_start3A_163 = arith.constant 0 : i32
      %dma_start3A_164 = tpu.memref_slice %arg4[%add3A_96, %dma_start3A_163] : memref<81920x144xf32, #tpu.memory_space<hbm>> -> memref<256x144xf32, #tpu.memory_space<hbm>>
      tpu.enqueue_dma source(%arg6 : memref<256x144xf32, #tpu.memory_space<vmem>>) target(%dma_start3A_164 : memref<256x144xf32, #tpu.memory_space<hbm>>) target_semaphore(%run_scoped3A : memref<!tpu.dma_semaphore, #tpu.memory_space<semaphore_mem>>)
      %dma_wait3A_165 = arith.constant 0 : i32
      %dma_wait3A_166 = tpu.memref_slice %arg4[%add3A_96, %dma_wait3A_165] : memref<81920x144xf32, #tpu.memory_space<hbm>> -> memref<256x144xf32, #tpu.memory_space<hbm>>
      %dma_wait3A_167 = arith.constant 0 : i32
      %dma_wait3A_168 = tpu.memref_slice %arg4[%add3A_96, %dma_wait3A_167] : memref<81920x144xf32, #tpu.memory_space<hbm>> -> memref<256x144xf32, #tpu.memory_space<hbm>>
      tpu.wait_dma2 semaphore(%run_scoped3A : memref<!tpu.dma_semaphore, #tpu.memory_space<semaphore_mem>>) src(%arg6 : memref<256x144xf32, #tpu.memory_space<vmem>>) dst(%dma_wait3A_168 : memref<256x144xf32, #tpu.memory_space<hbm>>)
      tpu.yield
    }) : () -> ()
    %dma_start3A_97 = arith.constant 6 : i32
    %dma_start3A_98 = arith.constant 0 : i32
    %dma_start3A_99 = tpu.memref_slice %arg5[%dma_start3A_97, %dma_start3A_98] : memref<10x256xi32, #tpu.memory_space<vmem>> -> memref<1x256xi32, #tpu.memory_space<vmem>>
    %dma_start3A_100 = tpu.memref_squeeze %dma_start3A_99 : memref<1x256xi32, #tpu.memory_space<vmem>> -> memref<256xi32, #tpu.memory_space<vmem>>
    %dma_start3A_101 = arith.constant 0 : i32
    %dma_start3A_102 = arith.constant 0 : i32
    %dma_start3A_103 = tpu.memref_slice %arg2[%dma_start3A_101, %dma_start3A_102] : memref<4096x144xf32, #tpu.memory_space<hbm>> -> memref<4096x144xf32, #tpu.memory_space<hbm>>
    tpu.enqueue_indirect_dma source(%dma_start3A_103 : memref<4096x144xf32, #tpu.memory_space<hbm>>) target(%arg6 : memref<256x144xf32, #tpu.memory_space<vmem>>) offsets(%dma_start3A_100 : memref<256xi32, #tpu.memory_space<vmem>>) semaphore(%arg7 : memref<!tpu.dma_semaphore, #tpu.memory_space<semaphore_mem>>)
    %dma_wait3A_104 = arith.constant 6 : i32
    %dma_wait3A_105 = arith.constant 0 : i32
    %dma_wait3A_106 = tpu.memref_slice %arg5[%dma_wait3A_104, %dma_wait3A_105] : memref<10x256xi32, #tpu.memory_space<vmem>> -> memref<1x256xi32, #tpu.memory_space<vmem>>
    %dma_wait3A_107 = tpu.memref_squeeze %dma_wait3A_106 : memref<1x256xi32, #tpu.memory_space<vmem>> -> memref<256xi32, #tpu.memory_space<vmem>>
    %dma_wait3A_108 = arith.constant 0 : i32
    %dma_wait3A_109 = arith.constant 0 : i32
    %dma_wait3A_110 = tpu.memref_slice %arg2[%dma_wait3A_108, %dma_wait3A_109] : memref<4096x144xf32, #tpu.memory_space<hbm>> -> memref<4096x144xf32, #tpu.memory_space<hbm>>
    tpu.wait_indirect_dma semaphore(%arg7 : memref<!tpu.dma_semaphore, #tpu.memory_space<semaphore_mem>>) src(%dma_wait3A_110 : memref<4096x144xf32, #tpu.memory_space<hbm>>) dst(%arg6 : memref<256x144xf32, #tpu.memory_space<vmem>>)
    %add3A_111 = arith.constant 1536 : i32
    %add3A_112 = arith.addi %mul3A_2, %add3A_111 : i32
    "tpu.region"() ({
      %run_scoped3A = tpu.sem_alloc : memref<!tpu.dma_semaphore, #tpu.memory_space<semaphore_mem>>
      %dma_start3A_161 = arith.constant 0 : i32
      %dma_start3A_162 = tpu.memref_slice %arg4[%add3A_112, %dma_start3A_161] : memref<81920x144xf32, #tpu.memory_space<hbm>> -> memref<256x144xf32, #tpu.memory_space<hbm>>
      %dma_start3A_163 = arith.constant 0 : i32
      %dma_start3A_164 = tpu.memref_slice %arg4[%add3A_112, %dma_start3A_163] : memref<81920x144xf32, #tpu.memory_space<hbm>> -> memref<256x144xf32, #tpu.memory_space<hbm>>
      tpu.enqueue_dma source(%arg6 : memref<256x144xf32, #tpu.memory_space<vmem>>) target(%dma_start3A_164 : memref<256x144xf32, #tpu.memory_space<hbm>>) target_semaphore(%run_scoped3A : memref<!tpu.dma_semaphore, #tpu.memory_space<semaphore_mem>>)
      %dma_wait3A_165 = arith.constant 0 : i32
      %dma_wait3A_166 = tpu.memref_slice %arg4[%add3A_112, %dma_wait3A_165] : memref<81920x144xf32, #tpu.memory_space<hbm>> -> memref<256x144xf32, #tpu.memory_space<hbm>>
      %dma_wait3A_167 = arith.constant 0 : i32
      %dma_wait3A_168 = tpu.memref_slice %arg4[%add3A_112, %dma_wait3A_167] : memref<81920x144xf32, #tpu.memory_space<hbm>> -> memref<256x144xf32, #tpu.memory_space<hbm>>
      tpu.wait_dma2 semaphore(%run_scoped3A : memref<!tpu.dma_semaphore, #tpu.memory_space<semaphore_mem>>) src(%arg6 : memref<256x144xf32, #tpu.memory_space<vmem>>) dst(%dma_wait3A_168 : memref<256x144xf32, #tpu.memory_space<hbm>>)
      tpu.yield
    }) : () -> ()
    %dma_start3A_113 = arith.constant 7 : i32
    %dma_start3A_114 = arith.constant 0 : i32
    %dma_start3A_115 = tpu.memref_slice %arg5[%dma_start3A_113, %dma_start3A_114] : memref<10x256xi32, #tpu.memory_space<vmem>> -> memref<1x256xi32, #tpu.memory_space<vmem>>
    %dma_start3A_116 = tpu.memref_squeeze %dma_start3A_115 : memref<1x256xi32, #tpu.memory_space<vmem>> -> memref<256xi32, #tpu.memory_space<vmem>>
    %dma_start3A_117 = arith.constant 0 : i32
    %dma_start3A_118 = arith.constant 0 : i32
    %dma_start3A_119 = tpu.memref_slice %arg2[%dma_start3A_117, %dma_start3A_118] : memref<4096x144xf32, #tpu.memory_space<hbm>> -> memref<4096x144xf32, #tpu.memory_space<hbm>>
    tpu.enqueue_indirect_dma source(%dma_start3A_119 : memref<4096x144xf32, #tpu.memory_space<hbm>>) target(%arg6 : memref<256x144xf32, #tpu.memory_space<vmem>>) offsets(%dma_start3A_116 : memref<256xi32, #tpu.memory_space<vmem>>) semaphore(%arg7 : memref<!tpu.dma_semaphore, #tpu.memory_space<semaphore_mem>>)
    %dma_wait3A_120 = arith.constant 7 : i32
    %dma_wait3A_121 = arith.constant 0 : i32
    %dma_wait3A_122 = tpu.memref_slice %arg5[%dma_wait3A_120, %dma_wait3A_121] : memref<10x256xi32, #tpu.memory_space<vmem>> -> memref<1x256xi32, #tpu.memory_space<vmem>>
    %dma_wait3A_123 = tpu.memref_squeeze %dma_wait3A_122 : memref<1x256xi32, #tpu.memory_space<vmem>> -> memref<256xi32, #tpu.memory_space<vmem>>
    %dma_wait3A_124 = arith.constant 0 : i32
    %dma_wait3A_125 = arith.constant 0 : i32
    %dma_wait3A_126 = tpu.memref_slice %arg2[%dma_wait3A_124, %dma_wait3A_125] : memref<4096x144xf32, #tpu.memory_space<hbm>> -> memref<4096x144xf32, #tpu.memory_space<hbm>>
    tpu.wait_indirect_dma semaphore(%arg7 : memref<!tpu.dma_semaphore, #tpu.memory_space<semaphore_mem>>) src(%dma_wait3A_126 : memref<4096x144xf32, #tpu.memory_space<hbm>>) dst(%arg6 : memref<256x144xf32, #tpu.memory_space<vmem>>)
    %add3A_127 = arith.constant 1792 : i32
    %add3A_128 = arith.addi %mul3A_2, %add3A_127 : i32
    "tpu.region"() ({
      %run_scoped3A = tpu.sem_alloc : memref<!tpu.dma_semaphore, #tpu.memory_space<semaphore_mem>>
      %dma_start3A_161 = arith.constant 0 : i32
      %dma_start3A_162 = tpu.memref_slice %arg4[%add3A_128, %dma_start3A_161] : memref<81920x144xf32, #tpu.memory_space<hbm>> -> memref<256x144xf32, #tpu.memory_space<hbm>>
      %dma_start3A_163 = arith.constant 0 : i32
      %dma_start3A_164 = tpu.memref_slice %arg4[%add3A_128, %dma_start3A_163] : memref<81920x144xf32, #tpu.memory_space<hbm>> -> memref<256x144xf32, #tpu.memory_space<hbm>>
      tpu.enqueue_dma source(%arg6 : memref<256x144xf32, #tpu.memory_space<vmem>>) target(%dma_start3A_164 : memref<256x144xf32, #tpu.memory_space<hbm>>) target_semaphore(%run_scoped3A : memref<!tpu.dma_semaphore, #tpu.memory_space<semaphore_mem>>)
      %dma_wait3A_165 = arith.constant 0 : i32
      %dma_wait3A_166 = tpu.memref_slice %arg4[%add3A_128, %dma_wait3A_165] : memref<81920x144xf32, #tpu.memory_space<hbm>> -> memref<256x144xf32, #tpu.memory_space<hbm>>
      %dma_wait3A_167 = arith.constant 0 : i32
      %dma_wait3A_168 = tpu.memref_slice %arg4[%add3A_128, %dma_wait3A_167] : memref<81920x144xf32, #tpu.memory_space<hbm>> -> memref<256x144xf32, #tpu.memory_space<hbm>>
      tpu.wait_dma2 semaphore(%run_scoped3A : memref<!tpu.dma_semaphore, #tpu.memory_space<semaphore_mem>>) src(%arg6 : memref<256x144xf32, #tpu.memory_space<vmem>>) dst(%dma_wait3A_168 : memref<256x144xf32, #tpu.memory_space<hbm>>)
      tpu.yield
    }) : () -> ()
    %dma_start3A_129 = arith.constant 8 : i32
    %dma_start3A_130 = arith.constant 0 : i32
    %dma_start3A_131 = tpu.memref_slice %arg5[%dma_start3A_129, %dma_start3A_130] : memref<10x256xi32, #tpu.memory_space<vmem>> -> memref<1x256xi32, #tpu.memory_space<vmem>>
    %dma_start3A_132 = tpu.memref_squeeze %dma_start3A_131 : memref<1x256xi32, #tpu.memory_space<vmem>> -> memref<256xi32, #tpu.memory_space<vmem>>
    %dma_start3A_133 = arith.constant 0 : i32
    %dma_start3A_134 = arith.constant 0 : i32
    %dma_start3A_135 = tpu.memref_slice %arg2[%dma_start3A_133, %dma_start3A_134] : memref<4096x144xf32, #tpu.memory_space<hbm>> -> memref<4096x144xf32, #tpu.memory_space<hbm>>
    tpu.enqueue_indirect_dma source(%dma_start3A_135 : memref<4096x144xf32, #tpu.memory_space<hbm>>) target(%arg6 : memref<256x144xf32, #tpu.memory_space<vmem>>) offsets(%dma_start3A_132 : memref<256xi32, #tpu.memory_space<vmem>>) semaphore(%arg7 : memref<!tpu.dma_semaphore, #tpu.memory_space<semaphore_mem>>)
    %dma_wait3A_136 = arith.constant 8 : i32
    %dma_wait3A_137 = arith.constant 0 : i32
    %dma_wait3A_138 = tpu.memref_slice %arg5[%dma_wait3A_136, %dma_wait3A_137] : memref<10x256xi32, #tpu.memory_space<vmem>> -> memref<1x256xi32, #tpu.memory_space<vmem>>
    %dma_wait3A_139 = tpu.memref_squeeze %dma_wait3A_138 : memref<1x256xi32, #tpu.memory_space<vmem>> -> memref<256xi32, #tpu.memory_space<vmem>>
    %dma_wait3A_140 = arith.constant 0 : i32
    %dma_wait3A_141 = arith.constant 0 : i32
    %dma_wait3A_142 = tpu.memref_slice %arg2[%dma_wait3A_140, %dma_wait3A_141] : memref<4096x144xf32, #tpu.memory_space<hbm>> -> memref<4096x144xf32, #tpu.memory_space<hbm>>
    tpu.wait_indirect_dma semaphore(%arg7 : memref<!tpu.dma_semaphore, #tpu.memory_space<semaphore_mem>>) src(%dma_wait3A_142 : memref<4096x144xf32, #tpu.memory_space<hbm>>) dst(%arg6 : memref<256x144xf32, #tpu.memory_space<vmem>>)
    %add3A_143 = arith.constant 2048 : i32
    %add3A_144 = arith.addi %mul3A_2, %add3A_143 : i32
    "tpu.region"() ({
      %run_scoped3A = tpu.sem_alloc : memref<!tpu.dma_semaphore, #tpu.memory_space<semaphore_mem>>
      %dma_start3A_161 = arith.constant 0 : i32
      %dma_start3A_162 = tpu.memref_slice %arg4[%add3A_144, %dma_start3A_161] : memref<81920x144xf32, #tpu.memory_space<hbm>> -> memref<256x144xf32, #tpu.memory_space<hbm>>
      %dma_start3A_163 = arith.constant 0 : i32
      %dma_start3A_164 = tpu.memref_slice %arg4[%add3A_144, %dma_start3A_163] : memref<81920x144xf32, #tpu.memory_space<hbm>> -> memref<256x144xf32, #tpu.memory_space<hbm>>
      tpu.enqueue_dma source(%arg6 : memref<256x144xf32, #tpu.memory_space<vmem>>) target(%dma_start3A_164 : memref<256x144xf32, #tpu.memory_space<hbm>>) target_semaphore(%run_scoped3A : memref<!tpu.dma_semaphore, #tpu.memory_space<semaphore_mem>>)
      %dma_wait3A_165 = arith.constant 0 : i32
      %dma_wait3A_166 = tpu.memref_slice %arg4[%add3A_144, %dma_wait3A_165] : memref<81920x144xf32, #tpu.memory_space<hbm>> -> memref<256x144xf32, #tpu.memory_space<hbm>>
      %dma_wait3A_167 = arith.constant 0 : i32
      %dma_wait3A_168 = tpu.memref_slice %arg4[%add3A_144, %dma_wait3A_167] : memref<81920x144xf32, #tpu.memory_space<hbm>> -> memref<256x144xf32, #tpu.memory_space<hbm>>
      tpu.wait_dma2 semaphore(%run_scoped3A : memref<!tpu.dma_semaphore, #tpu.memory_space<semaphore_mem>>) src(%arg6 : memref<256x144xf32, #tpu.memory_space<vmem>>) dst(%dma_wait3A_168 : memref<256x144xf32, #tpu.memory_space<hbm>>)
      tpu.yield
    }) : () -> ()
    %dma_start3A_145 = arith.constant 9 : i32
    %dma_start3A_146 = arith.constant 0 : i32
    %dma_start3A_147 = tpu.memref_slice %arg5[%dma_start3A_145, %dma_start3A_146] : memref<10x256xi32, #tpu.memory_space<vmem>> -> memref<1x256xi32, #tpu.memory_space<vmem>>
    %dma_start3A_148 = tpu.memref_squeeze %dma_start3A_147 : memref<1x256xi32, #tpu.memory_space<vmem>> -> memref<256xi32, #tpu.memory_space<vmem>>
    %dma_start3A_149 = arith.constant 0 : i32
    %dma_start3A_150 = arith.constant 0 : i32
    %dma_start3A_151 = tpu.memref_slice %arg2[%dma_start3A_149, %dma_start3A_150] : memref<4096x144xf32, #tpu.memory_space<hbm>> -> memref<4096x144xf32, #tpu.memory_space<hbm>>
    tpu.enqueue_indirect_dma source(%dma_start3A_151 : memref<4096x144xf32, #tpu.memory_space<hbm>>) target(%arg6 : memref<256x144xf32, #tpu.memory_space<vmem>>) offsets(%dma_start3A_148 : memref<256xi32, #tpu.memory_space<vmem>>) semaphore(%arg7 : memref<!tpu.dma_semaphore, #tpu.memory_space<semaphore_mem>>)
    %dma_wait3A_152 = arith.constant 9 : i32
    %dma_wait3A_153 = arith.constant 0 : i32
    %dma_wait3A_154 = tpu.memref_slice %arg5[%dma_wait3A_152, %dma_wait3A_153] : memref<10x256xi32, #tpu.memory_space<vmem>> -> memref<1x256xi32, #tpu.memory_space<vmem>>
    %dma_wait3A_155 = tpu.memref_squeeze %dma_wait3A_154 : memref<1x256xi32, #tpu.memory_space<vmem>> -> memref<256xi32, #tpu.memory_space<vmem>>
    %dma_wait3A_156 = arith.constant 0 : i32
    %dma_wait3A_157 = arith.constant 0 : i32
    %dma_wait3A_158 = tpu.memref_slice %arg2[%dma_wait3A_156, %dma_wait3A_157] : memref<4096x144xf32, #tpu.memory_space<hbm>> -> memref<4096x144xf32, #tpu.memory_space<hbm>>
    tpu.wait_indirect_dma semaphore(%arg7 : memref<!tpu.dma_semaphore, #tpu.memory_space<semaphore_mem>>) src(%dma_wait3A_158 : memref<4096x144xf32, #tpu.memory_space<hbm>>) dst(%arg6 : memref<256x144xf32, #tpu.memory_space<vmem>>)
    %add3A_159 = arith.constant 2304 : i32
    %add3A_160 = arith.addi %mul3A_2, %add3A_159 : i32
    "tpu.region"() ({
      %run_scoped3A = tpu.sem_alloc : memref<!tpu.dma_semaphore, #tpu.memory_space<semaphore_mem>>
      %dma_start3A_161 = arith.constant 0 : i32
      %dma_start3A_162 = tpu.memref_slice %arg4[%add3A_160, %dma_start3A_161] : memref<81920x144xf32, #tpu.memory_space<hbm>> -> memref<256x144xf32, #tpu.memory_space<hbm>>
      %dma_start3A_163 = arith.constant 0 : i32
      %dma_start3A_164 = tpu.memref_slice %arg4[%add3A_160, %dma_start3A_163] : memref<81920x144xf32, #tpu.memory_space<hbm>> -> memref<256x144xf32, #tpu.memory_space<hbm>>
      tpu.enqueue_dma source(%arg6 : memref<256x144xf32, #tpu.memory_space<vmem>>) target(%dma_start3A_164 : memref<256x144xf32, #tpu.memory_space<hbm>>) target_semaphore(%run_scoped3A : memref<!tpu.dma_semaphore, #tpu.memory_space<semaphore_mem>>)
      %dma_wait3A_165 = arith.constant 0 : i32
      %dma_wait3A_166 = tpu.memref_slice %arg4[%add3A_160, %dma_wait3A_165] : memref<81920x144xf32, #tpu.memory_space<hbm>> -> memref<256x144xf32, #tpu.memory_space<hbm>>
      %dma_wait3A_167 = arith.constant 0 : i32
      %dma_wait3A_168 = tpu.memref_slice %arg4[%add3A_160, %dma_wait3A_167] : memref<81920x144xf32, #tpu.memory_space<hbm>> -> memref<256x144xf32, #tpu.memory_space<hbm>>
      tpu.wait_dma2 semaphore(%run_scoped3A : memref<!tpu.dma_semaphore, #tpu.memory_space<semaphore_mem>>) src(%arg6 : memref<256x144xf32, #tpu.memory_space<vmem>>) dst(%dma_wait3A_168 : memref<256x144xf32, #tpu.memory_space<hbm>>)
      tpu.yield
    }) : () -> ()
    return
  }
}

module attributes {stable_mosaic.version = 14 : i64} {
  func.func @_topk_body(%arg0: i32, %arg1: i32, %arg2: memref<1x256x128xf32, #tpu.memory_space<vmem>>, %arg3: memref<1x256x3xf32, #tpu.memory_space<vmem>>, %arg4: memref<1x2048x3xf32, #tpu.memory_space<vmem>>, %arg5: memref<1x3x2048xf32, #tpu.memory_space<vmem>>, %arg6: memref<257x128xf32, #tpu.memory_space<vmem>>, %arg7: memref<256x20xi32, #tpu.memory_space<vmem>>, %arg8: memref<256x144xf32, #tpu.memory_space<vmem>>) attributes {dimension_semantics = [#tpu.dimension_semantics<arbitrary>, #tpu.dimension_semantics<arbitrary>], iteration_bounds = array<i64: 2, 8>, scalar_prefetch = 0 : i64, scratch_operands = 0 : i64, tpu.core_type = #tpu.core_type<tc>, window_params = [{transform_indices = @transform_0, window_bounds = array<i64: 1, 256, 128>}, {transform_indices = @transform_1, window_bounds = array<i64: 1, 256, 3>}, {transform_indices = @transform_2, window_bounds = array<i64: 1, 2048, 3>}, {transform_indices = @transform_3, window_bounds = array<i64: 1, 3, 2048>}, {pipeline_mode = #tpu.pipeline_mode<synchronous>, transform_indices = @transform_4, window_bounds = array<i64: 257, 128>}, {transform_indices = @transform_5, window_bounds = array<i64: 256, 20>}, {transform_indices = @transform_6, window_bounds = array<i64: 256, 144>}]} {
    %get3A = arith.constant 0 : index
    %get3A_0 = arith.constant 0 : index
    %get3A_1 = arith.constant 0 : index
    %get3A_2 = vector.load %arg2[%get3A, %get3A_0, %get3A_1] : memref<1x256x128xf32, #tpu.memory_space<vmem>>, vector<1x256x128xf32>
    %get3A_3 = vector.shape_cast %get3A_2 : vector<1x256x128xf32> to vector<256x128xf32>
    %get3A_4 = arith.constant 0 : index
    %get3A_5 = arith.constant 0 : index
    %get3A_6 = arith.constant 0 : index
    %get3A_7 = vector.load %arg3[%get3A_4, %get3A_5, %get3A_6] : memref<1x256x3xf32, #tpu.memory_space<vmem>>, vector<1x256x3xf32>
    %get3A_8 = vector.shape_cast %get3A_7 : vector<1x256x3xf32> to vector<256x3xf32>
    %get3A_9 = arith.constant 0 : index
    %get3A_10 = arith.constant 0 : index
    %get3A_11 = arith.constant 0 : index
    %get3A_12 = vector.load %arg5[%get3A_9, %get3A_10, %get3A_11] : memref<1x3x2048xf32, #tpu.memory_space<vmem>>, vector<1x3x2048xf32>
    %get3A_13 = vector.shape_cast %get3A_12 : vector<1x3x2048xf32> to vector<3x2048xf32>
    %broadcast_in_dim3A = arith.constant 0.000000e+00 : f32
    %broadcast_in_dim3A_14 = vector.broadcast %broadcast_in_dim3A : f32 to vector<256x2048xf32>
    %slice3A = vector.extract_strided_slice %get3A_8 {offsets = [0, 0], sizes = [256, 1], strides = [1, 1]} : vector<256x3xf32> to vector<256x1xf32>
    %slice3A_15 = vector.extract_strided_slice %get3A_13 {offsets = [0, 0], sizes = [1, 2048], strides = [1, 1]} : vector<3x2048xf32> to vector<1x2048xf32>
    %sub3A = vector.broadcast %slice3A : vector<256x1xf32> to vector<256x2048xf32>
    %sub3A_16 = vector.broadcast %slice3A_15 : vector<1x2048xf32> to vector<256x2048xf32>
    %sub3A_17 = arith.subf %sub3A, %sub3A_16 : vector<256x2048xf32>
    %mul3A = arith.mulf %sub3A_17, %sub3A_17 : vector<256x2048xf32>
    %add3A = arith.addf %broadcast_in_dim3A_14, %mul3A : vector<256x2048xf32>
    %slice3A_18 = vector.extract_strided_slice %get3A_8 {offsets = [0, 1], sizes = [256, 1], strides = [1, 1]} : vector<256x3xf32> to vector<256x1xf32>
    %slice3A_19 = vector.extract_strided_slice %get3A_13 {offsets = [1, 0], sizes = [1, 2048], strides = [1, 1]} : vector<3x2048xf32> to vector<1x2048xf32>
    %sub3A_20 = vector.broadcast %slice3A_18 : vector<256x1xf32> to vector<256x2048xf32>
    %sub3A_21 = vector.broadcast %slice3A_19 : vector<1x2048xf32> to vector<256x2048xf32>
    %sub3A_22 = arith.subf %sub3A_20, %sub3A_21 : vector<256x2048xf32>
    %mul3A_23 = arith.mulf %sub3A_22, %sub3A_22 : vector<256x2048xf32>
    %add3A_24 = arith.addf %add3A, %mul3A_23 : vector<256x2048xf32>
    %slice3A_25 = vector.extract_strided_slice %get3A_8 {offsets = [0, 2], sizes = [256, 1], strides = [1, 1]} : vector<256x3xf32> to vector<256x1xf32>
    %slice3A_26 = vector.extract_strided_slice %get3A_13 {offsets = [2, 0], sizes = [1, 2048], strides = [1, 1]} : vector<3x2048xf32> to vector<1x2048xf32>
    %sub3A_27 = vector.broadcast %slice3A_25 : vector<256x1xf32> to vector<256x2048xf32>
    %sub3A_28 = vector.broadcast %slice3A_26 : vector<1x2048xf32> to vector<256x2048xf32>
    %sub3A_29 = arith.subf %sub3A_27, %sub3A_28 : vector<256x2048xf32>
    %mul3A_30 = arith.mulf %sub3A_29, %sub3A_29 : vector<256x2048xf32>
    %add3A_31 = arith.addf %add3A_24, %mul3A_30 : vector<256x2048xf32>
    %mul3A_32 = arith.constant 256 : i32
    %mul3A_33 = arith.muli %arg1, %mul3A_32 : i32
    %iota3A = tpu.iota {dimensions = array<i32: 0>} : vector<256x1xi32>
    %add3A_34 = vector.broadcast %mul3A_33 : i32 to vector<256x1xi32>
    %add3A_35 = arith.addi %add3A_34, %iota3A : vector<256x1xi32>
    %iota3A_36 = tpu.iota {dimensions = array<i32: 1>} : vector<256x2048xi32>
    %eq3A = vector.broadcast %add3A_35 : vector<256x1xi32> to vector<256x2048xi32>
    %eq3A_37 = arith.cmpi eq, %iota3A_36, %eq3A : vector<256x2048xi32>
    %add3A_38 = arith.constant 1.000000e+10 : f32
    %add3A_39 = vector.broadcast %add3A_38 : f32 to vector<256x2048xf32>
    %add3A_40 = arith.addf %add3A_31, %add3A_39 : vector<256x2048xf32>
    %select_n3A = arith.select %eq3A_37, %add3A_40, %add3A_31 : vector<256x2048xi1>, vector<256x2048xf32>
    %mul3A_41 = arith.constant 2048 : i32
    %mul3A_42 = arith.muli %arg0, %mul3A_41 : i32
    %reduce_min3A = arith.constant dense<0x7F800000> : vector<256xf32>
    %reduce_min3A_43 = vector.multi_reduction <minimumf>, %select_n3A, %reduce_min3A [1] : vector<256x2048xf32> to vector<256xf32>
    %broadcast_in_dim3A_44 = vector.shape_cast %reduce_min3A_43 : vector<256xf32> to vector<256x1xf32>
    %eq3A_45 = vector.broadcast %broadcast_in_dim3A_44 : vector<256x1xf32> to vector<256x2048xf32>
    %eq3A_46 = arith.cmpf oeq, %select_n3A, %eq3A_45 : vector<256x2048xf32>
    %jit3A = arith.constant 2048 : i32
    %broadcast_in_dim3A_47 = vector.broadcast %jit3A : i32 to vector<256x2048xi32>
    %select_n3A_48 = arith.select %eq3A_46, %iota3A_36, %broadcast_in_dim3A_47 : vector<256x2048xi1>, vector<256x2048xi32>
    %reduce_min3A_49 = arith.constant dense<2147483647> : vector<256xi32>
    %reduce_min3A_50 = vector.multi_reduction <minsi>, %select_n3A_48, %reduce_min3A_49 [1] : vector<256x2048xi32> to vector<256xi32>
    %broadcast_in_dim3A_51 = vector.shape_cast %reduce_min3A_50 : vector<256xi32> to vector<256x1xi32>
    %add3A_52 = vector.broadcast %mul3A_42 : i32 to vector<256x1xi32>
    %add3A_53 = arith.addi %broadcast_in_dim3A_51, %add3A_52 : vector<256x1xi32>
    %swap3A = arith.constant 0 : index
    %swap3A_54 = arith.constant 0 : index
    %swap3A_55 = vector.load %arg7[%swap3A, %swap3A_54] : memref<256x20xi32, #tpu.memory_space<vmem>>, vector<256x1xi32>
    tpu.vector_store %arg7[%swap3A, %swap3A_54], %add3A_53 {strides = array<i32>} : memref<256x20xi32, #tpu.memory_space<vmem>>, vector<256x1xi32>,
    %eq3A_56 = vector.broadcast %broadcast_in_dim3A_51 : vector<256x1xi32> to vector<256x2048xi32>
    %eq3A_57 = arith.cmpi eq, %iota3A_36, %eq3A_56 : vector<256x2048xi32>
    %jit3A_58 = arith.constant 1.000000e+30 : f32
    %broadcast_in_dim3A_59 = vector.broadcast %jit3A_58 : f32 to vector<256x2048xf32>
    %select_n3A_60 = arith.select %eq3A_57, %broadcast_in_dim3A_59, %select_n3A : vector<256x2048xi1>, vector<256x2048xf32>
    %reduce_min3A_61 = arith.constant dense<0x7F800000> : vector<256xf32>
    %reduce_min3A_62 = vector.multi_reduction <minimumf>, %select_n3A_60, %reduce_min3A_61 [1] : vector<256x2048xf32> to vector<256xf32>
    %broadcast_in_dim3A_63 = vector.shape_cast %reduce_min3A_62 : vector<256xf32> to vector<256x1xf32>
    %eq3A_64 = vector.broadcast %broadcast_in_dim3A_63 : vector<256x1xf32> to vector<256x2048xf32>
    %eq3A_65 = arith.cmpf oeq, %select_n3A_60, %eq3A_64 : vector<256x2048xf32>
    %jit3A_66 = arith.constant 2048 : i32
    %broadcast_in_dim3A_67 = vector.broadcast %jit3A_66 : i32 to vector<256x2048xi32>
    %select_n3A_68 = arith.select %eq3A_65, %iota3A_36, %broadcast_in_dim3A_67 : vector<256x2048xi1>, vector<256x2048xi32>
    %reduce_min3A_69 = arith.constant dense<2147483647> : vector<256xi32>
    %reduce_min3A_70 = vector.multi_reduction <minsi>, %select_n3A_68, %reduce_min3A_69 [1] : vector<256x2048xi32> to vector<256xi32>
    %broadcast_in_dim3A_71 = vector.shape_cast %reduce_min3A_70 : vector<256xi32> to vector<256x1xi32>
    %add3A_72 = vector.broadcast %mul3A_42 : i32 to vector<256x1xi32>
    %add3A_73 = arith.addi %broadcast_in_dim3A_71, %add3A_72 : vector<256x1xi32>
    %swap3A_74 = arith.constant 0 : index
    %swap3A_75 = arith.constant 1 : index
    %swap3A_76 = vector.load %arg7[%swap3A_74, %swap3A_75] : memref<256x20xi32, #tpu.memory_space<vmem>>, vector<256x1xi32>
    tpu.vector_store %arg7[%swap3A_74, %swap3A_75], %add3A_73 {strides = array<i32>} : memref<256x20xi32, #tpu.memory_space<vmem>>, vector<256x1xi32>,
    %eq3A_77 = vector.broadcast %broadcast_in_dim3A_71 : vector<256x1xi32> to vector<256x2048xi32>
    %eq3A_78 = arith.cmpi eq, %iota3A_36, %eq3A_77 : vector<256x2048xi32>
    %jit3A_79 = arith.constant 1.000000e+30 : f32
    %broadcast_in_dim3A_80 = vector.broadcast %jit3A_79 : f32 to vector<256x2048xf32>
    %select_n3A_81 = arith.select %eq3A_78, %broadcast_in_dim3A_80, %select_n3A_60 : vector<256x2048xi1>, vector<256x2048xf32>
    %reduce_min3A_82 = arith.constant dense<0x7F800000> : vector<256xf32>
    %reduce_min3A_83 = vector.multi_reduction <minimumf>, %select_n3A_81, %reduce_min3A_82 [1] : vector<256x2048xf32> to vector<256xf32>
    %broadcast_in_dim3A_84 = vector.shape_cast %reduce_min3A_83 : vector<256xf32> to vector<256x1xf32>
    %eq3A_85 = vector.broadcast %broadcast_in_dim3A_84 : vector<256x1xf32> to vector<256x2048xf32>
    %eq3A_86 = arith.cmpf oeq, %select_n3A_81, %eq3A_85 : vector<256x2048xf32>
    %jit3A_87 = arith.constant 2048 : i32
    %broadcast_in_dim3A_88 = vector.broadcast %jit3A_87 : i32 to vector<256x2048xi32>
    %select_n3A_89 = arith.select %eq3A_86, %iota3A_36, %broadcast_in_dim3A_88 : vector<256x2048xi1>, vector<256x2048xi32>
    %reduce_min3A_90 = arith.constant dense<2147483647> : vector<256xi32>
    %reduce_min3A_91 = vector.multi_reduction <minsi>, %select_n3A_89, %reduce_min3A_90 [1] : vector<256x2048xi32> to vector<256xi32>
    %broadcast_in_dim3A_92 = vector.shape_cast %reduce_min3A_91 : vector<256xi32> to vector<256x1xi32>
    %add3A_93 = vector.broadcast %mul3A_42 : i32 to vector<256x1xi32>
    %add3A_94 = arith.addi %broadcast_in_dim3A_92, %add3A_93 : vector<256x1xi32>
    %swap3A_95 = arith.constant 0 : index
    %swap3A_96 = arith.constant 2 : index
    %swap3A_97 = vector.load %arg7[%swap3A_95, %swap3A_96] : memref<256x20xi32, #tpu.memory_space<vmem>>, vector<256x1xi32>
    tpu.vector_store %arg7[%swap3A_95, %swap3A_96], %add3A_94 {strides = array<i32>} : memref<256x20xi32, #tpu.memory_space<vmem>>, vector<256x1xi32>,
    %eq3A_98 = vector.broadcast %broadcast_in_dim3A_92 : vector<256x1xi32> to vector<256x2048xi32>
    %eq3A_99 = arith.cmpi eq, %iota3A_36, %eq3A_98 : vector<256x2048xi32>
    %jit3A_100 = arith.constant 1.000000e+30 : f32
    %broadcast_in_dim3A_101 = vector.broadcast %jit3A_100 : f32 to vector<256x2048xf32>
    %select_n3A_102 = arith.select %eq3A_99, %broadcast_in_dim3A_101, %select_n3A_81 : vector<256x2048xi1>, vector<256x2048xf32>
    %reduce_min3A_103 = arith.constant dense<0x7F800000> : vector<256xf32>
    %reduce_min3A_104 = vector.multi_reduction <minimumf>, %select_n3A_102, %reduce_min3A_103 [1] : vector<256x2048xf32> to vector<256xf32>
    %broadcast_in_dim3A_105 = vector.shape_cast %reduce_min3A_104 : vector<256xf32> to vector<256x1xf32>
    %eq3A_106 = vector.broadcast %broadcast_in_dim3A_105 : vector<256x1xf32> to vector<256x2048xf32>
    %eq3A_107 = arith.cmpf oeq, %select_n3A_102, %eq3A_106 : vector<256x2048xf32>
    %jit3A_108 = arith.constant 2048 : i32
    %broadcast_in_dim3A_109 = vector.broadcast %jit3A_108 : i32 to vector<256x2048xi32>
    %select_n3A_110 = arith.select %eq3A_107, %iota3A_36, %broadcast_in_dim3A_109 : vector<256x2048xi1>, vector<256x2048xi32>
    %reduce_min3A_111 = arith.constant dense<2147483647> : vector<256xi32>
    %reduce_min3A_112 = vector.multi_reduction <minsi>, %select_n3A_110, %reduce_min3A_111 [1] : vector<256x2048xi32> to vector<256xi32>
    %broadcast_in_dim3A_113 = vector.shape_cast %reduce_min3A_112 : vector<256xi32> to vector<256x1xi32>
    %add3A_114 = vector.broadcast %mul3A_42 : i32 to vector<256x1xi32>
    %add3A_115 = arith.addi %broadcast_in_dim3A_113, %add3A_114 : vector<256x1xi32>
    %swap3A_116 = arith.constant 0 : index
    %swap3A_117 = arith.constant 3 : index
    %swap3A_118 = vector.load %arg7[%swap3A_116, %swap3A_117] : memref<256x20xi32, #tpu.memory_space<vmem>>, vector<256x1xi32>
    tpu.vector_store %arg7[%swap3A_116, %swap3A_117], %add3A_115 {strides = array<i32>} : memref<256x20xi32, #tpu.memory_space<vmem>>, vector<256x1xi32>,
    %eq3A_119 = vector.broadcast %broadcast_in_dim3A_113 : vector<256x1xi32> to vector<256x2048xi32>
    %eq3A_120 = arith.cmpi eq, %iota3A_36, %eq3A_119 : vector<256x2048xi32>
    %jit3A_121 = arith.constant 1.000000e+30 : f32
    %broadcast_in_dim3A_122 = vector.broadcast %jit3A_121 : f32 to vector<256x2048xf32>
    %select_n3A_123 = arith.select %eq3A_120, %broadcast_in_dim3A_122, %select_n3A_102 : vector<256x2048xi1>, vector<256x2048xf32>
    %reduce_min3A_124 = arith.constant dense<0x7F800000> : vector<256xf32>
    %reduce_min3A_125 = vector.multi_reduction <minimumf>, %select_n3A_123, %reduce_min3A_124 [1] : vector<256x2048xf32> to vector<256xf32>
    %broadcast_in_dim3A_126 = vector.shape_cast %reduce_min3A_125 : vector<256xf32> to vector<256x1xf32>
    %eq3A_127 = vector.broadcast %broadcast_in_dim3A_126 : vector<256x1xf32> to vector<256x2048xf32>
    %eq3A_128 = arith.cmpf oeq, %select_n3A_123, %eq3A_127 : vector<256x2048xf32>
    %jit3A_129 = arith.constant 2048 : i32
    %broadcast_in_dim3A_130 = vector.broadcast %jit3A_129 : i32 to vector<256x2048xi32>
    %select_n3A_131 = arith.select %eq3A_128, %iota3A_36, %broadcast_in_dim3A_130 : vector<256x2048xi1>, vector<256x2048xi32>
    %reduce_min3A_132 = arith.constant dense<2147483647> : vector<256xi32>
    %reduce_min3A_133 = vector.multi_reduction <minsi>, %select_n3A_131, %reduce_min3A_132 [1] : vector<256x2048xi32> to vector<256xi32>
    %broadcast_in_dim3A_134 = vector.shape_cast %reduce_min3A_133 : vector<256xi32> to vector<256x1xi32>
    %add3A_135 = vector.broadcast %mul3A_42 : i32 to vector<256x1xi32>
    %add3A_136 = arith.addi %broadcast_in_dim3A_134, %add3A_135 : vector<256x1xi32>
    %swap3A_137 = arith.constant 0 : index
    %swap3A_138 = arith.constant 4 : index
    %swap3A_139 = vector.load %arg7[%swap3A_137, %swap3A_138] : memref<256x20xi32, #tpu.memory_space<vmem>>, vector<256x1xi32>
    tpu.vector_store %arg7[%swap3A_137, %swap3A_138], %add3A_136 {strides = array<i32>} : memref<256x20xi32, #tpu.memory_space<vmem>>, vector<256x1xi32>,
    %eq3A_140 = vector.broadcast %broadcast_in_dim3A_134 : vector<256x1xi32> to vector<256x2048xi32>
    %eq3A_141 = arith.cmpi eq, %iota3A_36, %eq3A_140 : vector<256x2048xi32>
    %jit3A_142 = arith.constant 1.000000e+30 : f32
    %broadcast_in_dim3A_143 = vector.broadcast %jit3A_142 : f32 to vector<256x2048xf32>
    %select_n3A_144 = arith.select %eq3A_141, %broadcast_in_dim3A_143, %select_n3A_123 : vector<256x2048xi1>, vector<256x2048xf32>
    %reduce_min3A_145 = arith.constant dense<0x7F800000> : vector<256xf32>
    %reduce_min3A_146 = vector.multi_reduction <minimumf>, %select_n3A_144, %reduce_min3A_145 [1] : vector<256x2048xf32> to vector<256xf32>
    %broadcast_in_dim3A_147 = vector.shape_cast %reduce_min3A_146 : vector<256xf32> to vector<256x1xf32>
    %eq3A_148 = vector.broadcast %broadcast_in_dim3A_147 : vector<256x1xf32> to vector<256x2048xf32>
    %eq3A_149 = arith.cmpf oeq, %select_n3A_144, %eq3A_148 : vector<256x2048xf32>
    %jit3A_150 = arith.constant 2048 : i32
    %broadcast_in_dim3A_151 = vector.broadcast %jit3A_150 : i32 to vector<256x2048xi32>
    %select_n3A_152 = arith.select %eq3A_149, %iota3A_36, %broadcast_in_dim3A_151 : vector<256x2048xi1>, vector<256x2048xi32>
    %reduce_min3A_153 = arith.constant dense<2147483647> : vector<256xi32>
    %reduce_min3A_154 = vector.multi_reduction <minsi>, %select_n3A_152, %reduce_min3A_153 [1] : vector<256x2048xi32> to vector<256xi32>
    %broadcast_in_dim3A_155 = vector.shape_cast %reduce_min3A_154 : vector<256xi32> to vector<256x1xi32>
    %add3A_156 = vector.broadcast %mul3A_42 : i32 to vector<256x1xi32>
    %add3A_157 = arith.addi %broadcast_in_dim3A_155, %add3A_156 : vector<256x1xi32>
    %swap3A_158 = arith.constant 0 : index
    %swap3A_159 = arith.constant 5 : index
    %swap3A_160 = vector.load %arg7[%swap3A_158, %swap3A_159] : memref<256x20xi32, #tpu.memory_space<vmem>>, vector<256x1xi32>
    tpu.vector_store %arg7[%swap3A_158, %swap3A_159], %add3A_157 {strides = array<i32>} : memref<256x20xi32, #tpu.memory_space<vmem>>, vector<256x1xi32>,
    %eq3A_161 = vector.broadcast %broadcast_in_dim3A_155 : vector<256x1xi32> to vector<256x2048xi32>
    %eq3A_162 = arith.cmpi eq, %iota3A_36, %eq3A_161 : vector<256x2048xi32>
    %jit3A_163 = arith.constant 1.000000e+30 : f32
    %broadcast_in_dim3A_164 = vector.broadcast %jit3A_163 : f32 to vector<256x2048xf32>
    %select_n3A_165 = arith.select %eq3A_162, %broadcast_in_dim3A_164, %select_n3A_144 : vector<256x2048xi1>, vector<256x2048xf32>
    %reduce_min3A_166 = arith.constant dense<0x7F800000> : vector<256xf32>
    %reduce_min3A_167 = vector.multi_reduction <minimumf>, %select_n3A_165, %reduce_min3A_166 [1] : vector<256x2048xf32> to vector<256xf32>
    %broadcast_in_dim3A_168 = vector.shape_cast %reduce_min3A_167 : vector<256xf32> to vector<256x1xf32>
    %eq3A_169 = vector.broadcast %broadcast_in_dim3A_168 : vector<256x1xf32> to vector<256x2048xf32>
    %eq3A_170 = arith.cmpf oeq, %select_n3A_165, %eq3A_169 : vector<256x2048xf32>
    %jit3A_171 = arith.constant 2048 : i32
    %broadcast_in_dim3A_172 = vector.broadcast %jit3A_171 : i32 to vector<256x2048xi32>
    %select_n3A_173 = arith.select %eq3A_170, %iota3A_36, %broadcast_in_dim3A_172 : vector<256x2048xi1>, vector<256x2048xi32>
    %reduce_min3A_174 = arith.constant dense<2147483647> : vector<256xi32>
    %reduce_min3A_175 = vector.multi_reduction <minsi>, %select_n3A_173, %reduce_min3A_174 [1] : vector<256x2048xi32> to vector<256xi32>
    %broadcast_in_dim3A_176 = vector.shape_cast %reduce_min3A_175 : vector<256xi32> to vector<256x1xi32>
    %add3A_177 = vector.broadcast %mul3A_42 : i32 to vector<256x1xi32>
    %add3A_178 = arith.addi %broadcast_in_dim3A_176, %add3A_177 : vector<256x1xi32>
    %swap3A_179 = arith.constant 0 : index
    %swap3A_180 = arith.constant 6 : index
    %swap3A_181 = vector.load %arg7[%swap3A_179, %swap3A_180] : memref<256x20xi32, #tpu.memory_space<vmem>>, vector<256x1xi32>
    tpu.vector_store %arg7[%swap3A_179, %swap3A_180], %add3A_178 {strides = array<i32>} : memref<256x20xi32, #tpu.memory_space<vmem>>, vector<256x1xi32>,
    %eq3A_182 = vector.broadcast %broadcast_in_dim3A_176 : vector<256x1xi32> to vector<256x2048xi32>
    %eq3A_183 = arith.cmpi eq, %iota3A_36, %eq3A_182 : vector<256x2048xi32>
    %jit3A_184 = arith.constant 1.000000e+30 : f32
    %broadcast_in_dim3A_185 = vector.broadcast %jit3A_184 : f32 to vector<256x2048xf32>
    %select_n3A_186 = arith.select %eq3A_183, %broadcast_in_dim3A_185, %select_n3A_165 : vector<256x2048xi1>, vector<256x2048xf32>
    %reduce_min3A_187 = arith.constant dense<0x7F800000> : vector<256xf32>
    %reduce_min3A_188 = vector.multi_reduction <minimumf>, %select_n3A_186, %reduce_min3A_187 [1] : vector<256x2048xf32> to vector<256xf32>
    %broadcast_in_dim3A_189 = vector.shape_cast %reduce_min3A_188 : vector<256xf32> to vector<256x1xf32>
    %eq3A_190 = vector.broadcast %broadcast_in_dim3A_189 : vector<256x1xf32> to vector<256x2048xf32>
    %eq3A_191 = arith.cmpf oeq, %select_n3A_186, %eq3A_190 : vector<256x2048xf32>
    %jit3A_192 = arith.constant 2048 : i32
    %broadcast_in_dim3A_193 = vector.broadcast %jit3A_192 : i32 to vector<256x2048xi32>
    %select_n3A_194 = arith.select %eq3A_191, %iota3A_36, %broadcast_in_dim3A_193 : vector<256x2048xi1>, vector<256x2048xi32>
    %reduce_min3A_195 = arith.constant dense<2147483647> : vector<256xi32>
    %reduce_min3A_196 = vector.multi_reduction <minsi>, %select_n3A_194, %reduce_min3A_195 [1] : vector<256x2048xi32> to vector<256xi32>
    %broadcast_in_dim3A_197 = vector.shape_cast %reduce_min3A_196 : vector<256xi32> to vector<256x1xi32>
    %add3A_198 = vector.broadcast %mul3A_42 : i32 to vector<256x1xi32>
    %add3A_199 = arith.addi %broadcast_in_dim3A_197, %add3A_198 : vector<256x1xi32>
    %swap3A_200 = arith.constant 0 : index
    %swap3A_201 = arith.constant 7 : index
    %swap3A_202 = vector.load %arg7[%swap3A_200, %swap3A_201] : memref<256x20xi32, #tpu.memory_space<vmem>>, vector<256x1xi32>
    tpu.vector_store %arg7[%swap3A_200, %swap3A_201], %add3A_199 {strides = array<i32>} : memref<256x20xi32, #tpu.memory_space<vmem>>, vector<256x1xi32>,
    %eq3A_203 = vector.broadcast %broadcast_in_dim3A_197 : vector<256x1xi32> to vector<256x2048xi32>
    %eq3A_204 = arith.cmpi eq, %iota3A_36, %eq3A_203 : vector<256x2048xi32>
    %jit3A_205 = arith.constant 1.000000e+30 : f32
    %broadcast_in_dim3A_206 = vector.broadcast %jit3A_205 : f32 to vector<256x2048xf32>
    %select_n3A_207 = arith.select %eq3A_204, %broadcast_in_dim3A_206, %select_n3A_186 : vector<256x2048xi1>, vector<256x2048xf32>
    %reduce_min3A_208 = arith.constant dense<0x7F800000> : vector<256xf32>
    %reduce_min3A_209 = vector.multi_reduction <minimumf>, %select_n3A_207, %reduce_min3A_208 [1] : vector<256x2048xf32> to vector<256xf32>
    %broadcast_in_dim3A_210 = vector.shape_cast %reduce_min3A_209 : vector<256xf32> to vector<256x1xf32>
    %eq3A_211 = vector.broadcast %broadcast_in_dim3A_210 : vector<256x1xf32> to vector<256x2048xf32>
    %eq3A_212 = arith.cmpf oeq, %select_n3A_207, %eq3A_211 : vector<256x2048xf32>
    %jit3A_213 = arith.constant 2048 : i32
    %broadcast_in_dim3A_214 = vector.broadcast %jit3A_213 : i32 to vector<256x2048xi32>
    %select_n3A_215 = arith.select %eq3A_212, %iota3A_36, %broadcast_in_dim3A_214 : vector<256x2048xi1>, vector<256x2048xi32>
    %reduce_min3A_216 = arith.constant dense<2147483647> : vector<256xi32>
    %reduce_min3A_217 = vector.multi_reduction <minsi>, %select_n3A_215, %reduce_min3A_216 [1] : vector<256x2048xi32> to vector<256xi32>
    %broadcast_in_dim3A_218 = vector.shape_cast %reduce_min3A_217 : vector<256xi32> to vector<256x1xi32>
    %add3A_219 = vector.broadcast %mul3A_42 : i32 to vector<256x1xi32>
    %add3A_220 = arith.addi %broadcast_in_dim3A_218, %add3A_219 : vector<256x1xi32>
    %swap3A_221 = arith.constant 0 : index
    %swap3A_222 = arith.constant 8 : index
    %swap3A_223 = vector.load %arg7[%swap3A_221, %swap3A_222] : memref<256x20xi32, #tpu.memory_space<vmem>>, vector<256x1xi32>
    tpu.vector_store %arg7[%swap3A_221, %swap3A_222], %add3A_220 {strides = array<i32>} : memref<256x20xi32, #tpu.memory_space<vmem>>, vector<256x1xi32>,
    %eq3A_224 = vector.broadcast %broadcast_in_dim3A_218 : vector<256x1xi32> to vector<256x2048xi32>
    %eq3A_225 = arith.cmpi eq, %iota3A_36, %eq3A_224 : vector<256x2048xi32>
    %jit3A_226 = arith.constant 1.000000e+30 : f32
    %broadcast_in_dim3A_227 = vector.broadcast %jit3A_226 : f32 to vector<256x2048xf32>
    %select_n3A_228 = arith.select %eq3A_225, %broadcast_in_dim3A_227, %select_n3A_207 : vector<256x2048xi1>, vector<256x2048xf32>
    %reduce_min3A_229 = arith.constant dense<0x7F800000> : vector<256xf32>
    %reduce_min3A_230 = vector.multi_reduction <minimumf>, %select_n3A_228, %reduce_min3A_229 [1] : vector<256x2048xf32> to vector<256xf32>
    %broadcast_in_dim3A_231 = vector.shape_cast %reduce_min3A_230 : vector<256xf32> to vector<256x1xf32>
    %eq3A_232 = vector.broadcast %broadcast_in_dim3A_231 : vector<256x1xf32> to vector<256x2048xf32>
    %eq3A_233 = arith.cmpf oeq, %select_n3A_228, %eq3A_232 : vector<256x2048xf32>
    %jit3A_234 = arith.constant 2048 : i32
    %broadcast_in_dim3A_235 = vector.broadcast %jit3A_234 : i32 to vector<256x2048xi32>
    %select_n3A_236 = arith.select %eq3A_233, %iota3A_36, %broadcast_in_dim3A_235 : vector<256x2048xi1>, vector<256x2048xi32>
    %reduce_min3A_237 = arith.constant dense<2147483647> : vector<256xi32>
    %reduce_min3A_238 = vector.multi_reduction <minsi>, %select_n3A_236, %reduce_min3A_237 [1] : vector<256x2048xi32> to vector<256xi32>
    %broadcast_in_dim3A_239 = vector.shape_cast %reduce_min3A_238 : vector<256xi32> to vector<256x1xi32>
    %add3A_240 = vector.broadcast %mul3A_42 : i32 to vector<256x1xi32>
    %add3A_241 = arith.addi %broadcast_in_dim3A_239, %add3A_240 : vector<256x1xi32>
    %swap3A_242 = arith.constant 0 : index
    %swap3A_243 = arith.constant 9 : index
    %swap3A_244 = vector.load %arg7[%swap3A_242, %swap3A_243] : memref<256x20xi32, #tpu.memory_space<vmem>>, vector<256x1xi32>
    tpu.vector_store %arg7[%swap3A_242, %swap3A_243], %add3A_241 {strides = array<i32>} : memref<256x20xi32, #tpu.memory_space<vmem>>, vector<256x1xi32>,
    %eq3A_245 = vector.broadcast %broadcast_in_dim3A_239 : vector<256x1xi32> to vector<256x2048xi32>
    %eq3A_246 = arith.cmpi eq, %iota3A_36, %eq3A_245 : vector<256x2048xi32>
    %jit3A_247 = arith.constant 1.000000e+30 : f32
    %broadcast_in_dim3A_248 = vector.broadcast %jit3A_247 : f32 to vector<256x2048xf32>
    %select_n3A_249 = arith.select %eq3A_246, %broadcast_in_dim3A_248, %select_n3A_228 : vector<256x2048xi1>, vector<256x2048xf32>
    %reduce_min3A_250 = arith.constant dense<0x7F800000> : vector<256xf32>
    %reduce_min3A_251 = vector.multi_reduction <minimumf>, %select_n3A_249, %reduce_min3A_250 [1] : vector<256x2048xf32> to vector<256xf32>
    %broadcast_in_dim3A_252 = vector.shape_cast %reduce_min3A_251 : vector<256xf32> to vector<256x1xf32>
    %eq3A_253 = vector.broadcast %broadcast_in_dim3A_252 : vector<256x1xf32> to vector<256x2048xf32>
    %eq3A_254 = arith.cmpf oeq, %select_n3A_249, %eq3A_253 : vector<256x2048xf32>
    %jit3A_255 = arith.constant 2048 : i32
    %broadcast_in_dim3A_256 = vector.broadcast %jit3A_255 : i32 to vector<256x2048xi32>
    %select_n3A_257 = arith.select %eq3A_254, %iota3A_36, %broadcast_in_dim3A_256 : vector<256x2048xi1>, vector<256x2048xi32>
    %reduce_min3A_258 = arith.constant dense<2147483647> : vector<256xi32>
    %reduce_min3A_259 = vector.multi_reduction <minsi>, %select_n3A_257, %reduce_min3A_258 [1] : vector<256x2048xi32> to vector<256xi32>
    %broadcast_in_dim3A_260 = vector.shape_cast %reduce_min3A_259 : vector<256xi32> to vector<256x1xi32>
    %add3A_261 = vector.broadcast %mul3A_42 : i32 to vector<256x1xi32>
    %add3A_262 = arith.addi %broadcast_in_dim3A_260, %add3A_261 : vector<256x1xi32>
    %swap3A_263 = arith.constant 0 : index
    %swap3A_264 = arith.constant 10 : index
    %swap3A_265 = vector.load %arg7[%swap3A_263, %swap3A_264] : memref<256x20xi32, #tpu.memory_space<vmem>>, vector<256x1xi32>
    tpu.vector_store %arg7[%swap3A_263, %swap3A_264], %add3A_262 {strides = array<i32>} : memref<256x20xi32, #tpu.memory_space<vmem>>, vector<256x1xi32>,
    %eq3A_266 = vector.broadcast %broadcast_in_dim3A_260 : vector<256x1xi32> to vector<256x2048xi32>
    %eq3A_267 = arith.cmpi eq, %iota3A_36, %eq3A_266 : vector<256x2048xi32>
    %jit3A_268 = arith.constant 1.000000e+30 : f32
    %broadcast_in_dim3A_269 = vector.broadcast %jit3A_268 : f32 to vector<256x2048xf32>
    %select_n3A_270 = arith.select %eq3A_267, %broadcast_in_dim3A_269, %select_n3A_249 : vector<256x2048xi1>, vector<256x2048xf32>
    %reduce_min3A_271 = arith.constant dense<0x7F800000> : vector<256xf32>
    %reduce_min3A_272 = vector.multi_reduction <minimumf>, %select_n3A_270, %reduce_min3A_271 [1] : vector<256x2048xf32> to vector<256xf32>
    %broadcast_in_dim3A_273 = vector.shape_cast %reduce_min3A_272 : vector<256xf32> to vector<256x1xf32>
    %eq3A_274 = vector.broadcast %broadcast_in_dim3A_273 : vector<256x1xf32> to vector<256x2048xf32>
    %eq3A_275 = arith.cmpf oeq, %select_n3A_270, %eq3A_274 : vector<256x2048xf32>
    %jit3A_276 = arith.constant 2048 : i32
    %broadcast_in_dim3A_277 = vector.broadcast %jit3A_276 : i32 to vector<256x2048xi32>
    %select_n3A_278 = arith.select %eq3A_275, %iota3A_36, %broadcast_in_dim3A_277 : vector<256x2048xi1>, vector<256x2048xi32>
    %reduce_min3A_279 = arith.constant dense<2147483647> : vector<256xi32>
    %reduce_min3A_280 = vector.multi_reduction <minsi>, %select_n3A_278, %reduce_min3A_279 [1] : vector<256x2048xi32> to vector<256xi32>
    %broadcast_in_dim3A_281 = vector.shape_cast %reduce_min3A_280 : vector<256xi32> to vector<256x1xi32>
    %add3A_282 = vector.broadcast %mul3A_42 : i32 to vector<256x1xi32>
    %add3A_283 = arith.addi %broadcast_in_dim3A_281, %add3A_282 : vector<256x1xi32>
    %swap3A_284 = arith.constant 0 : index
    %swap3A_285 = arith.constant 11 : index
    %swap3A_286 = vector.load %arg7[%swap3A_284, %swap3A_285] : memref<256x20xi32, #tpu.memory_space<vmem>>, vector<256x1xi32>
    tpu.vector_store %arg7[%swap3A_284, %swap3A_285], %add3A_283 {strides = array<i32>} : memref<256x20xi32, #tpu.memory_space<vmem>>, vector<256x1xi32>,
    %eq3A_287 = vector.broadcast %broadcast_in_dim3A_281 : vector<256x1xi32> to vector<256x2048xi32>
    %eq3A_288 = arith.cmpi eq, %iota3A_36, %eq3A_287 : vector<256x2048xi32>
    %jit3A_289 = arith.constant 1.000000e+30 : f32
    %broadcast_in_dim3A_290 = vector.broadcast %jit3A_289 : f32 to vector<256x2048xf32>
    %select_n3A_291 = arith.select %eq3A_288, %broadcast_in_dim3A_290, %select_n3A_270 : vector<256x2048xi1>, vector<256x2048xf32>
    %reduce_min3A_292 = arith.constant dense<0x7F800000> : vector<256xf32>
    %reduce_min3A_293 = vector.multi_reduction <minimumf>, %select_n3A_291, %reduce_min3A_292 [1] : vector<256x2048xf32> to vector<256xf32>
    %broadcast_in_dim3A_294 = vector.shape_cast %reduce_min3A_293 : vector<256xf32> to vector<256x1xf32>
    %eq3A_295 = vector.broadcast %broadcast_in_dim3A_294 : vector<256x1xf32> to vector<256x2048xf32>
    %eq3A_296 = arith.cmpf oeq, %select_n3A_291, %eq3A_295 : vector<256x2048xf32>
    %jit3A_297 = arith.constant 2048 : i32
    %broadcast_in_dim3A_298 = vector.broadcast %jit3A_297 : i32 to vector<256x2048xi32>
    %select_n3A_299 = arith.select %eq3A_296, %iota3A_36, %broadcast_in_dim3A_298 : vector<256x2048xi1>, vector<256x2048xi32>
    %reduce_min3A_300 = arith.constant dense<2147483647> : vector<256xi32>
    %reduce_min3A_301 = vector.multi_reduction <minsi>, %select_n3A_299, %reduce_min3A_300 [1] : vector<256x2048xi32> to vector<256xi32>
    %broadcast_in_dim3A_302 = vector.shape_cast %reduce_min3A_301 : vector<256xi32> to vector<256x1xi32>
    %add3A_303 = vector.broadcast %mul3A_42 : i32 to vector<256x1xi32>
    %add3A_304 = arith.addi %broadcast_in_dim3A_302, %add3A_303 : vector<256x1xi32>
    %swap3A_305 = arith.constant 0 : index
    %swap3A_306 = arith.constant 12 : index
    %swap3A_307 = vector.load %arg7[%swap3A_305, %swap3A_306] : memref<256x20xi32, #tpu.memory_space<vmem>>, vector<256x1xi32>
    tpu.vector_store %arg7[%swap3A_305, %swap3A_306], %add3A_304 {strides = array<i32>} : memref<256x20xi32, #tpu.memory_space<vmem>>, vector<256x1xi32>,
    %eq3A_308 = vector.broadcast %broadcast_in_dim3A_302 : vector<256x1xi32> to vector<256x2048xi32>
    %eq3A_309 = arith.cmpi eq, %iota3A_36, %eq3A_308 : vector<256x2048xi32>
    %jit3A_310 = arith.constant 1.000000e+30 : f32
    %broadcast_in_dim3A_311 = vector.broadcast %jit3A_310 : f32 to vector<256x2048xf32>
    %select_n3A_312 = arith.select %eq3A_309, %broadcast_in_dim3A_311, %select_n3A_291 : vector<256x2048xi1>, vector<256x2048xf32>
    %reduce_min3A_313 = arith.constant dense<0x7F800000> : vector<256xf32>
    %reduce_min3A_314 = vector.multi_reduction <minimumf>, %select_n3A_312, %reduce_min3A_313 [1] : vector<256x2048xf32> to vector<256xf32>
    %broadcast_in_dim3A_315 = vector.shape_cast %reduce_min3A_314 : vector<256xf32> to vector<256x1xf32>
    %eq3A_316 = vector.broadcast %broadcast_in_dim3A_315 : vector<256x1xf32> to vector<256x2048xf32>
    %eq3A_317 = arith.cmpf oeq, %select_n3A_312, %eq3A_316 : vector<256x2048xf32>
    %jit3A_318 = arith.constant 2048 : i32
    %broadcast_in_dim3A_319 = vector.broadcast %jit3A_318 : i32 to vector<256x2048xi32>
    %select_n3A_320 = arith.select %eq3A_317, %iota3A_36, %broadcast_in_dim3A_319 : vector<256x2048xi1>, vector<256x2048xi32>
    %reduce_min3A_321 = arith.constant dense<2147483647> : vector<256xi32>
    %reduce_min3A_322 = vector.multi_reduction <minsi>, %select_n3A_320, %reduce_min3A_321 [1] : vector<256x2048xi32> to vector<256xi32>
    %broadcast_in_dim3A_323 = vector.shape_cast %reduce_min3A_322 : vector<256xi32> to vector<256x1xi32>
    %add3A_324 = vector.broadcast %mul3A_42 : i32 to vector<256x1xi32>
    %add3A_325 = arith.addi %broadcast_in_dim3A_323, %add3A_324 : vector<256x1xi32>
    %swap3A_326 = arith.constant 0 : index
    %swap3A_327 = arith.constant 13 : index
    %swap3A_328 = vector.load %arg7[%swap3A_326, %swap3A_327] : memref<256x20xi32, #tpu.memory_space<vmem>>, vector<256x1xi32>
    tpu.vector_store %arg7[%swap3A_326, %swap3A_327], %add3A_325 {strides = array<i32>} : memref<256x20xi32, #tpu.memory_space<vmem>>, vector<256x1xi32>,
    %eq3A_329 = vector.broadcast %broadcast_in_dim3A_323 : vector<256x1xi32> to vector<256x2048xi32>
    %eq3A_330 = arith.cmpi eq, %iota3A_36, %eq3A_329 : vector<256x2048xi32>
    %jit3A_331 = arith.constant 1.000000e+30 : f32
    %broadcast_in_dim3A_332 = vector.broadcast %jit3A_331 : f32 to vector<256x2048xf32>
    %select_n3A_333 = arith.select %eq3A_330, %broadcast_in_dim3A_332, %select_n3A_312 : vector<256x2048xi1>, vector<256x2048xf32>
    %reduce_min3A_334 = arith.constant dense<0x7F800000> : vector<256xf32>
    %reduce_min3A_335 = vector.multi_reduction <minimumf>, %select_n3A_333, %reduce_min3A_334 [1] : vector<256x2048xf32> to vector<256xf32>
    %broadcast_in_dim3A_336 = vector.shape_cast %reduce_min3A_335 : vector<256xf32> to vector<256x1xf32>
    %eq3A_337 = vector.broadcast %broadcast_in_dim3A_336 : vector<256x1xf32> to vector<256x2048xf32>
    %eq3A_338 = arith.cmpf oeq, %select_n3A_333, %eq3A_337 : vector<256x2048xf32>
    %jit3A_339 = arith.constant 2048 : i32
    %broadcast_in_dim3A_340 = vector.broadcast %jit3A_339 : i32 to vector<256x2048xi32>
    %select_n3A_341 = arith.select %eq3A_338, %iota3A_36, %broadcast_in_dim3A_340 : vector<256x2048xi1>, vector<256x2048xi32>
    %reduce_min3A_342 = arith.constant dense<2147483647> : vector<256xi32>
    %reduce_min3A_343 = vector.multi_reduction <minsi>, %select_n3A_341, %reduce_min3A_342 [1] : vector<256x2048xi32> to vector<256xi32>
    %broadcast_in_dim3A_344 = vector.shape_cast %reduce_min3A_343 : vector<256xi32> to vector<256x1xi32>
    %add3A_345 = vector.broadcast %mul3A_42 : i32 to vector<256x1xi32>
    %add3A_346 = arith.addi %broadcast_in_dim3A_344, %add3A_345 : vector<256x1xi32>
    %swap3A_347 = arith.constant 0 : index
    %swap3A_348 = arith.constant 14 : index
    %swap3A_349 = vector.load %arg7[%swap3A_347, %swap3A_348] : memref<256x20xi32, #tpu.memory_space<vmem>>, vector<256x1xi32>
    tpu.vector_store %arg7[%swap3A_347, %swap3A_348], %add3A_346 {strides = array<i32>} : memref<256x20xi32, #tpu.memory_space<vmem>>, vector<256x1xi32>,
    %eq3A_350 = vector.broadcast %broadcast_in_dim3A_344 : vector<256x1xi32> to vector<256x2048xi32>
    %eq3A_351 = arith.cmpi eq, %iota3A_36, %eq3A_350 : vector<256x2048xi32>
    %jit3A_352 = arith.constant 1.000000e+30 : f32
    %broadcast_in_dim3A_353 = vector.broadcast %jit3A_352 : f32 to vector<256x2048xf32>
    %select_n3A_354 = arith.select %eq3A_351, %broadcast_in_dim3A_353, %select_n3A_333 : vector<256x2048xi1>, vector<256x2048xf32>
    %reduce_min3A_355 = arith.constant dense<0x7F800000> : vector<256xf32>
    %reduce_min3A_356 = vector.multi_reduction <minimumf>, %select_n3A_354, %reduce_min3A_355 [1] : vector<256x2048xf32> to vector<256xf32>
    %broadcast_in_dim3A_357 = vector.shape_cast %reduce_min3A_356 : vector<256xf32> to vector<256x1xf32>
    %eq3A_358 = vector.broadcast %broadcast_in_dim3A_357 : vector<256x1xf32> to vector<256x2048xf32>
    %eq3A_359 = arith.cmpf oeq, %select_n3A_354, %eq3A_358 : vector<256x2048xf32>
    %jit3A_360 = arith.constant 2048 : i32
    %broadcast_in_dim3A_361 = vector.broadcast %jit3A_360 : i32 to vector<256x2048xi32>
    %select_n3A_362 = arith.select %eq3A_359, %iota3A_36, %broadcast_in_dim3A_361 : vector<256x2048xi1>, vector<256x2048xi32>
    %reduce_min3A_363 = arith.constant dense<2147483647> : vector<256xi32>
    %reduce_min3A_364 = vector.multi_reduction <minsi>, %select_n3A_362, %reduce_min3A_363 [1] : vector<256x2048xi32> to vector<256xi32>
    %broadcast_in_dim3A_365 = vector.shape_cast %reduce_min3A_364 : vector<256xi32> to vector<256x1xi32>
    %add3A_366 = vector.broadcast %mul3A_42 : i32 to vector<256x1xi32>
    %add3A_367 = arith.addi %broadcast_in_dim3A_365, %add3A_366 : vector<256x1xi32>
    %swap3A_368 = arith.constant 0 : index
    %swap3A_369 = arith.constant 15 : index
    %swap3A_370 = vector.load %arg7[%swap3A_368, %swap3A_369] : memref<256x20xi32, #tpu.memory_space<vmem>>, vector<256x1xi32>
    tpu.vector_store %arg7[%swap3A_368, %swap3A_369], %add3A_367 {strides = array<i32>} : memref<256x20xi32, #tpu.memory_space<vmem>>, vector<256x1xi32>,
    %eq3A_371 = vector.broadcast %broadcast_in_dim3A_365 : vector<256x1xi32> to vector<256x2048xi32>
    %eq3A_372 = arith.cmpi eq, %iota3A_36, %eq3A_371 : vector<256x2048xi32>
    %jit3A_373 = arith.constant 1.000000e+30 : f32
    %broadcast_in_dim3A_374 = vector.broadcast %jit3A_373 : f32 to vector<256x2048xf32>
    %select_n3A_375 = arith.select %eq3A_372, %broadcast_in_dim3A_374, %select_n3A_354 : vector<256x2048xi1>, vector<256x2048xf32>
    %reduce_min3A_376 = arith.constant dense<0x7F800000> : vector<256xf32>
    %reduce_min3A_377 = vector.multi_reduction <minimumf>, %select_n3A_375, %reduce_min3A_376 [1] : vector<256x2048xf32> to vector<256xf32>
    %broadcast_in_dim3A_378 = vector.shape_cast %reduce_min3A_377 : vector<256xf32> to vector<256x1xf32>
    %eq3A_379 = vector.broadcast %broadcast_in_dim3A_378 : vector<256x1xf32> to vector<256x2048xf32>
    %eq3A_380 = arith.cmpf oeq, %select_n3A_375, %eq3A_379 : vector<256x2048xf32>
    %jit3A_381 = arith.constant 2048 : i32
    %broadcast_in_dim3A_382 = vector.broadcast %jit3A_381 : i32 to vector<256x2048xi32>
    %select_n3A_383 = arith.select %eq3A_380, %iota3A_36, %broadcast_in_dim3A_382 : vector<256x2048xi1>, vector<256x2048xi32>
    %reduce_min3A_384 = arith.constant dense<2147483647> : vector<256xi32>
    %reduce_min3A_385 = vector.multi_reduction <minsi>, %select_n3A_383, %reduce_min3A_384 [1] : vector<256x2048xi32> to vector<256xi32>
    %broadcast_in_dim3A_386 = vector.shape_cast %reduce_min3A_385 : vector<256xi32> to vector<256x1xi32>
    %add3A_387 = vector.broadcast %mul3A_42 : i32 to vector<256x1xi32>
    %add3A_388 = arith.addi %broadcast_in_dim3A_386, %add3A_387 : vector<256x1xi32>
    %swap3A_389 = arith.constant 0 : index
    %swap3A_390 = arith.constant 16 : index
    %swap3A_391 = vector.load %arg7[%swap3A_389, %swap3A_390] : memref<256x20xi32, #tpu.memory_space<vmem>>, vector<256x1xi32>
    tpu.vector_store %arg7[%swap3A_389, %swap3A_390], %add3A_388 {strides = array<i32>} : memref<256x20xi32, #tpu.memory_space<vmem>>, vector<256x1xi32>,
    %eq3A_392 = vector.broadcast %broadcast_in_dim3A_386 : vector<256x1xi32> to vector<256x2048xi32>
    %eq3A_393 = arith.cmpi eq, %iota3A_36, %eq3A_392 : vector<256x2048xi32>
    %jit3A_394 = arith.constant 1.000000e+30 : f32
    %broadcast_in_dim3A_395 = vector.broadcast %jit3A_394 : f32 to vector<256x2048xf32>
    %select_n3A_396 = arith.select %eq3A_393, %broadcast_in_dim3A_395, %select_n3A_375 : vector<256x2048xi1>, vector<256x2048xf32>
    %reduce_min3A_397 = arith.constant dense<0x7F800000> : vector<256xf32>
    %reduce_min3A_398 = vector.multi_reduction <minimumf>, %select_n3A_396, %reduce_min3A_397 [1] : vector<256x2048xf32> to vector<256xf32>
    %broadcast_in_dim3A_399 = vector.shape_cast %reduce_min3A_398 : vector<256xf32> to vector<256x1xf32>
    %eq3A_400 = vector.broadcast %broadcast_in_dim3A_399 : vector<256x1xf32> to vector<256x2048xf32>
    %eq3A_401 = arith.cmpf oeq, %select_n3A_396, %eq3A_400 : vector<256x2048xf32>
    %jit3A_402 = arith.constant 2048 : i32
    %broadcast_in_dim3A_403 = vector.broadcast %jit3A_402 : i32 to vector<256x2048xi32>
    %select_n3A_404 = arith.select %eq3A_401, %iota3A_36, %broadcast_in_dim3A_403 : vector<256x2048xi1>, vector<256x2048xi32>
    %reduce_min3A_405 = arith.constant dense<2147483647> : vector<256xi32>
    %reduce_min3A_406 = vector.multi_reduction <minsi>, %select_n3A_404, %reduce_min3A_405 [1] : vector<256x2048xi32> to vector<256xi32>
    %broadcast_in_dim3A_407 = vector.shape_cast %reduce_min3A_406 : vector<256xi32> to vector<256x1xi32>
    %add3A_408 = vector.broadcast %mul3A_42 : i32 to vector<256x1xi32>
    %add3A_409 = arith.addi %broadcast_in_dim3A_407, %add3A_408 : vector<256x1xi32>
    %swap3A_410 = arith.constant 0 : index
    %swap3A_411 = arith.constant 17 : index
    %swap3A_412 = vector.load %arg7[%swap3A_410, %swap3A_411] : memref<256x20xi32, #tpu.memory_space<vmem>>, vector<256x1xi32>
    tpu.vector_store %arg7[%swap3A_410, %swap3A_411], %add3A_409 {strides = array<i32>} : memref<256x20xi32, #tpu.memory_space<vmem>>, vector<256x1xi32>,
    %eq3A_413 = vector.broadcast %broadcast_in_dim3A_407 : vector<256x1xi32> to vector<256x2048xi32>
    %eq3A_414 = arith.cmpi eq, %iota3A_36, %eq3A_413 : vector<256x2048xi32>
    %jit3A_415 = arith.constant 1.000000e+30 : f32
    %broadcast_in_dim3A_416 = vector.broadcast %jit3A_415 : f32 to vector<256x2048xf32>
    %select_n3A_417 = arith.select %eq3A_414, %broadcast_in_dim3A_416, %select_n3A_396 : vector<256x2048xi1>, vector<256x2048xf32>
    %reduce_min3A_418 = arith.constant dense<0x7F800000> : vector<256xf32>
    %reduce_min3A_419 = vector.multi_reduction <minimumf>, %select_n3A_417, %reduce_min3A_418 [1] : vector<256x2048xf32> to vector<256xf32>
    %broadcast_in_dim3A_420 = vector.shape_cast %reduce_min3A_419 : vector<256xf32> to vector<256x1xf32>
    %eq3A_421 = vector.broadcast %broadcast_in_dim3A_420 : vector<256x1xf32> to vector<256x2048xf32>
    %eq3A_422 = arith.cmpf oeq, %select_n3A_417, %eq3A_421 : vector<256x2048xf32>
    %jit3A_423 = arith.constant 2048 : i32
    %broadcast_in_dim3A_424 = vector.broadcast %jit3A_423 : i32 to vector<256x2048xi32>
    %select_n3A_425 = arith.select %eq3A_422, %iota3A_36, %broadcast_in_dim3A_424 : vector<256x2048xi1>, vector<256x2048xi32>
    %reduce_min3A_426 = arith.constant dense<2147483647> : vector<256xi32>
    %reduce_min3A_427 = vector.multi_reduction <minsi>, %select_n3A_425, %reduce_min3A_426 [1] : vector<256x2048xi32> to vector<256xi32>
    %broadcast_in_dim3A_428 = vector.shape_cast %reduce_min3A_427 : vector<256xi32> to vector<256x1xi32>
    %add3A_429 = vector.broadcast %mul3A_42 : i32 to vector<256x1xi32>
    %add3A_430 = arith.addi %broadcast_in_dim3A_428, %add3A_429 : vector<256x1xi32>
    %swap3A_431 = arith.constant 0 : index
    %swap3A_432 = arith.constant 18 : index
    %swap3A_433 = vector.load %arg7[%swap3A_431, %swap3A_432] : memref<256x20xi32, #tpu.memory_space<vmem>>, vector<256x1xi32>
    tpu.vector_store %arg7[%swap3A_431, %swap3A_432], %add3A_430 {strides = array<i32>} : memref<256x20xi32, #tpu.memory_space<vmem>>, vector<256x1xi32>,
    %eq3A_434 = vector.broadcast %broadcast_in_dim3A_428 : vector<256x1xi32> to vector<256x2048xi32>
    %eq3A_435 = arith.cmpi eq, %iota3A_36, %eq3A_434 : vector<256x2048xi32>
    %jit3A_436 = arith.constant 1.000000e+30 : f32
    %broadcast_in_dim3A_437 = vector.broadcast %jit3A_436 : f32 to vector<256x2048xf32>
    %select_n3A_438 = arith.select %eq3A_435, %broadcast_in_dim3A_437, %select_n3A_417 : vector<256x2048xi1>, vector<256x2048xf32>
    %reduce_min3A_439 = arith.constant dense<0x7F800000> : vector<256xf32>
    %reduce_min3A_440 = vector.multi_reduction <minimumf>, %select_n3A_438, %reduce_min3A_439 [1] : vector<256x2048xf32> to vector<256xf32>
    %broadcast_in_dim3A_441 = vector.shape_cast %reduce_min3A_440 : vector<256xf32> to vector<256x1xf32>
    %eq3A_442 = vector.broadcast %broadcast_in_dim3A_441 : vector<256x1xf32> to vector<256x2048xf32>
    %eq3A_443 = arith.cmpf oeq, %select_n3A_438, %eq3A_442 : vector<256x2048xf32>
    %jit3A_444 = arith.constant 2048 : i32
    %broadcast_in_dim3A_445 = vector.broadcast %jit3A_444 : i32 to vector<256x2048xi32>
    %select_n3A_446 = arith.select %eq3A_443, %iota3A_36, %broadcast_in_dim3A_445 : vector<256x2048xi1>, vector<256x2048xi32>
    %reduce_min3A_447 = arith.constant dense<2147483647> : vector<256xi32>
    %reduce_min3A_448 = vector.multi_reduction <minsi>, %select_n3A_446, %reduce_min3A_447 [1] : vector<256x2048xi32> to vector<256xi32>
    %broadcast_in_dim3A_449 = vector.shape_cast %reduce_min3A_448 : vector<256xi32> to vector<256x1xi32>
    %add3A_450 = vector.broadcast %mul3A_42 : i32 to vector<256x1xi32>
    %add3A_451 = arith.addi %broadcast_in_dim3A_449, %add3A_450 : vector<256x1xi32>
    %swap3A_452 = arith.constant 0 : index
    %swap3A_453 = arith.constant 19 : index
    %swap3A_454 = vector.load %arg7[%swap3A_452, %swap3A_453] : memref<256x20xi32, #tpu.memory_space<vmem>>, vector<256x1xi32>
    tpu.vector_store %arg7[%swap3A_452, %swap3A_453], %add3A_451 {strides = array<i32>} : memref<256x20xi32, #tpu.memory_space<vmem>>, vector<256x1xi32>,
    %get3A_455 = arith.constant 128 : index
    %get3A_456 = arith.constant 0 : index
    %get3A_457 = vector.load %arg6[%get3A_455, %get3A_456] : memref<257x128xf32, #tpu.memory_space<vmem>>, vector<128x128xf32>
    %dot_general3A = arith.constant dense<0.000000e+00> : vector<256x128xf32>
    %dot_general3A_458 = tpu.matmul %get3A_3, %get3A_457, %dot_general3A {dimension_numbers = #tpu.dot_dimension_numbers<[1], [0], [0], [1], [0, 0, 1, 1], [], []>, transpose_lhs_hint = false} : vector<256x128xf32>, vector<128x128xf32>, vector<256x128xf32> -> vector<256x128xf32>
    %broadcast_in_dim3A_459 = arith.constant 0.000000e+00 : f32
    %broadcast_in_dim3A_460 = vector.broadcast %broadcast_in_dim3A_459 : f32 to vector<256x13xf32>
    %concatenate3A = tpu.concatenate %dot_general3A_458, %get3A_8, %broadcast_in_dim3A_460 in 1 : vector<256x128xf32>, vector<256x3xf32>, vector<256x13xf32> -> vector<256x144xf32>
    %swap3A_461 = arith.constant 0 : index
    %swap3A_462 = arith.constant 0 : index
    %swap3A_463 = vector.load %arg8[%swap3A_461, %swap3A_462] : memref<256x144xf32, #tpu.memory_space<vmem>>, vector<256x144xf32>
    tpu.vector_store %arg8[%swap3A_461, %swap3A_462], %concatenate3A {strides = array<i32>} : memref<256x144xf32, #tpu.memory_space<vmem>>, vector<256x144xf32>,
    return
  }
  func.func @transform_0(%arg0: i32, %arg1: i32) -> (i32, i32, i32) {
    %c0_i32 = arith.constant 0 : i32
    %c0_i32_0 = arith.constant 0 : i32
    return %arg0, %arg1, %c0_i32 : i32, i32, i32
  }
  func.func @transform_1(%arg0: i32, %arg1: i32) -> (i32, i32, i32) {
    %c0_i32 = arith.constant 0 : i32
    %c0_i32_0 = arith.constant 0 : i32
    return %arg0, %arg1, %c0_i32 : i32, i32, i32
  }
  func.func @transform_2(%arg0: i32, %arg1: i32) -> (i32, i32, i32) {
    %c0_i32 = arith.constant 0 : i32
    %c0_i32_0 = arith.constant 0 : i32
    %c0_i32_1 = arith.constant 0 : i32
    return %arg0, %c0_i32, %c0_i32_0 : i32, i32, i32
  }
  func.func @transform_3(%arg0: i32, %arg1: i32) -> (i32, i32, i32) {
    %c0_i32 = arith.constant 0 : i32
    %c0_i32_0 = arith.constant 0 : i32
    %c0_i32_1 = arith.constant 0 : i32
    return %arg0, %c0_i32, %c0_i32_0 : i32, i32, i32
  }
  func.func @transform_4(%arg0: i32, %arg1: i32) -> (i32, i32) {
    %c0_i32 = arith.constant 0 : i32
    %c0_i32_0 = arith.constant 0 : i32
    %c0_i32_1 = arith.constant 0 : i32
    return %c0_i32, %c0_i32_0 : i32, i32
  }
  func.func @transform_5(%arg0: i32, %arg1: i32) -> (i32, i32) {
    %mul3A = arith.constant 8 : i32
    %mul3A_0 = arith.muli %arg0, %mul3A : i32
    %add3A = arith.addi %mul3A_0, %arg1 : i32
    %c0_i32 = arith.constant 0 : i32
    %c0_i32_1 = arith.constant 0 : i32
    return %add3A, %c0_i32 : i32, i32
  }
  func.func @transform_6(%arg0: i32, %arg1: i32) -> (i32, i32) {
    %mul3A = arith.constant 8 : i32
    %mul3A_0 = arith.muli %arg0, %mul3A : i32
    %add3A = arith.addi %mul3A_0, %arg1 : i32
    %c0_i32 = arith.constant 0 : i32
    %c0_i32_1 = arith.constant 0 : i32
    return %add3A, %c0_i32 : i32, i32
  }
}

module attributes {stable_mosaic.version = 14 : i64} {
  func.func @_edge_body(%arg0: i32, %arg1: memref<20x256x144xf32, #tpu.memory_space<vmem>>, %arg2: memref<256x128xf32, #tpu.memory_space<vmem>>, %arg3: memref<256x3xf32, #tpu.memory_space<vmem>>, %arg4: memref<257x128xf32, #tpu.memory_space<vmem>>, %arg5: memref<1x128xf32, #tpu.memory_space<vmem>>, %arg6: memref<128x128xf32, #tpu.memory_space<vmem>>, %arg7: memref<1x128xf32, #tpu.memory_space<vmem>>, %arg8: memref<256x128xf32, #tpu.memory_space<vmem>>, %arg9: memref<1x128xf32, #tpu.memory_space<vmem>>, %arg10: memref<128x128xf32, #tpu.memory_space<vmem>>, %arg11: memref<1x128xf32, #tpu.memory_space<vmem>>, %arg12: memref<1x128xf32, #tpu.memory_space<vmem>>, %arg13: memref<1x1xf32, #tpu.memory_space<vmem>>, %arg14: memref<1x128xf32, #tpu.memory_space<vmem>>, %arg15: memref<1x1xf32, #tpu.memory_space<vmem>>, %arg16: memref<256x128xf32, #tpu.memory_space<vmem>>, %arg17: memref<256x3xf32, #tpu.memory_space<vmem>>) attributes {dimension_semantics = [#tpu.dimension_semantics<arbitrary>], iteration_bounds = array<i64: 16>, scalar_prefetch = 0 : i64, scratch_operands = 0 : i64, tpu.core_type = #tpu.core_type<tc>, window_params = [{transform_indices = @transform_0, window_bounds = array<i64: 20, 256, 144>}, {transform_indices = @transform_1, window_bounds = array<i64: 256, 128>}, {transform_indices = @transform_2, window_bounds = array<i64: 256, 3>}, {pipeline_mode = #tpu.pipeline_mode<synchronous>, transform_indices = @transform_3, window_bounds = array<i64: 257, 128>}, {pipeline_mode = #tpu.pipeline_mode<synchronous>, transform_indices = @transform_4, window_bounds = array<i64: 1, 128>}, {pipeline_mode = #tpu.pipeline_mode<synchronous>, transform_indices = @transform_5, window_bounds = array<i64: 128, 128>}, {pipeline_mode = #tpu.pipeline_mode<synchronous>, transform_indices = @transform_6, window_bounds = array<i64: 1, 128>}, {pipeline_mode = #tpu.pipeline_mode<synchronous>, transform_indices = @transform_7, window_bounds = array<i64: 256, 128>}, {pipeline_mode = #tpu.pipeline_mode<synchronous>, transform_indices = @transform_8, window_bounds = array<i64: 1, 128>}, {pipeline_mode = #tpu.pipeline_mode<synchronous>, transform_indices = @transform_9, window_bounds = array<i64: 128, 128>}, {pipeline_mode = #tpu.pipeline_mode<synchronous>, transform_indices = @transform_10, window_bounds = array<i64: 1, 128>}, {pipeline_mode = #tpu.pipeline_mode<synchronous>, transform_indices = @transform_11, window_bounds = array<i64: 1, 128>}, {pipeline_mode = #tpu.pipeline_mode<synchronous>, transform_indices = @transform_12, window_bounds = array<i64: 1, 1>}, {pipeline_mode = #tpu.pipeline_mode<synchronous>, transform_indices = @transform_13, window_bounds = array<i64: 1, 128>}, {pipeline_mode = #tpu.pipeline_mode<synchronous>, transform_indices = @transform_14, window_bounds = array<i64: 1, 1>}, {transform_indices = @transform_15, window_bounds = array<i64: 256, 128>}, {transform_indices = @transform_16, window_bounds = array<i64: 256, 3>}]} {
    %get3A = arith.constant 0 : index
    %get3A_0 = arith.constant 0 : index
    %get3A_1 = vector.load %arg2[%get3A, %get3A_0] : memref<256x128xf32, #tpu.memory_space<vmem>>, vector<256x128xf32>
    %get3A_2 = arith.constant 0 : index
    %get3A_3 = arith.constant 0 : index
    %get3A_4 = vector.load %arg3[%get3A_2, %get3A_3] : memref<256x3xf32, #tpu.memory_space<vmem>>, vector<256x3xf32>
    %get3A_5 = arith.constant 0 : index
    %get3A_6 = arith.constant 0 : index
    %get3A_7 = arith.constant 0 : index
    %get3A_8 = vector.load %arg1[%get3A_5, %get3A_6, %get3A_7] : memref<20x256x144xf32, #tpu.memory_space<vmem>>, vector<20x256x144xf32>
    %get3A_9 = arith.constant 0 : index
    %get3A_10 = arith.constant 0 : index
    %get3A_11 = vector.load %arg4[%get3A_9, %get3A_10] : memref<257x128xf32, #tpu.memory_space<vmem>>, vector<128x128xf32>
    %dot_general3A = arith.constant dense<0.000000e+00> : vector<256x128xf32>
    %dot_general3A_12 = tpu.matmul %get3A_1, %get3A_11, %dot_general3A {dimension_numbers = #tpu.dot_dimension_numbers<[1], [0], [0], [1], [0, 0, 1, 1], [], []>, transpose_lhs_hint = false} : vector<256x128xf32>, vector<128x128xf32>, vector<256x128xf32> -> vector<256x128xf32>
    %get3A_13 = arith.constant 256 : index
    %get3A_14 = arith.constant 0 : index
    %get3A_15 = vector.load %arg4[%get3A_13, %get3A_14] : memref<257x128xf32, #tpu.memory_space<vmem>>, vector<1x128xf32>
    %get3A_16 = arith.constant 0 : index
    %get3A_17 = arith.constant 0 : index
    %get3A_18 = vector.load %arg5[%get3A_16, %get3A_17] : memref<1x128xf32, #tpu.memory_space<vmem>>, vector<1x128xf32>
    %get3A_19 = arith.constant 0 : index
    %get3A_20 = arith.constant 0 : index
    %get3A_21 = vector.load %arg7[%get3A_19, %get3A_20] : memref<1x128xf32, #tpu.memory_space<vmem>>, vector<1x128xf32>
    %get3A_22 = arith.constant 0 : index
    %get3A_23 = arith.constant 0 : index
    %get3A_24 = vector.load %arg6[%get3A_22, %get3A_23] : memref<128x128xf32, #tpu.memory_space<vmem>>, vector<128x128xf32>
    %get3A_25 = arith.constant 0 : index
    %get3A_26 = arith.constant 0 : index
    %get3A_27 = vector.load %arg12[%get3A_25, %get3A_26] : memref<1x128xf32, #tpu.memory_space<vmem>>, vector<1x128xf32>
    %get3A_28 = arith.constant 0 : index
    %get3A_29 = arith.constant 0 : index
    %get3A_30 = vector.load %arg13[%get3A_28, %get3A_29] : memref<1x1xf32, #tpu.memory_space<vmem>>, vector<1x1xf32>
    %broadcast_in_dim3A = arith.constant 0.000000e+00 : f32
    %broadcast_in_dim3A_31 = vector.broadcast %broadcast_in_dim3A : f32 to vector<256x128xf32>
    %broadcast_in_dim3A_32 = arith.constant 0.000000e+00 : f32
    %broadcast_in_dim3A_33 = vector.broadcast %broadcast_in_dim3A_32 : f32 to vector<256x3xf32>
    %slice3A = vector.extract_strided_slice %get3A_8 {offsets = [0, 0, 0], sizes = [1, 256, 128], strides = [1, 1, 1]} : vector<20x256x144xf32> to vector<1x256x128xf32>
    %squeeze3A = vector.shape_cast %slice3A : vector<1x256x128xf32> to vector<256x128xf32>
    %slice3A_34 = vector.extract_strided_slice %get3A_8 {offsets = [0, 0, 128], sizes = [1, 256, 3], strides = [1, 1, 1]} : vector<20x256x144xf32> to vector<1x256x3xf32>
    %squeeze3A_35 = vector.shape_cast %slice3A_34 : vector<1x256x3xf32> to vector<256x3xf32>
    %sub3A = arith.subf %squeeze3A_35, %get3A_4 : vector<256x3xf32>
    %mul3A = arith.mulf %sub3A, %sub3A : vector<256x3xf32>
    %reduce_sum3A = arith.constant dense<0.000000e+00> : vector<256xf32>
    %reduce_sum3A_36 = vector.multi_reduction <add>, %mul3A, %reduce_sum3A [1] : vector<256x3xf32> to vector<256xf32>
    %broadcast_in_dim3A_37 = vector.shape_cast %reduce_sum3A_36 : vector<256xf32> to vector<256x1xf32>
    %add3A = arith.addf %dot_general3A_12, %squeeze3A : vector<256x128xf32>
    %mul3A_38 = vector.broadcast %broadcast_in_dim3A_37 : vector<256x1xf32> to vector<256x128xf32>
    %mul3A_39 = vector.broadcast %get3A_15 : vector<1x128xf32> to vector<256x128xf32>
    %mul3A_40 = arith.mulf %mul3A_38, %mul3A_39 : vector<256x128xf32>
    %add3A_41 = arith.addf %add3A, %mul3A_40 : vector<256x128xf32>
    %add3A_42 = vector.broadcast %get3A_18 : vector<1x128xf32> to vector<256x128xf32>
    %add3A_43 = arith.addf %add3A_41, %add3A_42 : vector<256x128xf32>
    %logistic3A = arith.negf %add3A_43 : vector<256x128xf32>
    %logistic3A_44 = math.exp %logistic3A : vector<256x128xf32>
    %logistic3A_45 = arith.constant 1.000000e+00 : f32
    %logistic3A_46 = vector.broadcast %logistic3A_45 : f32 to vector<256x128xf32>
    %logistic3A_47 = arith.addf %logistic3A_46, %logistic3A_44 : vector<256x128xf32>
    %logistic3A_48 = arith.divf %logistic3A_46, %logistic3A_47 : vector<256x128xf32>
    %mul3A_49 = arith.mulf %add3A_43, %logistic3A_48 : vector<256x128xf32>
    %dot_general3A_50 = arith.constant dense<0.000000e+00> : vector<256x128xf32>
    %dot_general3A_51 = tpu.matmul %mul3A_49, %get3A_24, %dot_general3A_50 {dimension_numbers = #tpu.dot_dimension_numbers<[1], [0], [0], [1], [0, 0, 1, 1], [], []>, transpose_lhs_hint = false} : vector<256x128xf32>, vector<128x128xf32>, vector<256x128xf32> -> vector<256x128xf32>
    %add3A_52 = vector.broadcast %get3A_21 : vector<1x128xf32> to vector<256x128xf32>
    %add3A_53 = arith.addf %dot_general3A_51, %add3A_52 : vector<256x128xf32>
    %add3A_54 = arith.addf %broadcast_in_dim3A_31, %add3A_53 : vector<256x128xf32>
    %mul3A_55 = vector.broadcast %get3A_27 : vector<1x128xf32> to vector<256x128xf32>
    %mul3A_56 = arith.mulf %add3A_53, %mul3A_55 : vector<256x128xf32>
    %reduce_sum3A_57 = arith.constant dense<0.000000e+00> : vector<256xf32>
    %reduce_sum3A_58 = vector.multi_reduction <add>, %mul3A_56, %reduce_sum3A_57 [1] : vector<256x128xf32> to vector<256xf32>
    %broadcast_in_dim3A_59 = vector.shape_cast %reduce_sum3A_58 : vector<256xf32> to vector<256x1xf32>
    %add3A_60 = vector.broadcast %get3A_30 : vector<1x1xf32> to vector<256x1xf32>
    %add3A_61 = arith.addf %broadcast_in_dim3A_59, %add3A_60 : vector<256x1xf32>
    %mul3A_62 = vector.broadcast %add3A_61 : vector<256x1xf32> to vector<256x3xf32>
    %mul3A_63 = arith.mulf %mul3A_62, %sub3A : vector<256x3xf32>
    %add3A_64 = arith.addf %broadcast_in_dim3A_33, %mul3A_63 : vector<256x3xf32>
    %slice3A_65 = vector.extract_strided_slice %get3A_8 {offsets = [1, 0, 0], sizes = [1, 256, 128], strides = [1, 1, 1]} : vector<20x256x144xf32> to vector<1x256x128xf32>
    %squeeze3A_66 = vector.shape_cast %slice3A_65 : vector<1x256x128xf32> to vector<256x128xf32>
    %slice3A_67 = vector.extract_strided_slice %get3A_8 {offsets = [1, 0, 128], sizes = [1, 256, 3], strides = [1, 1, 1]} : vector<20x256x144xf32> to vector<1x256x3xf32>
    %squeeze3A_68 = vector.shape_cast %slice3A_67 : vector<1x256x3xf32> to vector<256x3xf32>
    %sub3A_69 = arith.subf %squeeze3A_68, %get3A_4 : vector<256x3xf32>
    %mul3A_70 = arith.mulf %sub3A_69, %sub3A_69 : vector<256x3xf32>
    %reduce_sum3A_71 = arith.constant dense<0.000000e+00> : vector<256xf32>
    %reduce_sum3A_72 = vector.multi_reduction <add>, %mul3A_70, %reduce_sum3A_71 [1] : vector<256x3xf32> to vector<256xf32>
    %broadcast_in_dim3A_73 = vector.shape_cast %reduce_sum3A_72 : vector<256xf32> to vector<256x1xf32>
    %add3A_74 = arith.addf %dot_general3A_12, %squeeze3A_66 : vector<256x128xf32>
    %mul3A_75 = vector.broadcast %broadcast_in_dim3A_73 : vector<256x1xf32> to vector<256x128xf32>
    %mul3A_76 = vector.broadcast %get3A_15 : vector<1x128xf32> to vector<256x128xf32>
    %mul3A_77 = arith.mulf %mul3A_75, %mul3A_76 : vector<256x128xf32>
    %add3A_78 = arith.addf %add3A_74, %mul3A_77 : vector<256x128xf32>
    %add3A_79 = vector.broadcast %get3A_18 : vector<1x128xf32> to vector<256x128xf32>
    %add3A_80 = arith.addf %add3A_78, %add3A_79 : vector<256x128xf32>
    %logistic3A_81 = arith.negf %add3A_80 : vector<256x128xf32>
    %logistic3A_82 = math.exp %logistic3A_81 : vector<256x128xf32>
    %logistic3A_83 = arith.constant 1.000000e+00 : f32
    %logistic3A_84 = vector.broadcast %logistic3A_83 : f32 to vector<256x128xf32>
    %logistic3A_85 = arith.addf %logistic3A_84, %logistic3A_82 : vector<256x128xf32>
    %logistic3A_86 = arith.divf %logistic3A_84, %logistic3A_85 : vector<256x128xf32>
    %mul3A_87 = arith.mulf %add3A_80, %logistic3A_86 : vector<256x128xf32>
    %dot_general3A_88 = arith.constant dense<0.000000e+00> : vector<256x128xf32>
    %dot_general3A_89 = tpu.matmul %mul3A_87, %get3A_24, %dot_general3A_88 {dimension_numbers = #tpu.dot_dimension_numbers<[1], [0], [0], [1], [0, 0, 1, 1], [], []>, transpose_lhs_hint = false} : vector<256x128xf32>, vector<128x128xf32>, vector<256x128xf32> -> vector<256x128xf32>
    %add3A_90 = vector.broadcast %get3A_21 : vector<1x128xf32> to vector<256x128xf32>
    %add3A_91 = arith.addf %dot_general3A_89, %add3A_90 : vector<256x128xf32>
    %add3A_92 = arith.addf %add3A_54, %add3A_91 : vector<256x128xf32>
    %mul3A_93 = vector.broadcast %get3A_27 : vector<1x128xf32> to vector<256x128xf32>
    %mul3A_94 = arith.mulf %add3A_91, %mul3A_93 : vector<256x128xf32>
    %reduce_sum3A_95 = arith.constant dense<0.000000e+00> : vector<256xf32>
    %reduce_sum3A_96 = vector.multi_reduction <add>, %mul3A_94, %reduce_sum3A_95 [1] : vector<256x128xf32> to vector<256xf32>
    %broadcast_in_dim3A_97 = vector.shape_cast %reduce_sum3A_96 : vector<256xf32> to vector<256x1xf32>
    %add3A_98 = vector.broadcast %get3A_30 : vector<1x1xf32> to vector<256x1xf32>
    %add3A_99 = arith.addf %broadcast_in_dim3A_97, %add3A_98 : vector<256x1xf32>
    %mul3A_100 = vector.broadcast %add3A_99 : vector<256x1xf32> to vector<256x3xf32>
    %mul3A_101 = arith.mulf %mul3A_100, %sub3A_69 : vector<256x3xf32>
    %add3A_102 = arith.addf %add3A_64, %mul3A_101 : vector<256x3xf32>
    %slice3A_103 = vector.extract_strided_slice %get3A_8 {offsets = [2, 0, 0], sizes = [1, 256, 128], strides = [1, 1, 1]} : vector<20x256x144xf32> to vector<1x256x128xf32>
    %squeeze3A_104 = vector.shape_cast %slice3A_103 : vector<1x256x128xf32> to vector<256x128xf32>
    %slice3A_105 = vector.extract_strided_slice %get3A_8 {offsets = [2, 0, 128], sizes = [1, 256, 3], strides = [1, 1, 1]} : vector<20x256x144xf32> to vector<1x256x3xf32>
    %squeeze3A_106 = vector.shape_cast %slice3A_105 : vector<1x256x3xf32> to vector<256x3xf32>
    %sub3A_107 = arith.subf %squeeze3A_106, %get3A_4 : vector<256x3xf32>
    %mul3A_108 = arith.mulf %sub3A_107, %sub3A_107 : vector<256x3xf32>
    %reduce_sum3A_109 = arith.constant dense<0.000000e+00> : vector<256xf32>
    %reduce_sum3A_110 = vector.multi_reduction <add>, %mul3A_108, %reduce_sum3A_109 [1] : vector<256x3xf32> to vector<256xf32>
    %broadcast_in_dim3A_111 = vector.shape_cast %reduce_sum3A_110 : vector<256xf32> to vector<256x1xf32>
    %add3A_112 = arith.addf %dot_general3A_12, %squeeze3A_104 : vector<256x128xf32>
    %mul3A_113 = vector.broadcast %broadcast_in_dim3A_111 : vector<256x1xf32> to vector<256x128xf32>
    %mul3A_114 = vector.broadcast %get3A_15 : vector<1x128xf32> to vector<256x128xf32>
    %mul3A_115 = arith.mulf %mul3A_113, %mul3A_114 : vector<256x128xf32>
    %add3A_116 = arith.addf %add3A_112, %mul3A_115 : vector<256x128xf32>
    %add3A_117 = vector.broadcast %get3A_18 : vector<1x128xf32> to vector<256x128xf32>
    %add3A_118 = arith.addf %add3A_116, %add3A_117 : vector<256x128xf32>
    %logistic3A_119 = arith.negf %add3A_118 : vector<256x128xf32>
    %logistic3A_120 = math.exp %logistic3A_119 : vector<256x128xf32>
    %logistic3A_121 = arith.constant 1.000000e+00 : f32
    %logistic3A_122 = vector.broadcast %logistic3A_121 : f32 to vector<256x128xf32>
    %logistic3A_123 = arith.addf %logistic3A_122, %logistic3A_120 : vector<256x128xf32>
    %logistic3A_124 = arith.divf %logistic3A_122, %logistic3A_123 : vector<256x128xf32>
    %mul3A_125 = arith.mulf %add3A_118, %logistic3A_124 : vector<256x128xf32>
    %dot_general3A_126 = arith.constant dense<0.000000e+00> : vector<256x128xf32>
    %dot_general3A_127 = tpu.matmul %mul3A_125, %get3A_24, %dot_general3A_126 {dimension_numbers = #tpu.dot_dimension_numbers<[1], [0], [0], [1], [0, 0, 1, 1], [], []>, transpose_lhs_hint = false} : vector<256x128xf32>, vector<128x128xf32>, vector<256x128xf32> -> vector<256x128xf32>
    %add3A_128 = vector.broadcast %get3A_21 : vector<1x128xf32> to vector<256x128xf32>
    %add3A_129 = arith.addf %dot_general3A_127, %add3A_128 : vector<256x128xf32>
    %add3A_130 = arith.addf %add3A_92, %add3A_129 : vector<256x128xf32>
    %mul3A_131 = vector.broadcast %get3A_27 : vector<1x128xf32> to vector<256x128xf32>
    %mul3A_132 = arith.mulf %add3A_129, %mul3A_131 : vector<256x128xf32>
    %reduce_sum3A_133 = arith.constant dense<0.000000e+00> : vector<256xf32>
    %reduce_sum3A_134 = vector.multi_reduction <add>, %mul3A_132, %reduce_sum3A_133 [1] : vector<256x128xf32> to vector<256xf32>
    %broadcast_in_dim3A_135 = vector.shape_cast %reduce_sum3A_134 : vector<256xf32> to vector<256x1xf32>
    %add3A_136 = vector.broadcast %get3A_30 : vector<1x1xf32> to vector<256x1xf32>
    %add3A_137 = arith.addf %broadcast_in_dim3A_135, %add3A_136 : vector<256x1xf32>
    %mul3A_138 = vector.broadcast %add3A_137 : vector<256x1xf32> to vector<256x3xf32>
    %mul3A_139 = arith.mulf %mul3A_138, %sub3A_107 : vector<256x3xf32>
    %add3A_140 = arith.addf %add3A_102, %mul3A_139 : vector<256x3xf32>
    %slice3A_141 = vector.extract_strided_slice %get3A_8 {offsets = [3, 0, 0], sizes = [1, 256, 128], strides = [1, 1, 1]} : vector<20x256x144xf32> to vector<1x256x128xf32>
    %squeeze3A_142 = vector.shape_cast %slice3A_141 : vector<1x256x128xf32> to vector<256x128xf32>
    %slice3A_143 = vector.extract_strided_slice %get3A_8 {offsets = [3, 0, 128], sizes = [1, 256, 3], strides = [1, 1, 1]} : vector<20x256x144xf32> to vector<1x256x3xf32>
    %squeeze3A_144 = vector.shape_cast %slice3A_143 : vector<1x256x3xf32> to vector<256x3xf32>
    %sub3A_145 = arith.subf %squeeze3A_144, %get3A_4 : vector<256x3xf32>
    %mul3A_146 = arith.mulf %sub3A_145, %sub3A_145 : vector<256x3xf32>
    %reduce_sum3A_147 = arith.constant dense<0.000000e+00> : vector<256xf32>
    %reduce_sum3A_148 = vector.multi_reduction <add>, %mul3A_146, %reduce_sum3A_147 [1] : vector<256x3xf32> to vector<256xf32>
    %broadcast_in_dim3A_149 = vector.shape_cast %reduce_sum3A_148 : vector<256xf32> to vector<256x1xf32>
    %add3A_150 = arith.addf %dot_general3A_12, %squeeze3A_142 : vector<256x128xf32>
    %mul3A_151 = vector.broadcast %broadcast_in_dim3A_149 : vector<256x1xf32> to vector<256x128xf32>
    %mul3A_152 = vector.broadcast %get3A_15 : vector<1x128xf32> to vector<256x128xf32>
    %mul3A_153 = arith.mulf %mul3A_151, %mul3A_152 : vector<256x128xf32>
    %add3A_154 = arith.addf %add3A_150, %mul3A_153 : vector<256x128xf32>
    %add3A_155 = vector.broadcast %get3A_18 : vector<1x128xf32> to vector<256x128xf32>
    %add3A_156 = arith.addf %add3A_154, %add3A_155 : vector<256x128xf32>
    %logistic3A_157 = arith.negf %add3A_156 : vector<256x128xf32>
    %logistic3A_158 = math.exp %logistic3A_157 : vector<256x128xf32>
    %logistic3A_159 = arith.constant 1.000000e+00 : f32
    %logistic3A_160 = vector.broadcast %logistic3A_159 : f32 to vector<256x128xf32>
    %logistic3A_161 = arith.addf %logistic3A_160, %logistic3A_158 : vector<256x128xf32>
    %logistic3A_162 = arith.divf %logistic3A_160, %logistic3A_161 : vector<256x128xf32>
    %mul3A_163 = arith.mulf %add3A_156, %logistic3A_162 : vector<256x128xf32>
    %dot_general3A_164 = arith.constant dense<0.000000e+00> : vector<256x128xf32>
    %dot_general3A_165 = tpu.matmul %mul3A_163, %get3A_24, %dot_general3A_164 {dimension_numbers = #tpu.dot_dimension_numbers<[1], [0], [0], [1], [0, 0, 1, 1], [], []>, transpose_lhs_hint = false} : vector<256x128xf32>, vector<128x128xf32>, vector<256x128xf32> -> vector<256x128xf32>
    %add3A_166 = vector.broadcast %get3A_21 : vector<1x128xf32> to vector<256x128xf32>
    %add3A_167 = arith.addf %dot_general3A_165, %add3A_166 : vector<256x128xf32>
    %add3A_168 = arith.addf %add3A_130, %add3A_167 : vector<256x128xf32>
    %mul3A_169 = vector.broadcast %get3A_27 : vector<1x128xf32> to vector<256x128xf32>
    %mul3A_170 = arith.mulf %add3A_167, %mul3A_169 : vector<256x128xf32>
    %reduce_sum3A_171 = arith.constant dense<0.000000e+00> : vector<256xf32>
    %reduce_sum3A_172 = vector.multi_reduction <add>, %mul3A_170, %reduce_sum3A_171 [1] : vector<256x128xf32> to vector<256xf32>
    %broadcast_in_dim3A_173 = vector.shape_cast %reduce_sum3A_172 : vector<256xf32> to vector<256x1xf32>
    %add3A_174 = vector.broadcast %get3A_30 : vector<1x1xf32> to vector<256x1xf32>
    %add3A_175 = arith.addf %broadcast_in_dim3A_173, %add3A_174 : vector<256x1xf32>
    %mul3A_176 = vector.broadcast %add3A_175 : vector<256x1xf32> to vector<256x3xf32>
    %mul3A_177 = arith.mulf %mul3A_176, %sub3A_145 : vector<256x3xf32>
    %add3A_178 = arith.addf %add3A_140, %mul3A_177 : vector<256x3xf32>
    %slice3A_179 = vector.extract_strided_slice %get3A_8 {offsets = [4, 0, 0], sizes = [1, 256, 128], strides = [1, 1, 1]} : vector<20x256x144xf32> to vector<1x256x128xf32>
    %squeeze3A_180 = vector.shape_cast %slice3A_179 : vector<1x256x128xf32> to vector<256x128xf32>
    %slice3A_181 = vector.extract_strided_slice %get3A_8 {offsets = [4, 0, 128], sizes = [1, 256, 3], strides = [1, 1, 1]} : vector<20x256x144xf32> to vector<1x256x3xf32>
    %squeeze3A_182 = vector.shape_cast %slice3A_181 : vector<1x256x3xf32> to vector<256x3xf32>
    %sub3A_183 = arith.subf %squeeze3A_182, %get3A_4 : vector<256x3xf32>
    %mul3A_184 = arith.mulf %sub3A_183, %sub3A_183 : vector<256x3xf32>
    %reduce_sum3A_185 = arith.constant dense<0.000000e+00> : vector<256xf32>
    %reduce_sum3A_186 = vector.multi_reduction <add>, %mul3A_184, %reduce_sum3A_185 [1] : vector<256x3xf32> to vector<256xf32>
    %broadcast_in_dim3A_187 = vector.shape_cast %reduce_sum3A_186 : vector<256xf32> to vector<256x1xf32>
    %add3A_188 = arith.addf %dot_general3A_12, %squeeze3A_180 : vector<256x128xf32>
    %mul3A_189 = vector.broadcast %broadcast_in_dim3A_187 : vector<256x1xf32> to vector<256x128xf32>
    %mul3A_190 = vector.broadcast %get3A_15 : vector<1x128xf32> to vector<256x128xf32>
    %mul3A_191 = arith.mulf %mul3A_189, %mul3A_190 : vector<256x128xf32>
    %add3A_192 = arith.addf %add3A_188, %mul3A_191 : vector<256x128xf32>
    %add3A_193 = vector.broadcast %get3A_18 : vector<1x128xf32> to vector<256x128xf32>
    %add3A_194 = arith.addf %add3A_192, %add3A_193 : vector<256x128xf32>
    %logistic3A_195 = arith.negf %add3A_194 : vector<256x128xf32>
    %logistic3A_196 = math.exp %logistic3A_195 : vector<256x128xf32>
    %logistic3A_197 = arith.constant 1.000000e+00 : f32
    %logistic3A_198 = vector.broadcast %logistic3A_197 : f32 to vector<256x128xf32>
    %logistic3A_199 = arith.addf %logistic3A_198, %logistic3A_196 : vector<256x128xf32>
    %logistic3A_200 = arith.divf %logistic3A_198, %logistic3A_199 : vector<256x128xf32>
    %mul3A_201 = arith.mulf %add3A_194, %logistic3A_200 : vector<256x128xf32>
    %dot_general3A_202 = arith.constant dense<0.000000e+00> : vector<256x128xf32>
    %dot_general3A_203 = tpu.matmul %mul3A_201, %get3A_24, %dot_general3A_202 {dimension_numbers = #tpu.dot_dimension_numbers<[1], [0], [0], [1], [0, 0, 1, 1], [], []>, transpose_lhs_hint = false} : vector<256x128xf32>, vector<128x128xf32>, vector<256x128xf32> -> vector<256x128xf32>
    %add3A_204 = vector.broadcast %get3A_21 : vector<1x128xf32> to vector<256x128xf32>
    %add3A_205 = arith.addf %dot_general3A_203, %add3A_204 : vector<256x128xf32>
    %add3A_206 = arith.addf %add3A_168, %add3A_205 : vector<256x128xf32>
    %mul3A_207 = vector.broadcast %get3A_27 : vector<1x128xf32> to vector<256x128xf32>
    %mul3A_208 = arith.mulf %add3A_205, %mul3A_207 : vector<256x128xf32>
    %reduce_sum3A_209 = arith.constant dense<0.000000e+00> : vector<256xf32>
    %reduce_sum3A_210 = vector.multi_reduction <add>, %mul3A_208, %reduce_sum3A_209 [1] : vector<256x128xf32> to vector<256xf32>
    %broadcast_in_dim3A_211 = vector.shape_cast %reduce_sum3A_210 : vector<256xf32> to vector<256x1xf32>
    %add3A_212 = vector.broadcast %get3A_30 : vector<1x1xf32> to vector<256x1xf32>
    %add3A_213 = arith.addf %broadcast_in_dim3A_211, %add3A_212 : vector<256x1xf32>
    %mul3A_214 = vector.broadcast %add3A_213 : vector<256x1xf32> to vector<256x3xf32>
    %mul3A_215 = arith.mulf %mul3A_214, %sub3A_183 : vector<256x3xf32>
    %add3A_216 = arith.addf %add3A_178, %mul3A_215 : vector<256x3xf32>
    %slice3A_217 = vector.extract_strided_slice %get3A_8 {offsets = [5, 0, 0], sizes = [1, 256, 128], strides = [1, 1, 1]} : vector<20x256x144xf32> to vector<1x256x128xf32>
    %squeeze3A_218 = vector.shape_cast %slice3A_217 : vector<1x256x128xf32> to vector<256x128xf32>
    %slice3A_219 = vector.extract_strided_slice %get3A_8 {offsets = [5, 0, 128], sizes = [1, 256, 3], strides = [1, 1, 1]} : vector<20x256x144xf32> to vector<1x256x3xf32>
    %squeeze3A_220 = vector.shape_cast %slice3A_219 : vector<1x256x3xf32> to vector<256x3xf32>
    %sub3A_221 = arith.subf %squeeze3A_220, %get3A_4 : vector<256x3xf32>
    %mul3A_222 = arith.mulf %sub3A_221, %sub3A_221 : vector<256x3xf32>
    %reduce_sum3A_223 = arith.constant dense<0.000000e+00> : vector<256xf32>
    %reduce_sum3A_224 = vector.multi_reduction <add>, %mul3A_222, %reduce_sum3A_223 [1] : vector<256x3xf32> to vector<256xf32>
    %broadcast_in_dim3A_225 = vector.shape_cast %reduce_sum3A_224 : vector<256xf32> to vector<256x1xf32>
    %add3A_226 = arith.addf %dot_general3A_12, %squeeze3A_218 : vector<256x128xf32>
    %mul3A_227 = vector.broadcast %broadcast_in_dim3A_225 : vector<256x1xf32> to vector<256x128xf32>
    %mul3A_228 = vector.broadcast %get3A_15 : vector<1x128xf32> to vector<256x128xf32>
    %mul3A_229 = arith.mulf %mul3A_227, %mul3A_228 : vector<256x128xf32>
    %add3A_230 = arith.addf %add3A_226, %mul3A_229 : vector<256x128xf32>
    %add3A_231 = vector.broadcast %get3A_18 : vector<1x128xf32> to vector<256x128xf32>
    %add3A_232 = arith.addf %add3A_230, %add3A_231 : vector<256x128xf32>
    %logistic3A_233 = arith.negf %add3A_232 : vector<256x128xf32>
    %logistic3A_234 = math.exp %logistic3A_233 : vector<256x128xf32>
    %logistic3A_235 = arith.constant 1.000000e+00 : f32
    %logistic3A_236 = vector.broadcast %logistic3A_235 : f32 to vector<256x128xf32>
    %logistic3A_237 = arith.addf %logistic3A_236, %logistic3A_234 : vector<256x128xf32>
    %logistic3A_238 = arith.divf %logistic3A_236, %logistic3A_237 : vector<256x128xf32>
    %mul3A_239 = arith.mulf %add3A_232, %logistic3A_238 : vector<256x128xf32>
    %dot_general3A_240 = arith.constant dense<0.000000e+00> : vector<256x128xf32>
    %dot_general3A_241 = tpu.matmul %mul3A_239, %get3A_24, %dot_general3A_240 {dimension_numbers = #tpu.dot_dimension_numbers<[1], [0], [0], [1], [0, 0, 1, 1], [], []>, transpose_lhs_hint = false} : vector<256x128xf32>, vector<128x128xf32>, vector<256x128xf32> -> vector<256x128xf32>
    %add3A_242 = vector.broadcast %get3A_21 : vector<1x128xf32> to vector<256x128xf32>
    %add3A_243 = arith.addf %dot_general3A_241, %add3A_242 : vector<256x128xf32>
    %add3A_244 = arith.addf %add3A_206, %add3A_243 : vector<256x128xf32>
    %mul3A_245 = vector.broadcast %get3A_27 : vector<1x128xf32> to vector<256x128xf32>
    %mul3A_246 = arith.mulf %add3A_243, %mul3A_245 : vector<256x128xf32>
    %reduce_sum3A_247 = arith.constant dense<0.000000e+00> : vector<256xf32>
    %reduce_sum3A_248 = vector.multi_reduction <add>, %mul3A_246, %reduce_sum3A_247 [1] : vector<256x128xf32> to vector<256xf32>
    %broadcast_in_dim3A_249 = vector.shape_cast %reduce_sum3A_248 : vector<256xf32> to vector<256x1xf32>
    %add3A_250 = vector.broadcast %get3A_30 : vector<1x1xf32> to vector<256x1xf32>
    %add3A_251 = arith.addf %broadcast_in_dim3A_249, %add3A_250 : vector<256x1xf32>
    %mul3A_252 = vector.broadcast %add3A_251 : vector<256x1xf32> to vector<256x3xf32>
    %mul3A_253 = arith.mulf %mul3A_252, %sub3A_221 : vector<256x3xf32>
    %add3A_254 = arith.addf %add3A_216, %mul3A_253 : vector<256x3xf32>
    %slice3A_255 = vector.extract_strided_slice %get3A_8 {offsets = [6, 0, 0], sizes = [1, 256, 128], strides = [1, 1, 1]} : vector<20x256x144xf32> to vector<1x256x128xf32>
    %squeeze3A_256 = vector.shape_cast %slice3A_255 : vector<1x256x128xf32> to vector<256x128xf32>
    %slice3A_257 = vector.extract_strided_slice %get3A_8 {offsets = [6, 0, 128], sizes = [1, 256, 3], strides = [1, 1, 1]} : vector<20x256x144xf32> to vector<1x256x3xf32>
    %squeeze3A_258 = vector.shape_cast %slice3A_257 : vector<1x256x3xf32> to vector<256x3xf32>
    %sub3A_259 = arith.subf %squeeze3A_258, %get3A_4 : vector<256x3xf32>
    %mul3A_260 = arith.mulf %sub3A_259, %sub3A_259 : vector<256x3xf32>
    %reduce_sum3A_261 = arith.constant dense<0.000000e+00> : vector<256xf32>
    %reduce_sum3A_262 = vector.multi_reduction <add>, %mul3A_260, %reduce_sum3A_261 [1] : vector<256x3xf32> to vector<256xf32>
    %broadcast_in_dim3A_263 = vector.shape_cast %reduce_sum3A_262 : vector<256xf32> to vector<256x1xf32>
    %add3A_264 = arith.addf %dot_general3A_12, %squeeze3A_256 : vector<256x128xf32>
    %mul3A_265 = vector.broadcast %broadcast_in_dim3A_263 : vector<256x1xf32> to vector<256x128xf32>
    %mul3A_266 = vector.broadcast %get3A_15 : vector<1x128xf32> to vector<256x128xf32>
    %mul3A_267 = arith.mulf %mul3A_265, %mul3A_266 : vector<256x128xf32>
    %add3A_268 = arith.addf %add3A_264, %mul3A_267 : vector<256x128xf32>
    %add3A_269 = vector.broadcast %get3A_18 : vector<1x128xf32> to vector<256x128xf32>
    %add3A_270 = arith.addf %add3A_268, %add3A_269 : vector<256x128xf32>
    %logistic3A_271 = arith.negf %add3A_270 : vector<256x128xf32>
    %logistic3A_272 = math.exp %logistic3A_271 : vector<256x128xf32>
    %logistic3A_273 = arith.constant 1.000000e+00 : f32
    %logistic3A_274 = vector.broadcast %logistic3A_273 : f32 to vector<256x128xf32>
    %logistic3A_275 = arith.addf %logistic3A_274, %logistic3A_272 : vector<256x128xf32>
    %logistic3A_276 = arith.divf %logistic3A_274, %logistic3A_275 : vector<256x128xf32>
    %mul3A_277 = arith.mulf %add3A_270, %logistic3A_276 : vector<256x128xf32>
    %dot_general3A_278 = arith.constant dense<0.000000e+00> : vector<256x128xf32>
    %dot_general3A_279 = tpu.matmul %mul3A_277, %get3A_24, %dot_general3A_278 {dimension_numbers = #tpu.dot_dimension_numbers<[1], [0], [0], [1], [0, 0, 1, 1], [], []>, transpose_lhs_hint = false} : vector<256x128xf32>, vector<128x128xf32>, vector<256x128xf32> -> vector<256x128xf32>
    %add3A_280 = vector.broadcast %get3A_21 : vector<1x128xf32> to vector<256x128xf32>
    %add3A_281 = arith.addf %dot_general3A_279, %add3A_280 : vector<256x128xf32>
    %add3A_282 = arith.addf %add3A_244, %add3A_281 : vector<256x128xf32>
    %mul3A_283 = vector.broadcast %get3A_27 : vector<1x128xf32> to vector<256x128xf32>
    %mul3A_284 = arith.mulf %add3A_281, %mul3A_283 : vector<256x128xf32>
    %reduce_sum3A_285 = arith.constant dense<0.000000e+00> : vector<256xf32>
    %reduce_sum3A_286 = vector.multi_reduction <add>, %mul3A_284, %reduce_sum3A_285 [1] : vector<256x128xf32> to vector<256xf32>
    %broadcast_in_dim3A_287 = vector.shape_cast %reduce_sum3A_286 : vector<256xf32> to vector<256x1xf32>
    %add3A_288 = vector.broadcast %get3A_30 : vector<1x1xf32> to vector<256x1xf32>
    %add3A_289 = arith.addf %broadcast_in_dim3A_287, %add3A_288 : vector<256x1xf32>
    %mul3A_290 = vector.broadcast %add3A_289 : vector<256x1xf32> to vector<256x3xf32>
    %mul3A_291 = arith.mulf %mul3A_290, %sub3A_259 : vector<256x3xf32>
    %add3A_292 = arith.addf %add3A_254, %mul3A_291 : vector<256x3xf32>
    %slice3A_293 = vector.extract_strided_slice %get3A_8 {offsets = [7, 0, 0], sizes = [1, 256, 128], strides = [1, 1, 1]} : vector<20x256x144xf32> to vector<1x256x128xf32>
    %squeeze3A_294 = vector.shape_cast %slice3A_293 : vector<1x256x128xf32> to vector<256x128xf32>
    %slice3A_295 = vector.extract_strided_slice %get3A_8 {offsets = [7, 0, 128], sizes = [1, 256, 3], strides = [1, 1, 1]} : vector<20x256x144xf32> to vector<1x256x3xf32>
    %squeeze3A_296 = vector.shape_cast %slice3A_295 : vector<1x256x3xf32> to vector<256x3xf32>
    %sub3A_297 = arith.subf %squeeze3A_296, %get3A_4 : vector<256x3xf32>
    %mul3A_298 = arith.mulf %sub3A_297, %sub3A_297 : vector<256x3xf32>
    %reduce_sum3A_299 = arith.constant dense<0.000000e+00> : vector<256xf32>
    %reduce_sum3A_300 = vector.multi_reduction <add>, %mul3A_298, %reduce_sum3A_299 [1] : vector<256x3xf32> to vector<256xf32>
    %broadcast_in_dim3A_301 = vector.shape_cast %reduce_sum3A_300 : vector<256xf32> to vector<256x1xf32>
    %add3A_302 = arith.addf %dot_general3A_12, %squeeze3A_294 : vector<256x128xf32>
    %mul3A_303 = vector.broadcast %broadcast_in_dim3A_301 : vector<256x1xf32> to vector<256x128xf32>
    %mul3A_304 = vector.broadcast %get3A_15 : vector<1x128xf32> to vector<256x128xf32>
    %mul3A_305 = arith.mulf %mul3A_303, %mul3A_304 : vector<256x128xf32>
    %add3A_306 = arith.addf %add3A_302, %mul3A_305 : vector<256x128xf32>
    %add3A_307 = vector.broadcast %get3A_18 : vector<1x128xf32> to vector<256x128xf32>
    %add3A_308 = arith.addf %add3A_306, %add3A_307 : vector<256x128xf32>
    %logistic3A_309 = arith.negf %add3A_308 : vector<256x128xf32>
    %logistic3A_310 = math.exp %logistic3A_309 : vector<256x128xf32>
    %logistic3A_311 = arith.constant 1.000000e+00 : f32
    %logistic3A_312 = vector.broadcast %logistic3A_311 : f32 to vector<256x128xf32>
    %logistic3A_313 = arith.addf %logistic3A_312, %logistic3A_310 : vector<256x128xf32>
    %logistic3A_314 = arith.divf %logistic3A_312, %logistic3A_313 : vector<256x128xf32>
    %mul3A_315 = arith.mulf %add3A_308, %logistic3A_314 : vector<256x128xf32>
    %dot_general3A_316 = arith.constant dense<0.000000e+00> : vector<256x128xf32>
    %dot_general3A_317 = tpu.matmul %mul3A_315, %get3A_24, %dot_general3A_316 {dimension_numbers = #tpu.dot_dimension_numbers<[1], [0], [0], [1], [0, 0, 1, 1], [], []>, transpose_lhs_hint = false} : vector<256x128xf32>, vector<128x128xf32>, vector<256x128xf32> -> vector<256x128xf32>
    %add3A_318 = vector.broadcast %get3A_21 : vector<1x128xf32> to vector<256x128xf32>
    %add3A_319 = arith.addf %dot_general3A_317, %add3A_318 : vector<256x128xf32>
    %add3A_320 = arith.addf %add3A_282, %add3A_319 : vector<256x128xf32>
    %mul3A_321 = vector.broadcast %get3A_27 : vector<1x128xf32> to vector<256x128xf32>
    %mul3A_322 = arith.mulf %add3A_319, %mul3A_321 : vector<256x128xf32>
    %reduce_sum3A_323 = arith.constant dense<0.000000e+00> : vector<256xf32>
    %reduce_sum3A_324 = vector.multi_reduction <add>, %mul3A_322, %reduce_sum3A_323 [1] : vector<256x128xf32> to vector<256xf32>
    %broadcast_in_dim3A_325 = vector.shape_cast %reduce_sum3A_324 : vector<256xf32> to vector<256x1xf32>
    %add3A_326 = vector.broadcast %get3A_30 : vector<1x1xf32> to vector<256x1xf32>
    %add3A_327 = arith.addf %broadcast_in_dim3A_325, %add3A_326 : vector<256x1xf32>
    %mul3A_328 = vector.broadcast %add3A_327 : vector<256x1xf32> to vector<256x3xf32>
    %mul3A_329 = arith.mulf %mul3A_328, %sub3A_297 : vector<256x3xf32>
    %add3A_330 = arith.addf %add3A_292, %mul3A_329 : vector<256x3xf32>
    %slice3A_331 = vector.extract_strided_slice %get3A_8 {offsets = [8, 0, 0], sizes = [1, 256, 128], strides = [1, 1, 1]} : vector<20x256x144xf32> to vector<1x256x128xf32>
    %squeeze3A_332 = vector.shape_cast %slice3A_331 : vector<1x256x128xf32> to vector<256x128xf32>
    %slice3A_333 = vector.extract_strided_slice %get3A_8 {offsets = [8, 0, 128], sizes = [1, 256, 3], strides = [1, 1, 1]} : vector<20x256x144xf32> to vector<1x256x3xf32>
    %squeeze3A_334 = vector.shape_cast %slice3A_333 : vector<1x256x3xf32> to vector<256x3xf32>
    %sub3A_335 = arith.subf %squeeze3A_334, %get3A_4 : vector<256x3xf32>
    %mul3A_336 = arith.mulf %sub3A_335, %sub3A_335 : vector<256x3xf32>
    %reduce_sum3A_337 = arith.constant dense<0.000000e+00> : vector<256xf32>
    %reduce_sum3A_338 = vector.multi_reduction <add>, %mul3A_336, %reduce_sum3A_337 [1] : vector<256x3xf32> to vector<256xf32>
    %broadcast_in_dim3A_339 = vector.shape_cast %reduce_sum3A_338 : vector<256xf32> to vector<256x1xf32>
    %add3A_340 = arith.addf %dot_general3A_12, %squeeze3A_332 : vector<256x128xf32>
    %mul3A_341 = vector.broadcast %broadcast_in_dim3A_339 : vector<256x1xf32> to vector<256x128xf32>
    %mul3A_342 = vector.broadcast %get3A_15 : vector<1x128xf32> to vector<256x128xf32>
    %mul3A_343 = arith.mulf %mul3A_341, %mul3A_342 : vector<256x128xf32>
    %add3A_344 = arith.addf %add3A_340, %mul3A_343 : vector<256x128xf32>
    %add3A_345 = vector.broadcast %get3A_18 : vector<1x128xf32> to vector<256x128xf32>
    %add3A_346 = arith.addf %add3A_344, %add3A_345 : vector<256x128xf32>
    %logistic3A_347 = arith.negf %add3A_346 : vector<256x128xf32>
    %logistic3A_348 = math.exp %logistic3A_347 : vector<256x128xf32>
    %logistic3A_349 = arith.constant 1.000000e+00 : f32
    %logistic3A_350 = vector.broadcast %logistic3A_349 : f32 to vector<256x128xf32>
    %logistic3A_351 = arith.addf %logistic3A_350, %logistic3A_348 : vector<256x128xf32>
    %logistic3A_352 = arith.divf %logistic3A_350, %logistic3A_351 : vector<256x128xf32>
    %mul3A_353 = arith.mulf %add3A_346, %logistic3A_352 : vector<256x128xf32>
    %dot_general3A_354 = arith.constant dense<0.000000e+00> : vector<256x128xf32>
    %dot_general3A_355 = tpu.matmul %mul3A_353, %get3A_24, %dot_general3A_354 {dimension_numbers = #tpu.dot_dimension_numbers<[1], [0], [0], [1], [0, 0, 1, 1], [], []>, transpose_lhs_hint = false} : vector<256x128xf32>, vector<128x128xf32>, vector<256x128xf32> -> vector<256x128xf32>
    %add3A_356 = vector.broadcast %get3A_21 : vector<1x128xf32> to vector<256x128xf32>
    %add3A_357 = arith.addf %dot_general3A_355, %add3A_356 : vector<256x128xf32>
    %add3A_358 = arith.addf %add3A_320, %add3A_357 : vector<256x128xf32>
    %mul3A_359 = vector.broadcast %get3A_27 : vector<1x128xf32> to vector<256x128xf32>
    %mul3A_360 = arith.mulf %add3A_357, %mul3A_359 : vector<256x128xf32>
    %reduce_sum3A_361 = arith.constant dense<0.000000e+00> : vector<256xf32>
    %reduce_sum3A_362 = vector.multi_reduction <add>, %mul3A_360, %reduce_sum3A_361 [1] : vector<256x128xf32> to vector<256xf32>
    %broadcast_in_dim3A_363 = vector.shape_cast %reduce_sum3A_362 : vector<256xf32> to vector<256x1xf32>
    %add3A_364 = vector.broadcast %get3A_30 : vector<1x1xf32> to vector<256x1xf32>
    %add3A_365 = arith.addf %broadcast_in_dim3A_363, %add3A_364 : vector<256x1xf32>
    %mul3A_366 = vector.broadcast %add3A_365 : vector<256x1xf32> to vector<256x3xf32>
    %mul3A_367 = arith.mulf %mul3A_366, %sub3A_335 : vector<256x3xf32>
    %add3A_368 = arith.addf %add3A_330, %mul3A_367 : vector<256x3xf32>
    %slice3A_369 = vector.extract_strided_slice %get3A_8 {offsets = [9, 0, 0], sizes = [1, 256, 128], strides = [1, 1, 1]} : vector<20x256x144xf32> to vector<1x256x128xf32>
    %squeeze3A_370 = vector.shape_cast %slice3A_369 : vector<1x256x128xf32> to vector<256x128xf32>
    %slice3A_371 = vector.extract_strided_slice %get3A_8 {offsets = [9, 0, 128], sizes = [1, 256, 3], strides = [1, 1, 1]} : vector<20x256x144xf32> to vector<1x256x3xf32>
    %squeeze3A_372 = vector.shape_cast %slice3A_371 : vector<1x256x3xf32> to vector<256x3xf32>
    %sub3A_373 = arith.subf %squeeze3A_372, %get3A_4 : vector<256x3xf32>
    %mul3A_374 = arith.mulf %sub3A_373, %sub3A_373 : vector<256x3xf32>
    %reduce_sum3A_375 = arith.constant dense<0.000000e+00> : vector<256xf32>
    %reduce_sum3A_376 = vector.multi_reduction <add>, %mul3A_374, %reduce_sum3A_375 [1] : vector<256x3xf32> to vector<256xf32>
    %broadcast_in_dim3A_377 = vector.shape_cast %reduce_sum3A_376 : vector<256xf32> to vector<256x1xf32>
    %add3A_378 = arith.addf %dot_general3A_12, %squeeze3A_370 : vector<256x128xf32>
    %mul3A_379 = vector.broadcast %broadcast_in_dim3A_377 : vector<256x1xf32> to vector<256x128xf32>
    %mul3A_380 = vector.broadcast %get3A_15 : vector<1x128xf32> to vector<256x128xf32>
    %mul3A_381 = arith.mulf %mul3A_379, %mul3A_380 : vector<256x128xf32>
    %add3A_382 = arith.addf %add3A_378, %mul3A_381 : vector<256x128xf32>
    %add3A_383 = vector.broadcast %get3A_18 : vector<1x128xf32> to vector<256x128xf32>
    %add3A_384 = arith.addf %add3A_382, %add3A_383 : vector<256x128xf32>
    %logistic3A_385 = arith.negf %add3A_384 : vector<256x128xf32>
    %logistic3A_386 = math.exp %logistic3A_385 : vector<256x128xf32>
    %logistic3A_387 = arith.constant 1.000000e+00 : f32
    %logistic3A_388 = vector.broadcast %logistic3A_387 : f32 to vector<256x128xf32>
    %logistic3A_389 = arith.addf %logistic3A_388, %logistic3A_386 : vector<256x128xf32>
    %logistic3A_390 = arith.divf %logistic3A_388, %logistic3A_389 : vector<256x128xf32>
    %mul3A_391 = arith.mulf %add3A_384, %logistic3A_390 : vector<256x128xf32>
    %dot_general3A_392 = arith.constant dense<0.000000e+00> : vector<256x128xf32>
    %dot_general3A_393 = tpu.matmul %mul3A_391, %get3A_24, %dot_general3A_392 {dimension_numbers = #tpu.dot_dimension_numbers<[1], [0], [0], [1], [0, 0, 1, 1], [], []>, transpose_lhs_hint = false} : vector<256x128xf32>, vector<128x128xf32>, vector<256x128xf32> -> vector<256x128xf32>
    %add3A_394 = vector.broadcast %get3A_21 : vector<1x128xf32> to vector<256x128xf32>
    %add3A_395 = arith.addf %dot_general3A_393, %add3A_394 : vector<256x128xf32>
    %add3A_396 = arith.addf %add3A_358, %add3A_395 : vector<256x128xf32>
    %mul3A_397 = vector.broadcast %get3A_27 : vector<1x128xf32> to vector<256x128xf32>
    %mul3A_398 = arith.mulf %add3A_395, %mul3A_397 : vector<256x128xf32>
    %reduce_sum3A_399 = arith.constant dense<0.000000e+00> : vector<256xf32>
    %reduce_sum3A_400 = vector.multi_reduction <add>, %mul3A_398, %reduce_sum3A_399 [1] : vector<256x128xf32> to vector<256xf32>
    %broadcast_in_dim3A_401 = vector.shape_cast %reduce_sum3A_400 : vector<256xf32> to vector<256x1xf32>
    %add3A_402 = vector.broadcast %get3A_30 : vector<1x1xf32> to vector<256x1xf32>
    %add3A_403 = arith.addf %broadcast_in_dim3A_401, %add3A_402 : vector<256x1xf32>
    %mul3A_404 = vector.broadcast %add3A_403 : vector<256x1xf32> to vector<256x3xf32>
    %mul3A_405 = arith.mulf %mul3A_404, %sub3A_373 : vector<256x3xf32>
    %add3A_406 = arith.addf %add3A_368, %mul3A_405 : vector<256x3xf32>
    %slice3A_407 = vector.extract_strided_slice %get3A_8 {offsets = [10, 0, 0], sizes = [1, 256, 128], strides = [1, 1, 1]} : vector<20x256x144xf32> to vector<1x256x128xf32>
    %squeeze3A_408 = vector.shape_cast %slice3A_407 : vector<1x256x128xf32> to vector<256x128xf32>
    %slice3A_409 = vector.extract_strided_slice %get3A_8 {offsets = [10, 0, 128], sizes = [1, 256, 3], strides = [1, 1, 1]} : vector<20x256x144xf32> to vector<1x256x3xf32>
    %squeeze3A_410 = vector.shape_cast %slice3A_409 : vector<1x256x3xf32> to vector<256x3xf32>
    %sub3A_411 = arith.subf %squeeze3A_410, %get3A_4 : vector<256x3xf32>
    %mul3A_412 = arith.mulf %sub3A_411, %sub3A_411 : vector<256x3xf32>
    %reduce_sum3A_413 = arith.constant dense<0.000000e+00> : vector<256xf32>
    %reduce_sum3A_414 = vector.multi_reduction <add>, %mul3A_412, %reduce_sum3A_413 [1] : vector<256x3xf32> to vector<256xf32>
    %broadcast_in_dim3A_415 = vector.shape_cast %reduce_sum3A_414 : vector<256xf32> to vector<256x1xf32>
    %add3A_416 = arith.addf %dot_general3A_12, %squeeze3A_408 : vector<256x128xf32>
    %mul3A_417 = vector.broadcast %broadcast_in_dim3A_415 : vector<256x1xf32> to vector<256x128xf32>
    %mul3A_418 = vector.broadcast %get3A_15 : vector<1x128xf32> to vector<256x128xf32>
    %mul3A_419 = arith.mulf %mul3A_417, %mul3A_418 : vector<256x128xf32>
    %add3A_420 = arith.addf %add3A_416, %mul3A_419 : vector<256x128xf32>
    %add3A_421 = vector.broadcast %get3A_18 : vector<1x128xf32> to vector<256x128xf32>
    %add3A_422 = arith.addf %add3A_420, %add3A_421 : vector<256x128xf32>
    %logistic3A_423 = arith.negf %add3A_422 : vector<256x128xf32>
    %logistic3A_424 = math.exp %logistic3A_423 : vector<256x128xf32>
    %logistic3A_425 = arith.constant 1.000000e+00 : f32
    %logistic3A_426 = vector.broadcast %logistic3A_425 : f32 to vector<256x128xf32>
    %logistic3A_427 = arith.addf %logistic3A_426, %logistic3A_424 : vector<256x128xf32>
    %logistic3A_428 = arith.divf %logistic3A_426, %logistic3A_427 : vector<256x128xf32>
    %mul3A_429 = arith.mulf %add3A_422, %logistic3A_428 : vector<256x128xf32>
    %dot_general3A_430 = arith.constant dense<0.000000e+00> : vector<256x128xf32>
    %dot_general3A_431 = tpu.matmul %mul3A_429, %get3A_24, %dot_general3A_430 {dimension_numbers = #tpu.dot_dimension_numbers<[1], [0], [0], [1], [0, 0, 1, 1], [], []>, transpose_lhs_hint = false} : vector<256x128xf32>, vector<128x128xf32>, vector<256x128xf32> -> vector<256x128xf32>
    %add3A_432 = vector.broadcast %get3A_21 : vector<1x128xf32> to vector<256x128xf32>
    %add3A_433 = arith.addf %dot_general3A_431, %add3A_432 : vector<256x128xf32>
    %add3A_434 = arith.addf %add3A_396, %add3A_433 : vector<256x128xf32>
    %mul3A_435 = vector.broadcast %get3A_27 : vector<1x128xf32> to vector<256x128xf32>
    %mul3A_436 = arith.mulf %add3A_433, %mul3A_435 : vector<256x128xf32>
    %reduce_sum3A_437 = arith.constant dense<0.000000e+00> : vector<256xf32>
    %reduce_sum3A_438 = vector.multi_reduction <add>, %mul3A_436, %reduce_sum3A_437 [1] : vector<256x128xf32> to vector<256xf32>
    %broadcast_in_dim3A_439 = vector.shape_cast %reduce_sum3A_438 : vector<256xf32> to vector<256x1xf32>
    %add3A_440 = vector.broadcast %get3A_30 : vector<1x1xf32> to vector<256x1xf32>
    %add3A_441 = arith.addf %broadcast_in_dim3A_439, %add3A_440 : vector<256x1xf32>
    %mul3A_442 = vector.broadcast %add3A_441 : vector<256x1xf32> to vector<256x3xf32>
    %mul3A_443 = arith.mulf %mul3A_442, %sub3A_411 : vector<256x3xf32>
    %add3A_444 = arith.addf %add3A_406, %mul3A_443 : vector<256x3xf32>
    %slice3A_445 = vector.extract_strided_slice %get3A_8 {offsets = [11, 0, 0], sizes = [1, 256, 128], strides = [1, 1, 1]} : vector<20x256x144xf32> to vector<1x256x128xf32>
    %squeeze3A_446 = vector.shape_cast %slice3A_445 : vector<1x256x128xf32> to vector<256x128xf32>
    %slice3A_447 = vector.extract_strided_slice %get3A_8 {offsets = [11, 0, 128], sizes = [1, 256, 3], strides = [1, 1, 1]} : vector<20x256x144xf32> to vector<1x256x3xf32>
    %squeeze3A_448 = vector.shape_cast %slice3A_447 : vector<1x256x3xf32> to vector<256x3xf32>
    %sub3A_449 = arith.subf %squeeze3A_448, %get3A_4 : vector<256x3xf32>
    %mul3A_450 = arith.mulf %sub3A_449, %sub3A_449 : vector<256x3xf32>
    %reduce_sum3A_451 = arith.constant dense<0.000000e+00> : vector<256xf32>
    %reduce_sum3A_452 = vector.multi_reduction <add>, %mul3A_450, %reduce_sum3A_451 [1] : vector<256x3xf32> to vector<256xf32>
    %broadcast_in_dim3A_453 = vector.shape_cast %reduce_sum3A_452 : vector<256xf32> to vector<256x1xf32>
    %add3A_454 = arith.addf %dot_general3A_12, %squeeze3A_446 : vector<256x128xf32>
    %mul3A_455 = vector.broadcast %broadcast_in_dim3A_453 : vector<256x1xf32> to vector<256x128xf32>
    %mul3A_456 = vector.broadcast %get3A_15 : vector<1x128xf32> to vector<256x128xf32>
    %mul3A_457 = arith.mulf %mul3A_455, %mul3A_456 : vector<256x128xf32>
    %add3A_458 = arith.addf %add3A_454, %mul3A_457 : vector<256x128xf32>
    %add3A_459 = vector.broadcast %get3A_18 : vector<1x128xf32> to vector<256x128xf32>
    %add3A_460 = arith.addf %add3A_458, %add3A_459 : vector<256x128xf32>
    %logistic3A_461 = arith.negf %add3A_460 : vector<256x128xf32>
    %logistic3A_462 = math.exp %logistic3A_461 : vector<256x128xf32>
    %logistic3A_463 = arith.constant 1.000000e+00 : f32
    %logistic3A_464 = vector.broadcast %logistic3A_463 : f32 to vector<256x128xf32>
    %logistic3A_465 = arith.addf %logistic3A_464, %logistic3A_462 : vector<256x128xf32>
    %logistic3A_466 = arith.divf %logistic3A_464, %logistic3A_465 : vector<256x128xf32>
    %mul3A_467 = arith.mulf %add3A_460, %logistic3A_466 : vector<256x128xf32>
    %dot_general3A_468 = arith.constant dense<0.000000e+00> : vector<256x128xf32>
    %dot_general3A_469 = tpu.matmul %mul3A_467, %get3A_24, %dot_general3A_468 {dimension_numbers = #tpu.dot_dimension_numbers<[1], [0], [0], [1], [0, 0, 1, 1], [], []>, transpose_lhs_hint = false} : vector<256x128xf32>, vector<128x128xf32>, vector<256x128xf32> -> vector<256x128xf32>
    %add3A_470 = vector.broadcast %get3A_21 : vector<1x128xf32> to vector<256x128xf32>
    %add3A_471 = arith.addf %dot_general3A_469, %add3A_470 : vector<256x128xf32>
    %add3A_472 = arith.addf %add3A_434, %add3A_471 : vector<256x128xf32>
    %mul3A_473 = vector.broadcast %get3A_27 : vector<1x128xf32> to vector<256x128xf32>
    %mul3A_474 = arith.mulf %add3A_471, %mul3A_473 : vector<256x128xf32>
    %reduce_sum3A_475 = arith.constant dense<0.000000e+00> : vector<256xf32>
    %reduce_sum3A_476 = vector.multi_reduction <add>, %mul3A_474, %reduce_sum3A_475 [1] : vector<256x128xf32> to vector<256xf32>
    %broadcast_in_dim3A_477 = vector.shape_cast %reduce_sum3A_476 : vector<256xf32> to vector<256x1xf32>
    %add3A_478 = vector.broadcast %get3A_30 : vector<1x1xf32> to vector<256x1xf32>
    %add3A_479 = arith.addf %broadcast_in_dim3A_477, %add3A_478 : vector<256x1xf32>
    %mul3A_480 = vector.broadcast %add3A_479 : vector<256x1xf32> to vector<256x3xf32>
    %mul3A_481 = arith.mulf %mul3A_480, %sub3A_449 : vector<256x3xf32>
    %add3A_482 = arith.addf %add3A_444, %mul3A_481 : vector<256x3xf32>
    %slice3A_483 = vector.extract_strided_slice %get3A_8 {offsets = [12, 0, 0], sizes = [1, 256, 128], strides = [1, 1, 1]} : vector<20x256x144xf32> to vector<1x256x128xf32>
    %squeeze3A_484 = vector.shape_cast %slice3A_483 : vector<1x256x128xf32> to vector<256x128xf32>
    %slice3A_485 = vector.extract_strided_slice %get3A_8 {offsets = [12, 0, 128], sizes = [1, 256, 3], strides = [1, 1, 1]} : vector<20x256x144xf32> to vector<1x256x3xf32>
    %squeeze3A_486 = vector.shape_cast %slice3A_485 : vector<1x256x3xf32> to vector<256x3xf32>
    %sub3A_487 = arith.subf %squeeze3A_486, %get3A_4 : vector<256x3xf32>
    %mul3A_488 = arith.mulf %sub3A_487, %sub3A_487 : vector<256x3xf32>
    %reduce_sum3A_489 = arith.constant dense<0.000000e+00> : vector<256xf32>
    %reduce_sum3A_490 = vector.multi_reduction <add>, %mul3A_488, %reduce_sum3A_489 [1] : vector<256x3xf32> to vector<256xf32>
    %broadcast_in_dim3A_491 = vector.shape_cast %reduce_sum3A_490 : vector<256xf32> to vector<256x1xf32>
    %add3A_492 = arith.addf %dot_general3A_12, %squeeze3A_484 : vector<256x128xf32>
    %mul3A_493 = vector.broadcast %broadcast_in_dim3A_491 : vector<256x1xf32> to vector<256x128xf32>
    %mul3A_494 = vector.broadcast %get3A_15 : vector<1x128xf32> to vector<256x128xf32>
    %mul3A_495 = arith.mulf %mul3A_493, %mul3A_494 : vector<256x128xf32>
    %add3A_496 = arith.addf %add3A_492, %mul3A_495 : vector<256x128xf32>
    %add3A_497 = vector.broadcast %get3A_18 : vector<1x128xf32> to vector<256x128xf32>
    %add3A_498 = arith.addf %add3A_496, %add3A_497 : vector<256x128xf32>
    %logistic3A_499 = arith.negf %add3A_498 : vector<256x128xf32>
    %logistic3A_500 = math.exp %logistic3A_499 : vector<256x128xf32>
    %logistic3A_501 = arith.constant 1.000000e+00 : f32
    %logistic3A_502 = vector.broadcast %logistic3A_501 : f32 to vector<256x128xf32>
    %logistic3A_503 = arith.addf %logistic3A_502, %logistic3A_500 : vector<256x128xf32>
    %logistic3A_504 = arith.divf %logistic3A_502, %logistic3A_503 : vector<256x128xf32>
    %mul3A_505 = arith.mulf %add3A_498, %logistic3A_504 : vector<256x128xf32>
    %dot_general3A_506 = arith.constant dense<0.000000e+00> : vector<256x128xf32>
    %dot_general3A_507 = tpu.matmul %mul3A_505, %get3A_24, %dot_general3A_506 {dimension_numbers = #tpu.dot_dimension_numbers<[1], [0], [0], [1], [0, 0, 1, 1], [], []>, transpose_lhs_hint = false} : vector<256x128xf32>, vector<128x128xf32>, vector<256x128xf32> -> vector<256x128xf32>
    %add3A_508 = vector.broadcast %get3A_21 : vector<1x128xf32> to vector<256x128xf32>
    %add3A_509 = arith.addf %dot_general3A_507, %add3A_508 : vector<256x128xf32>
    %add3A_510 = arith.addf %add3A_472, %add3A_509 : vector<256x128xf32>
    %mul3A_511 = vector.broadcast %get3A_27 : vector<1x128xf32> to vector<256x128xf32>
    %mul3A_512 = arith.mulf %add3A_509, %mul3A_511 : vector<256x128xf32>
    %reduce_sum3A_513 = arith.constant dense<0.000000e+00> : vector<256xf32>
    %reduce_sum3A_514 = vector.multi_reduction <add>, %mul3A_512, %reduce_sum3A_513 [1] : vector<256x128xf32> to vector<256xf32>
    %broadcast_in_dim3A_515 = vector.shape_cast %reduce_sum3A_514 : vector<256xf32> to vector<256x1xf32>
    %add3A_516 = vector.broadcast %get3A_30 : vector<1x1xf32> to vector<256x1xf32>
    %add3A_517 = arith.addf %broadcast_in_dim3A_515, %add3A_516 : vector<256x1xf32>
    %mul3A_518 = vector.broadcast %add3A_517 : vector<256x1xf32> to vector<256x3xf32>
    %mul3A_519 = arith.mulf %mul3A_518, %sub3A_487 : vector<256x3xf32>
    %add3A_520 = arith.addf %add3A_482, %mul3A_519 : vector<256x3xf32>
    %slice3A_521 = vector.extract_strided_slice %get3A_8 {offsets = [13, 0, 0], sizes = [1, 256, 128], strides = [1, 1, 1]} : vector<20x256x144xf32> to vector<1x256x128xf32>
    %squeeze3A_522 = vector.shape_cast %slice3A_521 : vector<1x256x128xf32> to vector<256x128xf32>
    %slice3A_523 = vector.extract_strided_slice %get3A_8 {offsets = [13, 0, 128], sizes = [1, 256, 3], strides = [1, 1, 1]} : vector<20x256x144xf32> to vector<1x256x3xf32>
    %squeeze3A_524 = vector.shape_cast %slice3A_523 : vector<1x256x3xf32> to vector<256x3xf32>
    %sub3A_525 = arith.subf %squeeze3A_524, %get3A_4 : vector<256x3xf32>
    %mul3A_526 = arith.mulf %sub3A_525, %sub3A_525 : vector<256x3xf32>
    %reduce_sum3A_527 = arith.constant dense<0.000000e+00> : vector<256xf32>
    %reduce_sum3A_528 = vector.multi_reduction <add>, %mul3A_526, %reduce_sum3A_527 [1] : vector<256x3xf32> to vector<256xf32>
    %broadcast_in_dim3A_529 = vector.shape_cast %reduce_sum3A_528 : vector<256xf32> to vector<256x1xf32>
    %add3A_530 = arith.addf %dot_general3A_12, %squeeze3A_522 : vector<256x128xf32>
    %mul3A_531 = vector.broadcast %broadcast_in_dim3A_529 : vector<256x1xf32> to vector<256x128xf32>
    %mul3A_532 = vector.broadcast %get3A_15 : vector<1x128xf32> to vector<256x128xf32>
    %mul3A_533 = arith.mulf %mul3A_531, %mul3A_532 : vector<256x128xf32>
    %add3A_534 = arith.addf %add3A_530, %mul3A_533 : vector<256x128xf32>
    %add3A_535 = vector.broadcast %get3A_18 : vector<1x128xf32> to vector<256x128xf32>
    %add3A_536 = arith.addf %add3A_534, %add3A_535 : vector<256x128xf32>
    %logistic3A_537 = arith.negf %add3A_536 : vector<256x128xf32>
    %logistic3A_538 = math.exp %logistic3A_537 : vector<256x128xf32>
    %logistic3A_539 = arith.constant 1.000000e+00 : f32
    %logistic3A_540 = vector.broadcast %logistic3A_539 : f32 to vector<256x128xf32>
    %logistic3A_541 = arith.addf %logistic3A_540, %logistic3A_538 : vector<256x128xf32>
    %logistic3A_542 = arith.divf %logistic3A_540, %logistic3A_541 : vector<256x128xf32>
    %mul3A_543 = arith.mulf %add3A_536, %logistic3A_542 : vector<256x128xf32>
    %dot_general3A_544 = arith.constant dense<0.000000e+00> : vector<256x128xf32>
    %dot_general3A_545 = tpu.matmul %mul3A_543, %get3A_24, %dot_general3A_544 {dimension_numbers = #tpu.dot_dimension_numbers<[1], [0], [0], [1], [0, 0, 1, 1], [], []>, transpose_lhs_hint = false} : vector<256x128xf32>, vector<128x128xf32>, vector<256x128xf32> -> vector<256x128xf32>
    %add3A_546 = vector.broadcast %get3A_21 : vector<1x128xf32> to vector<256x128xf32>
    %add3A_547 = arith.addf %dot_general3A_545, %add3A_546 : vector<256x128xf32>
    %add3A_548 = arith.addf %add3A_510, %add3A_547 : vector<256x128xf32>
    %mul3A_549 = vector.broadcast %get3A_27 : vector<1x128xf32> to vector<256x128xf32>
    %mul3A_550 = arith.mulf %add3A_547, %mul3A_549 : vector<256x128xf32>
    %reduce_sum3A_551 = arith.constant dense<0.000000e+00> : vector<256xf32>
    %reduce_sum3A_552 = vector.multi_reduction <add>, %mul3A_550, %reduce_sum3A_551 [1] : vector<256x128xf32> to vector<256xf32>
    %broadcast_in_dim3A_553 = vector.shape_cast %reduce_sum3A_552 : vector<256xf32> to vector<256x1xf32>
    %add3A_554 = vector.broadcast %get3A_30 : vector<1x1xf32> to vector<256x1xf32>
    %add3A_555 = arith.addf %broadcast_in_dim3A_553, %add3A_554 : vector<256x1xf32>
    %mul3A_556 = vector.broadcast %add3A_555 : vector<256x1xf32> to vector<256x3xf32>
    %mul3A_557 = arith.mulf %mul3A_556, %sub3A_525 : vector<256x3xf32>
    %add3A_558 = arith.addf %add3A_520, %mul3A_557 : vector<256x3xf32>
    %slice3A_559 = vector.extract_strided_slice %get3A_8 {offsets = [14, 0, 0], sizes = [1, 256, 128], strides = [1, 1, 1]} : vector<20x256x144xf32> to vector<1x256x128xf32>
    %squeeze3A_560 = vector.shape_cast %slice3A_559 : vector<1x256x128xf32> to vector<256x128xf32>
    %slice3A_561 = vector.extract_strided_slice %get3A_8 {offsets = [14, 0, 128], sizes = [1, 256, 3], strides = [1, 1, 1]} : vector<20x256x144xf32> to vector<1x256x3xf32>
    %squeeze3A_562 = vector.shape_cast %slice3A_561 : vector<1x256x3xf32> to vector<256x3xf32>
    %sub3A_563 = arith.subf %squeeze3A_562, %get3A_4 : vector<256x3xf32>
    %mul3A_564 = arith.mulf %sub3A_563, %sub3A_563 : vector<256x3xf32>
    %reduce_sum3A_565 = arith.constant dense<0.000000e+00> : vector<256xf32>
    %reduce_sum3A_566 = vector.multi_reduction <add>, %mul3A_564, %reduce_sum3A_565 [1] : vector<256x3xf32> to vector<256xf32>
    %broadcast_in_dim3A_567 = vector.shape_cast %reduce_sum3A_566 : vector<256xf32> to vector<256x1xf32>
    %add3A_568 = arith.addf %dot_general3A_12, %squeeze3A_560 : vector<256x128xf32>
    %mul3A_569 = vector.broadcast %broadcast_in_dim3A_567 : vector<256x1xf32> to vector<256x128xf32>
    %mul3A_570 = vector.broadcast %get3A_15 : vector<1x128xf32> to vector<256x128xf32>
    %mul3A_571 = arith.mulf %mul3A_569, %mul3A_570 : vector<256x128xf32>
    %add3A_572 = arith.addf %add3A_568, %mul3A_571 : vector<256x128xf32>
    %add3A_573 = vector.broadcast %get3A_18 : vector<1x128xf32> to vector<256x128xf32>
    %add3A_574 = arith.addf %add3A_572, %add3A_573 : vector<256x128xf32>
    %logistic3A_575 = arith.negf %add3A_574 : vector<256x128xf32>
    %logistic3A_576 = math.exp %logistic3A_575 : vector<256x128xf32>
    %logistic3A_577 = arith.constant 1.000000e+00 : f32
    %logistic3A_578 = vector.broadcast %logistic3A_577 : f32 to vector<256x128xf32>
    %logistic3A_579 = arith.addf %logistic3A_578, %logistic3A_576 : vector<256x128xf32>
    %logistic3A_580 = arith.divf %logistic3A_578, %logistic3A_579 : vector<256x128xf32>
    %mul3A_581 = arith.mulf %add3A_574, %logistic3A_580 : vector<256x128xf32>
    %dot_general3A_582 = arith.constant dense<0.000000e+00> : vector<256x128xf32>
    %dot_general3A_583 = tpu.matmul %mul3A_581, %get3A_24, %dot_general3A_582 {dimension_numbers = #tpu.dot_dimension_numbers<[1], [0], [0], [1], [0, 0, 1, 1], [], []>, transpose_lhs_hint = false} : vector<256x128xf32>, vector<128x128xf32>, vector<256x128xf32> -> vector<256x128xf32>
    %add3A_584 = vector.broadcast %get3A_21 : vector<1x128xf32> to vector<256x128xf32>
    %add3A_585 = arith.addf %dot_general3A_583, %add3A_584 : vector<256x128xf32>
    %add3A_586 = arith.addf %add3A_548, %add3A_585 : vector<256x128xf32>
    %mul3A_587 = vector.broadcast %get3A_27 : vector<1x128xf32> to vector<256x128xf32>
    %mul3A_588 = arith.mulf %add3A_585, %mul3A_587 : vector<256x128xf32>
    %reduce_sum3A_589 = arith.constant dense<0.000000e+00> : vector<256xf32>
    %reduce_sum3A_590 = vector.multi_reduction <add>, %mul3A_588, %reduce_sum3A_589 [1] : vector<256x128xf32> to vector<256xf32>
    %broadcast_in_dim3A_591 = vector.shape_cast %reduce_sum3A_590 : vector<256xf32> to vector<256x1xf32>
    %add3A_592 = vector.broadcast %get3A_30 : vector<1x1xf32> to vector<256x1xf32>
    %add3A_593 = arith.addf %broadcast_in_dim3A_591, %add3A_592 : vector<256x1xf32>
    %mul3A_594 = vector.broadcast %add3A_593 : vector<256x1xf32> to vector<256x3xf32>
    %mul3A_595 = arith.mulf %mul3A_594, %sub3A_563 : vector<256x3xf32>
    %add3A_596 = arith.addf %add3A_558, %mul3A_595 : vector<256x3xf32>
    %slice3A_597 = vector.extract_strided_slice %get3A_8 {offsets = [15, 0, 0], sizes = [1, 256, 128], strides = [1, 1, 1]} : vector<20x256x144xf32> to vector<1x256x128xf32>
    %squeeze3A_598 = vector.shape_cast %slice3A_597 : vector<1x256x128xf32> to vector<256x128xf32>
    %slice3A_599 = vector.extract_strided_slice %get3A_8 {offsets = [15, 0, 128], sizes = [1, 256, 3], strides = [1, 1, 1]} : vector<20x256x144xf32> to vector<1x256x3xf32>
    %squeeze3A_600 = vector.shape_cast %slice3A_599 : vector<1x256x3xf32> to vector<256x3xf32>
    %sub3A_601 = arith.subf %squeeze3A_600, %get3A_4 : vector<256x3xf32>
    %mul3A_602 = arith.mulf %sub3A_601, %sub3A_601 : vector<256x3xf32>
    %reduce_sum3A_603 = arith.constant dense<0.000000e+00> : vector<256xf32>
    %reduce_sum3A_604 = vector.multi_reduction <add>, %mul3A_602, %reduce_sum3A_603 [1] : vector<256x3xf32> to vector<256xf32>
    %broadcast_in_dim3A_605 = vector.shape_cast %reduce_sum3A_604 : vector<256xf32> to vector<256x1xf32>
    %add3A_606 = arith.addf %dot_general3A_12, %squeeze3A_598 : vector<256x128xf32>
    %mul3A_607 = vector.broadcast %broadcast_in_dim3A_605 : vector<256x1xf32> to vector<256x128xf32>
    %mul3A_608 = vector.broadcast %get3A_15 : vector<1x128xf32> to vector<256x128xf32>
    %mul3A_609 = arith.mulf %mul3A_607, %mul3A_608 : vector<256x128xf32>
    %add3A_610 = arith.addf %add3A_606, %mul3A_609 : vector<256x128xf32>
    %add3A_611 = vector.broadcast %get3A_18 : vector<1x128xf32> to vector<256x128xf32>
    %add3A_612 = arith.addf %add3A_610, %add3A_611 : vector<256x128xf32>
    %logistic3A_613 = arith.negf %add3A_612 : vector<256x128xf32>
    %logistic3A_614 = math.exp %logistic3A_613 : vector<256x128xf32>
    %logistic3A_615 = arith.constant 1.000000e+00 : f32
    %logistic3A_616 = vector.broadcast %logistic3A_615 : f32 to vector<256x128xf32>
    %logistic3A_617 = arith.addf %logistic3A_616, %logistic3A_614 : vector<256x128xf32>
    %logistic3A_618 = arith.divf %logistic3A_616, %logistic3A_617 : vector<256x128xf32>
    %mul3A_619 = arith.mulf %add3A_612, %logistic3A_618 : vector<256x128xf32>
    %dot_general3A_620 = arith.constant dense<0.000000e+00> : vector<256x128xf32>
    %dot_general3A_621 = tpu.matmul %mul3A_619, %get3A_24, %dot_general3A_620 {dimension_numbers = #tpu.dot_dimension_numbers<[1], [0], [0], [1], [0, 0, 1, 1], [], []>, transpose_lhs_hint = false} : vector<256x128xf32>, vector<128x128xf32>, vector<256x128xf32> -> vector<256x128xf32>
    %add3A_622 = vector.broadcast %get3A_21 : vector<1x128xf32> to vector<256x128xf32>
    %add3A_623 = arith.addf %dot_general3A_621, %add3A_622 : vector<256x128xf32>
    %add3A_624 = arith.addf %add3A_586, %add3A_623 : vector<256x128xf32>
    %mul3A_625 = vector.broadcast %get3A_27 : vector<1x128xf32> to vector<256x128xf32>
    %mul3A_626 = arith.mulf %add3A_623, %mul3A_625 : vector<256x128xf32>
    %reduce_sum3A_627 = arith.constant dense<0.000000e+00> : vector<256xf32>
    %reduce_sum3A_628 = vector.multi_reduction <add>, %mul3A_626, %reduce_sum3A_627 [1] : vector<256x128xf32> to vector<256xf32>
    %broadcast_in_dim3A_629 = vector.shape_cast %reduce_sum3A_628 : vector<256xf32> to vector<256x1xf32>
    %add3A_630 = vector.broadcast %get3A_30 : vector<1x1xf32> to vector<256x1xf32>
    %add3A_631 = arith.addf %broadcast_in_dim3A_629, %add3A_630 : vector<256x1xf32>
    %mul3A_632 = vector.broadcast %add3A_631 : vector<256x1xf32> to vector<256x3xf32>
    %mul3A_633 = arith.mulf %mul3A_632, %sub3A_601 : vector<256x3xf32>
    %add3A_634 = arith.addf %add3A_596, %mul3A_633 : vector<256x3xf32>
    %slice3A_635 = vector.extract_strided_slice %get3A_8 {offsets = [16, 0, 0], sizes = [1, 256, 128], strides = [1, 1, 1]} : vector<20x256x144xf32> to vector<1x256x128xf32>
    %squeeze3A_636 = vector.shape_cast %slice3A_635 : vector<1x256x128xf32> to vector<256x128xf32>
    %slice3A_637 = vector.extract_strided_slice %get3A_8 {offsets = [16, 0, 128], sizes = [1, 256, 3], strides = [1, 1, 1]} : vector<20x256x144xf32> to vector<1x256x3xf32>
    %squeeze3A_638 = vector.shape_cast %slice3A_637 : vector<1x256x3xf32> to vector<256x3xf32>
    %sub3A_639 = arith.subf %squeeze3A_638, %get3A_4 : vector<256x3xf32>
    %mul3A_640 = arith.mulf %sub3A_639, %sub3A_639 : vector<256x3xf32>
    %reduce_sum3A_641 = arith.constant dense<0.000000e+00> : vector<256xf32>
    %reduce_sum3A_642 = vector.multi_reduction <add>, %mul3A_640, %reduce_sum3A_641 [1] : vector<256x3xf32> to vector<256xf32>
    %broadcast_in_dim3A_643 = vector.shape_cast %reduce_sum3A_642 : vector<256xf32> to vector<256x1xf32>
    %add3A_644 = arith.addf %dot_general3A_12, %squeeze3A_636 : vector<256x128xf32>
    %mul3A_645 = vector.broadcast %broadcast_in_dim3A_643 : vector<256x1xf32> to vector<256x128xf32>
    %mul3A_646 = vector.broadcast %get3A_15 : vector<1x128xf32> to vector<256x128xf32>
    %mul3A_647 = arith.mulf %mul3A_645, %mul3A_646 : vector<256x128xf32>
    %add3A_648 = arith.addf %add3A_644, %mul3A_647 : vector<256x128xf32>
    %add3A_649 = vector.broadcast %get3A_18 : vector<1x128xf32> to vector<256x128xf32>
    %add3A_650 = arith.addf %add3A_648, %add3A_649 : vector<256x128xf32>
    %logistic3A_651 = arith.negf %add3A_650 : vector<256x128xf32>
    %logistic3A_652 = math.exp %logistic3A_651 : vector<256x128xf32>
    %logistic3A_653 = arith.constant 1.000000e+00 : f32
    %logistic3A_654 = vector.broadcast %logistic3A_653 : f32 to vector<256x128xf32>
    %logistic3A_655 = arith.addf %logistic3A_654, %logistic3A_652 : vector<256x128xf32>
    %logistic3A_656 = arith.divf %logistic3A_654, %logistic3A_655 : vector<256x128xf32>
    %mul3A_657 = arith.mulf %add3A_650, %logistic3A_656 : vector<256x128xf32>
    %dot_general3A_658 = arith.constant dense<0.000000e+00> : vector<256x128xf32>
    %dot_general3A_659 = tpu.matmul %mul3A_657, %get3A_24, %dot_general3A_658 {dimension_numbers = #tpu.dot_dimension_numbers<[1], [0], [0], [1], [0, 0, 1, 1], [], []>, transpose_lhs_hint = false} : vector<256x128xf32>, vector<128x128xf32>, vector<256x128xf32> -> vector<256x128xf32>
    %add3A_660 = vector.broadcast %get3A_21 : vector<1x128xf32> to vector<256x128xf32>
    %add3A_661 = arith.addf %dot_general3A_659, %add3A_660 : vector<256x128xf32>
    %add3A_662 = arith.addf %add3A_624, %add3A_661 : vector<256x128xf32>
    %mul3A_663 = vector.broadcast %get3A_27 : vector<1x128xf32> to vector<256x128xf32>
    %mul3A_664 = arith.mulf %add3A_661, %mul3A_663 : vector<256x128xf32>
    %reduce_sum3A_665 = arith.constant dense<0.000000e+00> : vector<256xf32>
    %reduce_sum3A_666 = vector.multi_reduction <add>, %mul3A_664, %reduce_sum3A_665 [1] : vector<256x128xf32> to vector<256xf32>
    %broadcast_in_dim3A_667 = vector.shape_cast %reduce_sum3A_666 : vector<256xf32> to vector<256x1xf32>
    %add3A_668 = vector.broadcast %get3A_30 : vector<1x1xf32> to vector<256x1xf32>
    %add3A_669 = arith.addf %broadcast_in_dim3A_667, %add3A_668 : vector<256x1xf32>
    %mul3A_670 = vector.broadcast %add3A_669 : vector<256x1xf32> to vector<256x3xf32>
    %mul3A_671 = arith.mulf %mul3A_670, %sub3A_639 : vector<256x3xf32>
    %add3A_672 = arith.addf %add3A_634, %mul3A_671 : vector<256x3xf32>
    %slice3A_673 = vector.extract_strided_slice %get3A_8 {offsets = [17, 0, 0], sizes = [1, 256, 128], strides = [1, 1, 1]} : vector<20x256x144xf32> to vector<1x256x128xf32>
    %squeeze3A_674 = vector.shape_cast %slice3A_673 : vector<1x256x128xf32> to vector<256x128xf32>
    %slice3A_675 = vector.extract_strided_slice %get3A_8 {offsets = [17, 0, 128], sizes = [1, 256, 3], strides = [1, 1, 1]} : vector<20x256x144xf32> to vector<1x256x3xf32>
    %squeeze3A_676 = vector.shape_cast %slice3A_675 : vector<1x256x3xf32> to vector<256x3xf32>
    %sub3A_677 = arith.subf %squeeze3A_676, %get3A_4 : vector<256x3xf32>
    %mul3A_678 = arith.mulf %sub3A_677, %sub3A_677 : vector<256x3xf32>
    %reduce_sum3A_679 = arith.constant dense<0.000000e+00> : vector<256xf32>
    %reduce_sum3A_680 = vector.multi_reduction <add>, %mul3A_678, %reduce_sum3A_679 [1] : vector<256x3xf32> to vector<256xf32>
    %broadcast_in_dim3A_681 = vector.shape_cast %reduce_sum3A_680 : vector<256xf32> to vector<256x1xf32>
    %add3A_682 = arith.addf %dot_general3A_12, %squeeze3A_674 : vector<256x128xf32>
    %mul3A_683 = vector.broadcast %broadcast_in_dim3A_681 : vector<256x1xf32> to vector<256x128xf32>
    %mul3A_684 = vector.broadcast %get3A_15 : vector<1x128xf32> to vector<256x128xf32>
    %mul3A_685 = arith.mulf %mul3A_683, %mul3A_684 : vector<256x128xf32>
    %add3A_686 = arith.addf %add3A_682, %mul3A_685 : vector<256x128xf32>
    %add3A_687 = vector.broadcast %get3A_18 : vector<1x128xf32> to vector<256x128xf32>
    %add3A_688 = arith.addf %add3A_686, %add3A_687 : vector<256x128xf32>
    %logistic3A_689 = arith.negf %add3A_688 : vector<256x128xf32>
    %logistic3A_690 = math.exp %logistic3A_689 : vector<256x128xf32>
    %logistic3A_691 = arith.constant 1.000000e+00 : f32
    %logistic3A_692 = vector.broadcast %logistic3A_691 : f32 to vector<256x128xf32>
    %logistic3A_693 = arith.addf %logistic3A_692, %logistic3A_690 : vector<256x128xf32>
    %logistic3A_694 = arith.divf %logistic3A_692, %logistic3A_693 : vector<256x128xf32>
    %mul3A_695 = arith.mulf %add3A_688, %logistic3A_694 : vector<256x128xf32>
    %dot_general3A_696 = arith.constant dense<0.000000e+00> : vector<256x128xf32>
    %dot_general3A_697 = tpu.matmul %mul3A_695, %get3A_24, %dot_general3A_696 {dimension_numbers = #tpu.dot_dimension_numbers<[1], [0], [0], [1], [0, 0, 1, 1], [], []>, transpose_lhs_hint = false} : vector<256x128xf32>, vector<128x128xf32>, vector<256x128xf32> -> vector<256x128xf32>
    %add3A_698 = vector.broadcast %get3A_21 : vector<1x128xf32> to vector<256x128xf32>
    %add3A_699 = arith.addf %dot_general3A_697, %add3A_698 : vector<256x128xf32>
    %add3A_700 = arith.addf %add3A_662, %add3A_699 : vector<256x128xf32>
    %mul3A_701 = vector.broadcast %get3A_27 : vector<1x128xf32> to vector<256x128xf32>
    %mul3A_702 = arith.mulf %add3A_699, %mul3A_701 : vector<256x128xf32>
    %reduce_sum3A_703 = arith.constant dense<0.000000e+00> : vector<256xf32>
    %reduce_sum3A_704 = vector.multi_reduction <add>, %mul3A_702, %reduce_sum3A_703 [1] : vector<256x128xf32> to vector<256xf32>
    %broadcast_in_dim3A_705 = vector.shape_cast %reduce_sum3A_704 : vector<256xf32> to vector<256x1xf32>
    %add3A_706 = vector.broadcast %get3A_30 : vector<1x1xf32> to vector<256x1xf32>
    %add3A_707 = arith.addf %broadcast_in_dim3A_705, %add3A_706 : vector<256x1xf32>
    %mul3A_708 = vector.broadcast %add3A_707 : vector<256x1xf32> to vector<256x3xf32>
    %mul3A_709 = arith.mulf %mul3A_708, %sub3A_677 : vector<256x3xf32>
    %add3A_710 = arith.addf %add3A_672, %mul3A_709 : vector<256x3xf32>
    %slice3A_711 = vector.extract_strided_slice %get3A_8 {offsets = [18, 0, 0], sizes = [1, 256, 128], strides = [1, 1, 1]} : vector<20x256x144xf32> to vector<1x256x128xf32>
    %squeeze3A_712 = vector.shape_cast %slice3A_711 : vector<1x256x128xf32> to vector<256x128xf32>
    %slice3A_713 = vector.extract_strided_slice %get3A_8 {offsets = [18, 0, 128], sizes = [1, 256, 3], strides = [1, 1, 1]} : vector<20x256x144xf32> to vector<1x256x3xf32>
    %squeeze3A_714 = vector.shape_cast %slice3A_713 : vector<1x256x3xf32> to vector<256x3xf32>
    %sub3A_715 = arith.subf %squeeze3A_714, %get3A_4 : vector<256x3xf32>
    %mul3A_716 = arith.mulf %sub3A_715, %sub3A_715 : vector<256x3xf32>
    %reduce_sum3A_717 = arith.constant dense<0.000000e+00> : vector<256xf32>
    %reduce_sum3A_718 = vector.multi_reduction <add>, %mul3A_716, %reduce_sum3A_717 [1] : vector<256x3xf32> to vector<256xf32>
    %broadcast_in_dim3A_719 = vector.shape_cast %reduce_sum3A_718 : vector<256xf32> to vector<256x1xf32>
    %add3A_720 = arith.addf %dot_general3A_12, %squeeze3A_712 : vector<256x128xf32>
    %mul3A_721 = vector.broadcast %broadcast_in_dim3A_719 : vector<256x1xf32> to vector<256x128xf32>
    %mul3A_722 = vector.broadcast %get3A_15 : vector<1x128xf32> to vector<256x128xf32>
    %mul3A_723 = arith.mulf %mul3A_721, %mul3A_722 : vector<256x128xf32>
    %add3A_724 = arith.addf %add3A_720, %mul3A_723 : vector<256x128xf32>
    %add3A_725 = vector.broadcast %get3A_18 : vector<1x128xf32> to vector<256x128xf32>
    %add3A_726 = arith.addf %add3A_724, %add3A_725 : vector<256x128xf32>
    %logistic3A_727 = arith.negf %add3A_726 : vector<256x128xf32>
    %logistic3A_728 = math.exp %logistic3A_727 : vector<256x128xf32>
    %logistic3A_729 = arith.constant 1.000000e+00 : f32
    %logistic3A_730 = vector.broadcast %logistic3A_729 : f32 to vector<256x128xf32>
    %logistic3A_731 = arith.addf %logistic3A_730, %logistic3A_728 : vector<256x128xf32>
    %logistic3A_732 = arith.divf %logistic3A_730, %logistic3A_731 : vector<256x128xf32>
    %mul3A_733 = arith.mulf %add3A_726, %logistic3A_732 : vector<256x128xf32>
    %dot_general3A_734 = arith.constant dense<0.000000e+00> : vector<256x128xf32>
    %dot_general3A_735 = tpu.matmul %mul3A_733, %get3A_24, %dot_general3A_734 {dimension_numbers = #tpu.dot_dimension_numbers<[1], [0], [0], [1], [0, 0, 1, 1], [], []>, transpose_lhs_hint = false} : vector<256x128xf32>, vector<128x128xf32>, vector<256x128xf32> -> vector<256x128xf32>
    %add3A_736 = vector.broadcast %get3A_21 : vector<1x128xf32> to vector<256x128xf32>
    %add3A_737 = arith.addf %dot_general3A_735, %add3A_736 : vector<256x128xf32>
    %add3A_738 = arith.addf %add3A_700, %add3A_737 : vector<256x128xf32>
    %mul3A_739 = vector.broadcast %get3A_27 : vector<1x128xf32> to vector<256x128xf32>
    %mul3A_740 = arith.mulf %add3A_737, %mul3A_739 : vector<256x128xf32>
    %reduce_sum3A_741 = arith.constant dense<0.000000e+00> : vector<256xf32>
    %reduce_sum3A_742 = vector.multi_reduction <add>, %mul3A_740, %reduce_sum3A_741 [1] : vector<256x128xf32> to vector<256xf32>
    %broadcast_in_dim3A_743 = vector.shape_cast %reduce_sum3A_742 : vector<256xf32> to vector<256x1xf32>
    %add3A_744 = vector.broadcast %get3A_30 : vector<1x1xf32> to vector<256x1xf32>
    %add3A_745 = arith.addf %broadcast_in_dim3A_743, %add3A_744 : vector<256x1xf32>
    %mul3A_746 = vector.broadcast %add3A_745 : vector<256x1xf32> to vector<256x3xf32>
    %mul3A_747 = arith.mulf %mul3A_746, %sub3A_715 : vector<256x3xf32>
    %add3A_748 = arith.addf %add3A_710, %mul3A_747 : vector<256x3xf32>
    %slice3A_749 = vector.extract_strided_slice %get3A_8 {offsets = [19, 0, 0], sizes = [1, 256, 128], strides = [1, 1, 1]} : vector<20x256x144xf32> to vector<1x256x128xf32>
    %squeeze3A_750 = vector.shape_cast %slice3A_749 : vector<1x256x128xf32> to vector<256x128xf32>
    %slice3A_751 = vector.extract_strided_slice %get3A_8 {offsets = [19, 0, 128], sizes = [1, 256, 3], strides = [1, 1, 1]} : vector<20x256x144xf32> to vector<1x256x3xf32>
    %squeeze3A_752 = vector.shape_cast %slice3A_751 : vector<1x256x3xf32> to vector<256x3xf32>
    %sub3A_753 = arith.subf %squeeze3A_752, %get3A_4 : vector<256x3xf32>
    %mul3A_754 = arith.mulf %sub3A_753, %sub3A_753 : vector<256x3xf32>
    %reduce_sum3A_755 = arith.constant dense<0.000000e+00> : vector<256xf32>
    %reduce_sum3A_756 = vector.multi_reduction <add>, %mul3A_754, %reduce_sum3A_755 [1] : vector<256x3xf32> to vector<256xf32>
    %broadcast_in_dim3A_757 = vector.shape_cast %reduce_sum3A_756 : vector<256xf32> to vector<256x1xf32>
    %add3A_758 = arith.addf %dot_general3A_12, %squeeze3A_750 : vector<256x128xf32>
    %mul3A_759 = vector.broadcast %broadcast_in_dim3A_757 : vector<256x1xf32> to vector<256x128xf32>
    %mul3A_760 = vector.broadcast %get3A_15 : vector<1x128xf32> to vector<256x128xf32>
    %mul3A_761 = arith.mulf %mul3A_759, %mul3A_760 : vector<256x128xf32>
    %add3A_762 = arith.addf %add3A_758, %mul3A_761 : vector<256x128xf32>
    %add3A_763 = vector.broadcast %get3A_18 : vector<1x128xf32> to vector<256x128xf32>
    %add3A_764 = arith.addf %add3A_762, %add3A_763 : vector<256x128xf32>
    %logistic3A_765 = arith.negf %add3A_764 : vector<256x128xf32>
    %logistic3A_766 = math.exp %logistic3A_765 : vector<256x128xf32>
    %logistic3A_767 = arith.constant 1.000000e+00 : f32
    %logistic3A_768 = vector.broadcast %logistic3A_767 : f32 to vector<256x128xf32>
    %logistic3A_769 = arith.addf %logistic3A_768, %logistic3A_766 : vector<256x128xf32>
    %logistic3A_770 = arith.divf %logistic3A_768, %logistic3A_769 : vector<256x128xf32>
    %mul3A_771 = arith.mulf %add3A_764, %logistic3A_770 : vector<256x128xf32>
    %dot_general3A_772 = arith.constant dense<0.000000e+00> : vector<256x128xf32>
    %dot_general3A_773 = tpu.matmul %mul3A_771, %get3A_24, %dot_general3A_772 {dimension_numbers = #tpu.dot_dimension_numbers<[1], [0], [0], [1], [0, 0, 1, 1], [], []>, transpose_lhs_hint = false} : vector<256x128xf32>, vector<128x128xf32>, vector<256x128xf32> -> vector<256x128xf32>
    %add3A_774 = vector.broadcast %get3A_21 : vector<1x128xf32> to vector<256x128xf32>
    %add3A_775 = arith.addf %dot_general3A_773, %add3A_774 : vector<256x128xf32>
    %add3A_776 = arith.addf %add3A_738, %add3A_775 : vector<256x128xf32>
    %mul3A_777 = vector.broadcast %get3A_27 : vector<1x128xf32> to vector<256x128xf32>
    %mul3A_778 = arith.mulf %add3A_775, %mul3A_777 : vector<256x128xf32>
    %reduce_sum3A_779 = arith.constant dense<0.000000e+00> : vector<256xf32>
    %reduce_sum3A_780 = vector.multi_reduction <add>, %mul3A_778, %reduce_sum3A_779 [1] : vector<256x128xf32> to vector<256xf32>
    %broadcast_in_dim3A_781 = vector.shape_cast %reduce_sum3A_780 : vector<256xf32> to vector<256x1xf32>
    %add3A_782 = vector.broadcast %get3A_30 : vector<1x1xf32> to vector<256x1xf32>
    %add3A_783 = arith.addf %broadcast_in_dim3A_781, %add3A_782 : vector<256x1xf32>
    %mul3A_784 = vector.broadcast %add3A_783 : vector<256x1xf32> to vector<256x3xf32>
    %mul3A_785 = arith.mulf %mul3A_784, %sub3A_753 : vector<256x3xf32>
    %add3A_786 = arith.addf %add3A_748, %mul3A_785 : vector<256x3xf32>
    %get3A_787 = arith.constant 0 : index
    %get3A_788 = arith.constant 0 : index
    %get3A_789 = vector.load %arg8[%get3A_787, %get3A_788] : memref<256x128xf32, #tpu.memory_space<vmem>>, vector<128x128xf32>
    %dot_general3A_790 = arith.constant dense<0.000000e+00> : vector<256x128xf32>
    %dot_general3A_791 = tpu.matmul %get3A_1, %get3A_789, %dot_general3A_790 {dimension_numbers = #tpu.dot_dimension_numbers<[1], [0], [0], [1], [0, 0, 1, 1], [], []>, transpose_lhs_hint = false} : vector<256x128xf32>, vector<128x128xf32>, vector<256x128xf32> -> vector<256x128xf32>
    %get3A_792 = arith.constant 128 : index
    %get3A_793 = arith.constant 0 : index
    %get3A_794 = vector.load %arg8[%get3A_792, %get3A_793] : memref<256x128xf32, #tpu.memory_space<vmem>>, vector<128x128xf32>
    %dot_general3A_795 = arith.constant dense<0.000000e+00> : vector<256x128xf32>
    %dot_general3A_796 = tpu.matmul %add3A_776, %get3A_794, %dot_general3A_795 {dimension_numbers = #tpu.dot_dimension_numbers<[1], [0], [0], [1], [0, 0, 1, 1], [], []>, transpose_lhs_hint = false} : vector<256x128xf32>, vector<128x128xf32>, vector<256x128xf32> -> vector<256x128xf32>
    %add3A_797 = arith.addf %dot_general3A_791, %dot_general3A_796 : vector<256x128xf32>
    %get3A_798 = arith.constant 0 : index
    %get3A_799 = arith.constant 0 : index
    %get3A_800 = vector.load %arg9[%get3A_798, %get3A_799] : memref<1x128xf32, #tpu.memory_space<vmem>>, vector<1x128xf32>
    %add3A_801 = vector.broadcast %get3A_800 : vector<1x128xf32> to vector<256x128xf32>
    %add3A_802 = arith.addf %add3A_797, %add3A_801 : vector<256x128xf32>
    %logistic3A_803 = arith.negf %add3A_802 : vector<256x128xf32>
    %logistic3A_804 = math.exp %logistic3A_803 : vector<256x128xf32>
    %logistic3A_805 = arith.constant 1.000000e+00 : f32
    %logistic3A_806 = vector.broadcast %logistic3A_805 : f32 to vector<256x128xf32>
    %logistic3A_807 = arith.addf %logistic3A_806, %logistic3A_804 : vector<256x128xf32>
    %logistic3A_808 = arith.divf %logistic3A_806, %logistic3A_807 : vector<256x128xf32>
    %mul3A_809 = arith.mulf %add3A_802, %logistic3A_808 : vector<256x128xf32>
    %get3A_810 = arith.constant 0 : index
    %get3A_811 = arith.constant 0 : index
    %get3A_812 = vector.load %arg10[%get3A_810, %get3A_811] : memref<128x128xf32, #tpu.memory_space<vmem>>, vector<128x128xf32>
    %dot_general3A_813 = arith.constant dense<0.000000e+00> : vector<256x128xf32>
    %dot_general3A_814 = tpu.matmul %mul3A_809, %get3A_812, %dot_general3A_813 {dimension_numbers = #tpu.dot_dimension_numbers<[1], [0], [0], [1], [0, 0, 1, 1], [], []>, transpose_lhs_hint = false} : vector<256x128xf32>, vector<128x128xf32>, vector<256x128xf32> -> vector<256x128xf32>
    %get3A_815 = arith.constant 0 : index
    %get3A_816 = arith.constant 0 : index
    %get3A_817 = vector.load %arg11[%get3A_815, %get3A_816] : memref<1x128xf32, #tpu.memory_space<vmem>>, vector<1x128xf32>
    %add3A_818 = vector.broadcast %get3A_817 : vector<1x128xf32> to vector<256x128xf32>
    %add3A_819 = arith.addf %dot_general3A_814, %add3A_818 : vector<256x128xf32>
    %add3A_820 = arith.addf %add3A_819, %get3A_1 : vector<256x128xf32>
    %swap3A = arith.constant 0 : index
    %swap3A_821 = arith.constant 0 : index
    %swap3A_822 = vector.load %arg16[%swap3A, %swap3A_821] : memref<256x128xf32, #tpu.memory_space<vmem>>, vector<256x128xf32>
    tpu.vector_store %arg16[%swap3A, %swap3A_821], %add3A_820 {strides = array<i32>} : memref<256x128xf32, #tpu.memory_space<vmem>>, vector<256x128xf32>,
    %get3A_823 = arith.constant 0 : index
    %get3A_824 = arith.constant 0 : index
    %get3A_825 = vector.load %arg14[%get3A_823, %get3A_824] : memref<1x128xf32, #tpu.memory_space<vmem>>, vector<1x128xf32>
    %mul3A_826 = vector.broadcast %get3A_825 : vector<1x128xf32> to vector<256x128xf32>
    %mul3A_827 = arith.mulf %add3A_820, %mul3A_826 : vector<256x128xf32>
    %reduce_sum3A_828 = arith.constant dense<0.000000e+00> : vector<256xf32>
    %reduce_sum3A_829 = vector.multi_reduction <add>, %mul3A_827, %reduce_sum3A_828 [1] : vector<256x128xf32> to vector<256xf32>
    %broadcast_in_dim3A_830 = vector.shape_cast %reduce_sum3A_829 : vector<256xf32> to vector<256x1xf32>
    %get3A_831 = arith.constant 0 : index
    %get3A_832 = arith.constant 0 : index
    %get3A_833 = vector.load %arg15[%get3A_831, %get3A_832] : memref<1x1xf32, #tpu.memory_space<vmem>>, vector<1x1xf32>
    %add3A_834 = vector.broadcast %get3A_833 : vector<1x1xf32> to vector<256x1xf32>
    %add3A_835 = arith.addf %broadcast_in_dim3A_830, %add3A_834 : vector<256x1xf32>
    %tanh3A = math.tanh %add3A_835 : vector<256x1xf32>
    %mul3A_836 = arith.mulf %add3A_786, %add3A_786 : vector<256x3xf32>
    %reduce_sum3A_837 = arith.constant dense<0.000000e+00> : vector<256xf32>
    %reduce_sum3A_838 = vector.multi_reduction <add>, %mul3A_836, %reduce_sum3A_837 [1] : vector<256x3xf32> to vector<256xf32>
    %broadcast_in_dim3A_839 = vector.shape_cast %reduce_sum3A_838 : vector<256xf32> to vector<256x1xf32>
    %sqrt3A = math.sqrt %broadcast_in_dim3A_839 : vector<256x1xf32>
    %add3A_840 = arith.constant 9.99999993E-9 : f32
    %add3A_841 = vector.broadcast %add3A_840 : f32 to vector<256x1xf32>
    %add3A_842 = arith.addf %sqrt3A, %add3A_841 : vector<256x1xf32>
    %div3A = vector.broadcast %add3A_842 : vector<256x1xf32> to vector<256x3xf32>
    %div3A_843 = arith.divf %add3A_786, %div3A : vector<256x3xf32>
    %mul3A_844 = vector.broadcast %tanh3A : vector<256x1xf32> to vector<256x3xf32>
    %mul3A_845 = arith.mulf %mul3A_844, %div3A_843 : vector<256x3xf32>
    %mul3A_846 = arith.constant 1.000000e-01 : f32
    %mul3A_847 = vector.broadcast %mul3A_846 : f32 to vector<256x3xf32>
    %mul3A_848 = arith.mulf %mul3A_845, %mul3A_847 : vector<256x3xf32>
    %add3A_849 = arith.addf %get3A_4, %mul3A_848 : vector<256x3xf32>
    %swap3A_850 = arith.constant 0 : index
    %swap3A_851 = arith.constant 0 : index
    %swap3A_852 = vector.load %arg17[%swap3A_850, %swap3A_851] : memref<256x3xf32, #tpu.memory_space<vmem>>, vector<256x3xf32>
    tpu.vector_store %arg17[%swap3A_850, %swap3A_851], %add3A_849 {strides = array<i32>} : memref<256x3xf32, #tpu.memory_space<vmem>>, vector<256x3xf32>,
    return
  }
  func.func @transform_0(%arg0: i32) -> (i32, i32, i32) {
    %c0_i32 = arith.constant 0 : i32
    %c0_i32_0 = arith.constant 0 : i32
    %c0_i32_1 = arith.constant 0 : i32
    return %c0_i32, %arg0, %c0_i32_0 : i32, i32, i32
  }
  func.func @transform_1(%arg0: i32) -> (i32, i32) {
    %c0_i32 = arith.constant 0 : i32
    %c0_i32_0 = arith.constant 0 : i32
    return %arg0, %c0_i32 : i32, i32
  }
  func.func @transform_2(%arg0: i32) -> (i32, i32) {
    %c0_i32 = arith.constant 0 : i32
    %c0_i32_0 = arith.constant 0 : i32
    return %arg0, %c0_i32 : i32, i32
  }
  func.func @transform_3(%arg0: i32) -> (i32, i32) {
    %c0_i32 = arith.constant 0 : i32
    %c0_i32_0 = arith.constant 0 : i32
    %c0_i32_1 = arith.constant 0 : i32
    return %c0_i32, %c0_i32_0 : i32, i32
  }
  func.func @transform_4(%arg0: i32) -> (i32, i32) {
    %c0_i32 = arith.constant 0 : i32
    %c0_i32_0 = arith.constant 0 : i32
    %c0_i32_1 = arith.constant 0 : i32
    return %c0_i32, %c0_i32_0 : i32, i32
  }
  func.func @transform_5(%arg0: i32) -> (i32, i32) {
    %c0_i32 = arith.constant 0 : i32
    %c0_i32_0 = arith.constant 0 : i32
    %c0_i32_1 = arith.constant 0 : i32
    return %c0_i32, %c0_i32_0 : i32, i32
  }
  func.func @transform_6(%arg0: i32) -> (i32, i32) {
    %c0_i32 = arith.constant 0 : i32
    %c0_i32_0 = arith.constant 0 : i32
    %c0_i32_1 = arith.constant 0 : i32
    return %c0_i32, %c0_i32_0 : i32, i32
  }
  func.func @transform_7(%arg0: i32) -> (i32, i32) {
    %c0_i32 = arith.constant 0 : i32
    %c0_i32_0 = arith.constant 0 : i32
    %c0_i32_1 = arith.constant 0 : i32
    return %c0_i32, %c0_i32_0 : i32, i32
  }
  func.func @transform_8(%arg0: i32) -> (i32, i32) {
    %c0_i32 = arith.constant 0 : i32
    %c0_i32_0 = arith.constant 0 : i32
    %c0_i32_1 = arith.constant 0 : i32
    return %c0_i32, %c0_i32_0 : i32, i32
  }
  func.func @transform_9(%arg0: i32) -> (i32, i32) {
    %c0_i32 = arith.constant 0 : i32
    %c0_i32_0 = arith.constant 0 : i32
    %c0_i32_1 = arith.constant 0 : i32
    return %c0_i32, %c0_i32_0 : i32, i32
  }
  func.func @transform_10(%arg0: i32) -> (i32, i32) {
    %c0_i32 = arith.constant 0 : i32
    %c0_i32_0 = arith.constant 0 : i32
    %c0_i32_1 = arith.constant 0 : i32
    return %c0_i32, %c0_i32_0 : i32, i32
  }
  func.func @transform_11(%arg0: i32) -> (i32, i32) {
    %c0_i32 = arith.constant 0 : i32
    %c0_i32_0 = arith.constant 0 : i32
    %c0_i32_1 = arith.constant 0 : i32
    return %c0_i32, %c0_i32_0 : i32, i32
  }
  func.func @transform_12(%arg0: i32) -> (i32, i32) {
    %c0_i32 = arith.constant 0 : i32
    %c0_i32_0 = arith.constant 0 : i32
    %c0_i32_1 = arith.constant 0 : i32
    return %c0_i32, %c0_i32_0 : i32, i32
  }
  func.func @transform_13(%arg0: i32) -> (i32, i32) {
    %c0_i32 = arith.constant 0 : i32
    %c0_i32_0 = arith.constant 0 : i32
    %c0_i32_1 = arith.constant 0 : i32
    return %c0_i32, %c0_i32_0 : i32, i32
  }
  func.func @transform_14(%arg0: i32) -> (i32, i32) {
    %c0_i32 = arith.constant 0 : i32
    %c0_i32_0 = arith.constant 0 : i32
    %c0_i32_1 = arith.constant 0 : i32
    return %c0_i32, %c0_i32_0 : i32, i32
  }
  func.func @transform_15(%arg0: i32) -> (i32, i32) {
    %c0_i32 = arith.constant 0 : i32
    %c0_i32_0 = arith.constant 0 : i32
    return %arg0, %c0_i32 : i32, i32
  }
  func.func @transform_16(%arg0: i32) -> (i32, i32) {
    %c0_i32 = arith.constant 0 : i32
    %c0_i32_0 = arith.constant 0 : i32
    return %arg0, %c0_i32 : i32, i32
  }
}

</mosaic_0001>

<sc_bundles>
// kernel: kernel.11.cloned.1.call-start
scs
__scs_entry_jumppad:
0x0: {  	(pc) =	sbr.rel $0x88, $3  }
0x1: {  	(tag) =	ssettag $0x0;
	lr =	simm.s32 $0x1  }
0x2: {  	[smem:$0x3F93] =	sst lr;
	_ =	strace $0xD0000000  }
0x3: {  	_ = 	snop  }
0x4: {  	_ = 	snop  }
0x5: {  	_ = 	snop  }
0x6: {  	_ = 	snop  }
0x7: {  	_ = 	snop  }
__scs_overlays_trampoline_lowered:
0x8: {  	[smem:$0x3FA2] =	sst s0  }
0x9: {  	[smem:$0x3FA3] =	sst s1  }
0xa: {  	[smem:$0x3FA4] =	sst s2  }
0xb: {  	[smem:$0x3FA5] =	sst s3  }
0xc: {  	[smem:$0x3FA6] =	sst s4  }
0xd: {  	[smem:$0x3FA7] =	sst s5  }
0xe: {  	[smem:$0x3FA8] =	sst s6  }
0xf: {  	[smem:$0x3FA9] =	sst s7  }
0x10: {  	[smem:$0x3FAA] =	sst s8  }
0x11: {  	[smem:$0x3FAB] =	sst s9;
	s0 =	simm.s32 @!p0 $0x0  }
0x12: {  	s1 =	sld [smem:$0x3F91];
	s0 =	simm.s32 @p0 $0x1  }
0x13: {  	[smem:$0x3FAC] =	sst s0;
	s0 =	simm.s32 @!p1 $0x0  }
0x14: {  	s2 =	sld [smem:$0x3F90];
	s0 =	simm.s32 @p1 $0x1  }
0x15: {  	[smem:$0x3FAD] =	sst s0;
	s0 =	simm.s32 @!p2 $0x0  }
0x16: {  	s3 =	sld [smem:$0x3FDB];
	s0 =	simm.s32 @p2 $0x1  }
0x17: {  	s4 =	simm.s32 $0x1BF5;
	[smem:$0x3FAF] =	sst s0  }
0x18: {  	s0 =	sld [smem:$0x3F92];
	_ =	swait.ge [sflag:s4], $0x0  }
0x19: {  	s7 =	sld [smem:$0x3F93]  }
0x1a: {  	s8 =	sadd.s32 $0xFFFFE003, lr  }
0x1b: {  	s9 =	sadd.s32 $0xFFFFFEF7, lr;
	s5 =	simm.s32 $0xFFFFFFFF;
	p2 =	slt.u32 s8, $0xFFFFF086  }
0x1c: {  	p1 =	slt.u32 s9, $0xF7A;
	s5 =	simm.s32 @!p2 $0x0  }
0x1d: {  	s5 =	simm.s32 @p1 $0x1;
	p0 =	seq.s32 s7, s2  }
0x1e: {  	s7 =	smul.u32 @!p0 $0xF7A, s2;
	p2 =	seq.s32 @!p0 s5, $0x0  }
0x1f: {  	s9 =	smul.u32 $0xF7A, s1;
	s8 =	simm.s32 @!p0 $0x1BF5;
	p2 =	por !p2, p0  }
0x20: {  	[sflag:s8] =	ssyncset.s32 @!p0 $0xFFFFF086;
	s6 =	sadd.s32 @!p0 s3, s7;
	s7 =	simm.s32 @!p0 $0x108  }
0x21: {  	s3 =	sadd.s32 s3, s9;
	s6 =	sadd.s32 @!p0 $0x88, s6;
	s7 =	simm.s32 @p2 $0x1082  }
0x22: {  	[simem:s7], [sflag:s8] =	dma.local @!p0 [hbm:s6], $0xF7A  }
0x23: {  	s9 =	sor.u32 $0xD0000000, s2;
	s6 =	simm.s32 $0x108;
	_ =	swait.ge @!p0 [sflag:s8], $0x0  }
0x24: {  	s3 =	sadd.s32 $0x88, s3;
	s6 =	simm.s32 @!p1 $0x1082;
	[sflag:s4] =	ssyncset.s32 $0xFFFFF086  }
0x25: {  	[simem:s6], [sflag:s4] =	dma.local [hbm:s3], $0xF7A  }
0x26: {  	[smem:$0x3F93] =	sst s1;
	(tag) =	ssettag s2;
	_ =	strace s9  }
0x27: {  	s1 =	sld [smem:$0x3FA3]  }
0x28: {  	s2 =	sld [smem:$0x3FA4]  }
0x29: {  	s4 =	sld [smem:$0x3FA6]  }
0x2a: {  	p0 =	seq.s32 s5, $0x0;
	s5 =	sld [smem:$0x3FA7]  }
0x2b: {  	s6 =	sld [smem:$0x3FA8]  }
0x2c: {  	s7 =	sld [smem:$0x3FA9]  }
0x2d: {  	s3 =	simm.s32 $0x108;
	s8 =	sld [smem:$0x3FAA]  }
0x2e: {  	s3 =	simm.s32 @!p0 $0x1082;
	s9 =	sld [smem:$0x3FAB]  }
0x2f: {  	lr =	sadd.s32 s0, s3;
	s0 =	sld [smem:$0x3FA2]  }
0x30: {  	s3 =	sld [smem:$0x3FA5]  }
0x31: {  	[smem:$0x3FAE] =	sst s10  }
0x32: {  	s10 =	sld [smem:$0x3FAC];
	_ =	sdelay $0x3  }
0x33: {  	p0 =	seq.s32 s10, $0x1;
	s10 =	sld [smem:$0x3FAE];
	_ =	sdelay $0x3  }
0x34: {  	[smem:$0x3FAE] =	sst s10  }
0x35: {  	s10 =	sld [smem:$0x3FAD];
	_ =	sdelay $0x3  }
0x36: {  	p1 =	seq.s32 s10, $0x1;
	s10 =	sld [smem:$0x3FAE];
	_ =	sdelay $0x3  }
0x37: {  	[smem:$0x3FAE] =	sst s10  }
0x38: {  	s10 =	sld [smem:$0x3FAF]  }
0x39: {  	_ = 	snop;
	(pc) =	sbr.ind lr, $3  }
0x3a: {  	_ = 	snop  }
0x3b: {  	_ = 	snop  }
0x3c: {  	p2 =	seq.s32 s10, $0x1;
	s10 =	sld [smem:$0x3FAE]  }
0x3d: {  	_ =	shalt  }
0x3e: {  	_ =	shalt  }
0x3f: {  	_ =	shalt  }
0x40: {  	_ =	shalt  }
0x41: {  	_ =	shalt  }
0x42: {  	_ =	shalt  }
0x43: {  	_ =	shalt  }
0x44: {  	_ =	shalt  }
0x45: {  	_ =	shalt  }
0x46: {  	_ =	shalt  }
0x47: {  	_ =	shalt  }
0x48: {  	_ =	shalt  }
0x49: {  	_ =	shalt  }
0x4a: {  	_ =	shalt  }
0x4b: {  	_ =	shalt  }
0x4c: {  	_ =	shalt  }
0x4d: {  	_ =	shalt  }
0x4e: {  	_ =	shalt  }
0x4f: {  	_ =	shalt  }
0x50: {  	_ =	shalt  }
0x51: {  	_ =	shalt  }
0x52: {  	_ =	shalt  }
0x53: {  	_ =	shalt  }
0x54: {  	_ =	shalt  }
0x55: {  	_ =	shalt  }
0x56: {  	_ =	shalt  }
0x57: {  	_ =	shalt  }
0x58: {  	_ =	shalt  }
0x59: {  	_ =	shalt  }
0x5a: {  	_ =	shalt  }
0x5b: {  	_ =	shalt  }
0x5c: {  	_ =	shalt  }
0x5d: {  	_ =	shalt  }
0x5e: {  	_ =	shalt  }
0x5f: {  	_ =	shalt  }
0x60: {  	_ =	shalt  }
0x61: {  	_ =	shalt  }
0x62: {  	_ =	shalt  }
0x63: {  	_ =	shalt  }
0x64: {  	_ =	shalt  }
0x65: {  	_ =	shalt  }
0x66: {  	_ =	shalt  }
0x67: {  	_ =	shalt  }
0x68: {  	_ =	shalt  }
0x69: {  	_ =	shalt  }
0x6a: {  	_ =	shalt  }
0x6b: {  	_ =	shalt  }
0x6c: {  	_ =	shalt  }
0x6d: {  	_ =	shalt  }
0x6e: {  	_ =	shalt  }
0x6f: {  	_ =	shalt  }
0x70: {  	_ =	shalt  }
0x71: {  	_ =	shalt  }
0x72: {  	_ =	shalt  }
0x73: {  	_ =	shalt  }
0x74: {  	_ =	shalt  }
0x75: {  	_ =	shalt  }
0x76: {  	_ =	shalt  }
0x77: {  	_ =	shalt  }
0x78: {  	_ =	shalt  }
0x79: {  	_ =	shalt  }
0x7a: {  	_ =	shalt  }
0x7b: {  	_ =	shalt  }
0x7c: {  	_ =	shalt  }
0x7d: {  	_ =	shalt  }
0x7e: {  	_ =	shalt  }
0x7f: {  	_ =	shalt  }
0x80: {  	_ =	shalt  }
0x81: {  	_ =	shalt  }
0x82: {  	_ =	shalt  }
0x83: {  	_ =	shalt  }
0x84: {  	_ =	shalt  }
0x85: {  	_ =	shalt  }
0x86: {  	_ =	shalt  }
0x87: {  	_ =	shalt  }
.Lfunc_end0:
.L_simem_size_0:
called_computation.1_lowered:
.L_overlay_start_0:
0x88: {  	s2 =	sld [smem:$0x3FD9]  }
0x89: {  	s3 =	sld [smem:$0x3FFE];
	_ =	sdelay $0x1  }
0x8a: {  	s1 =	srdreg.scid  }
0x8b: {  	s0 =	sand.u32 $0x1, s1  }
0x8c: {  	s15 =	sshll.u32 s0, $0xA;
	s2 =	sadd.s32 s3, s2  }
0x8d: {  	s2 =	sadd.s32 s2, s15  }
0x8e: {  	[smem:$0x3FBA] =	sst s2  }
0x8f: {  	_ = 	snop  }
0x90: {  	s2 =	sld [smem:$0x3FD0];
	_ =	sdelay $0x2  }
0x91: {  	s16 =	simm.s32 $0xB;
	s4 =	simm.s32 $0x10  }
0x92: {  	[smem:s4], [sflag:s16] =	dma.local [hbm:s2], $0x1  }
0x93: {  	_ =	swait.eq [sflag:s16], $0x1  }
0x94: {  	[sflag:s16] =	ssyncset.done $0x0  }
0x95: {  	[sflag:s16] =	ssyncadd.s32 $0xFFFFFFFF  }
0x96: {  	s17 =	sld [smem:$0x10];
	(tm) =	ssettm $0x1  }
0x97: {  	s18 =	sld [smem:$0x3FFB];
	_ =	sdelay $0x3  }
0x98: {  	_ =	strace s18  }
0x99: {  	s2 =	sld [smem:$0x3FFC];
	_ =	sdelay $0x3  }
0x9a: {  	_ =	strace s2  }
0x9b: {  	s2 =	sld [smem:$0x3FFD];
	_ =	sdelay $0x3  }
0x9c: {  	_ =	strace s2  }
0x9d: {  	_ =	strace $0x8FFFFFFF  }
0x9e: {  	s19 =	sld [smem:$0x3FDB];
	_ =	sdelay $0x1  }
0x9f: {  	s20 =	simm.s32 $_scs_section_size  }
0xa0: {  	s5 =	simm.s32 $_size__tile_overlayer_lowered;
	s6 =	simm.s32 $_tile_overlayer_lowered  }
0xa1: {  	s7 =	simm.s32 $0x1BFF;
	s21 =	sshll.u32 s6, $0x1;
	s4 =	sadd.s32 s20, s19  }
0xa2: {  	s22 =	simm.s32 $0x0;
	s5 =	sshll.u32 s5, $0x1;
	s6 =	sadd.s32 s21, s4  }
0xa3: {  	[timem:s22], [sflag:s7] =	dma.local [hbm:s6], s5  }
0xa4: {  	_ =	swait.ge [sflag:s7], s5  }
0xa5: {  	s5 =	ssub.s32 $0x0, s5;
	[sflag:s7] =	ssyncset.done $0x0  }
0xa6: {  	[sflag:s7] =	ssyncadd.s32 s5;
	_ =	sdelay $0x1  }
0xa7: {  	s23 =	simm.s32 $0x1B8B  }
0xa8: {  	_ =	swait.ge [sflag:s23], $0x1  }
0xa9: {  	[sflag:s23] =	ssyncset.done $0x0  }
0xaa: {  	[sflag:s23] =	ssyncadd.s32 $0xFFFFFFFF  }
0xab: {  	s5 =	sld [smem:$0x0]  }
0xac: {  	s6 =	sand.u32 $0xFFFFFFFE, s1  }
0xad: {  	p0 =	sne.s32 s1, s6  }
0xae: {  	s6 =	sshll.u32 @p0 s6, $0xE  }
0xaf: {  	s6 =	sadd.s32 @p0 $0x11B8D, s6;
	s7 =	sshll.u32 @p0 s5, $0x11  }
0xb0: {  	s6 =	sor.u32 @p0 s7, s6  }
0xb1: {  	[sflag:s6] =	ssyncadd.remote.s32 @p0 $0x1;
	_ =	sdelay $0x1  }
0xb2: {  	s6 =	simm.s32 @p0 $0x1B8D  }
0xb3: {  	_ =	swait.eq @p0 [sflag:s6], $0x1  }
0xb4: {  	[sflag:s6] =	ssyncadd.s32 @p0 $0xFFFFFFFF  }
0xb5: {  	s7 =	sshll.u32 @!p0 s1, $0xE  }
0xb6: {  	s7 =	sor.u32 @!p0 $0x4000, s7;
	s6 =	simm.s32 @!p0 $0x1B8D  }
0xb7: {  	s5 =	sshll.u32 @!p0 s5, $0x11;
	s7 =	sadd.s32 @!p0 $0x11B8D, s7;
	_ =	swait.eq @!p0 [sflag:s6], $0x1  }
0xb8: {  	s5 =	sor.u32 @!p0 s5, s7;
	[sflag:s6] =	ssyncadd.s32 @!p0 $0xFFFFFFFF  }
0xb9: {  	s25 =	simm.s32 $0x1B8E;
	s24 =	sld [smem:$0x3FFE];
	[sflag:s5] =	ssyncadd.remote.s32 @!p0 $0x1  }
0xba: {  	s26 =	simm.s32 $execute0_lowered;
	[smem:$0x3FD2] =	sst s25  }
0xbb: {  	s6 =	sshll.u32 s26, $0x1;
	_ =	strace $0x80000049;
	[dreg:$0x1] =	wrdreg $0xFFFFFFFF  }
0xbc: {  	s28 =	simm.s32 $_size_execute0_lowered;
	s4 =	sadd.s32 s4, s6;
	[dreg:$0x0] =	wrdreg $0x0  }
0xbd: {  	s6 =	sshll.u32 s28, $0x1;
	[dreg:$0x2] =	wrdreg s4  }
0xbe: {  	[dreg:$0x3] =	wrdreg s6  }
0xbf: {  	[dreg:$0x4] =	wrdreg $0xC0  }
0xc0: {  	_ =	task [dreg:s22], $0x5FFFF  }
0xc1: {  	[dreg:$0x1] =	wrdreg $0xFFFFFFFF  }
0xc2: {  	[dreg:$0x0] =	wrdreg $0x60  }
0xc3: {  	[dreg:$0x2] =	wrdreg s17  }
0xc4: {  	[dreg:$0x3] =	wrdreg s24  }
0xc5: {  	[dreg:$0x4] =	wrdreg $0xA  }
0xc6: {  	_ =	task.clear_ibuf [dreg:s22], $0x5FFFF;
	_ =	strace $0x90000049  }
0xc7: {  	s29 =	simm.s32 $0xA;
	_ =	strace $0x8000004B  }
0xc8: {  	_ =	swait.ge [sflag:s29], $0x1  }
0xc9: {  	[sflag:s29] =	ssyncadd.s32 $0xFFFFFFFF  }
0xca: {  	_ =	strace $0x9000004B  }
0xcb: {  	_ =	sfence  }
0xcc: {  	s30 =	sld [smem:$0x0];
	_ =	sdelay $0x2  }
0xcd: {  	s31 =	sshll.u32 s1, $0xD;
	s1 =	sshrl.u32 s1, $0x2  }
0xce: {  	s4 =	sand.u32 $0x4000, s31;
	s1 =	sadd.s32 s1, s30  }
0xcf: {  	s0 =	sor.u32 s4, s0;
	s1 =	sshll.u32 s1, $0x11  }
0xd0: {  	s0 =	sor.u32 s1, s0  }
0xd1: {  	s0 =	sadd.s32 $0x8F2B, s0  }
0xd2: {  	[sflag:s0] =	ssyncadd.remote.s32 $0x1  }
0xd3: {  	_ =	sfence.sel $0xFFFF  }
0xd4: {  	[dreg:$0x0] =	wrdreg $0xFFFFFFFF;
	(pc) =	sbr.abs _section_cstart, $3  }
0xd5: {  	[dreg:$0x1] =	wrdreg $0xFFFFFFFF  }
0xd6: {  	_ =	task.clear_ibuf [dreg:s22], $0x2FFFF;
	_ =	strace $0x9FFFFFFF  }
0xd7: {  	(tm) =	ssettm $0x7FFFFFFF  }
tec
execute0_lowered:
.L_overlay_start_1:
0x0: {  	(tag) =	ssettag $0x1  }
0x1: {  	s1 =	srdreg.scid;
	s0 =	stileid.u32  }
0x2: {  	s25 =	sand.u32 $0x1, s1;
	s31 =	sshll.u32 s0, $0x1  }
0x3: {  	s2 =	rddreg [dreg:$0x0];
	s10 =	sor.u32 s25, s31  }
0x4: {  	s9 =	rddreg [dreg:$0x1];
	s4 =	smul.u32 $0x140, s10  }
0x5: {  	s3 =	simm.s32 $0x0;
	s1 =	rddreg [dreg:$0x2]  }
0x6: {  	[smem:$0x7FF] =	sst s3;
	s4 =	sadd.s32 s4, s9  }
0x7: {  	_ =	strace $0x8000004A;
	s5 =	sadd.s32 $0x1C0200, s4;
	s4 =	simm.s32 $0x2  }
0x8: {  	[tilespmem:s3], [sflag:$0x2] =	stream.linear.gather [hbm4b:s5+s3], $0xA00, $0x38;
	[tilespmem:$0x9A00] =	vst v63  }
0x9: {  	_ =	swait.ge [sflag:s4], $0xA00  }
0xa: {  	s6 =	simm.s32 $0x100;
	[sflag:s4] =	ssyncset.done $0x0  }
0xb: {  	s7 =	simm.s32 $0xA00;
	s8 =	simm.s32 $0x1;
	[sflag:s4] =	ssyncadd.s32 $0xFFFFF600  }
0xc: {  	[tilespmem:s7], [sflag:$0x1] =	stream.indirect.gather [hbm4b:s2+s6], $0x90, s3, s6, $0xb8;
	[tilespmem:$0x9A00] =	vst v63  }
0xd: {  	s11 =	smul.u32 $0xB400, s10;
	_ =	swait.ge [sflag:s8], $0x9000  }
0xe: {  	s12 =	sadd.s32 $0x1C2A00, s9;
	[sflag:s8] =	ssyncset.done $0x0  }
0xf: {  	s9 =	sadd.s32 s12, s11;
	[sflag:s8] =	ssyncadd.s32 $0xFFFF7000  }
0x10: {  	[hbm4b:s9+s3] =	stream.linear.scatter [tilespmem:s7], [sflag:$0x2], $0x9000, $0x38;
	[tilespmem:$0x9A00] =	vst v63  }
0x11: {  	_ =	swait.ge [sflag:s4], $0x9000  }
0x12: {  	[sflag:s4] =	ssyncset.done $0x0  }
0x13: {  	s10 =	smul.u32 $0x5A000, s10;
	[sflag:s4] =	ssyncadd.s32 $0xFFFF7000  }
0x14: {  	[tilespmem:s7], [sflag:$0x1] =	stream.indirect.gather [hbm4b:s2+s6], $0x90, s6, s6, $0xb8;
	[tilespmem:$0x9A00] =	vst v63  }
0x15: {  	s10 =	sshrl.u32 s10, $0x3;
	_ =	swait.ge [sflag:s8], $0x9000  }
0x16: {  	s26 =	sadd.s32 s12, s10;
	[sflag:s8] =	ssyncset.done $0x0  }
0x17: {  	s10 =	sadd.s32 $0x1200, s26;
	[sflag:s8] =	ssyncadd.s32 $0xFFFF7000  }
0x18: {  	[hbm4b:s10+s3] =	stream.linear.scatter [tilespmem:s7], [sflag:$0x2], $0x9000, $0x38;
	[tilespmem:$0x9A00] =	vst v63  }
0x19: {  	_ =	swait.ge [sflag:s4], $0x9000  }
0x1a: {  	[sflag:s4] =	ssyncset.done $0x0  }
0x1b: {  	s11 =	simm.s32 $0x200;
	[sflag:s4] =	ssyncadd.s32 $0xFFFF7000  }
0x1c: {  	[tilespmem:s7], [sflag:$0x1] =	stream.indirect.gather [hbm4b:s2+s6], $0x90, s11, s6, $0xb8;
	[tilespmem:$0x9A00] =	vst v63  }
0x1d: {  	_ =	swait.ge [sflag:s8], $0x9000  }
0x1e: {  	[sflag:s8] =	ssyncset.done $0x0  }
0x1f: {  	s12 =	sadd.s32 $0x2400, s26;
	[sflag:s8] =	ssyncadd.s32 $0xFFFF7000  }
0x20: {  	[hbm4b:s12+s3] =	stream.linear.scatter [tilespmem:s7], [sflag:$0x2], $0x9000, $0x38;
	[tilespmem:$0x9A00] =	vst v63  }
0x21: {  	_ =	swait.ge [sflag:s4], $0x9000  }
0x22: {  	[sflag:s4] =	ssyncset.done $0x0  }
0x23: {  	s13 =	simm.s32 $0x300;
	[sflag:s4] =	ssyncadd.s32 $0xFFFF7000  }
0x24: {  	[tilespmem:s7], [sflag:$0x1] =	stream.indirect.gather [hbm4b:s2+s6], $0x90, s13, s6, $0xb8;
	[tilespmem:$0x9A00] =	vst v63  }
0x25: {  	_ =	swait.ge [sflag:s8], $0x9000  }
0x26: {  	[sflag:s8] =	ssyncset.done $0x0  }
0x27: {  	s14 =	sadd.s32 $0x3600, s26;
	[sflag:s8] =	ssyncadd.s32 $0xFFFF7000  }
0x28: {  	[hbm4b:s14+s3] =	stream.linear.scatter [tilespmem:s7], [sflag:$0x2], $0x9000, $0x38;
	[tilespmem:$0x9A00] =	vst v63  }
0x29: {  	_ =	swait.ge [sflag:s4], $0x9000  }
0x2a: {  	[sflag:s4] =	ssyncset.done $0x0  }
0x2b: {  	s15 =	simm.s32 $0x400;
	[sflag:s4] =	ssyncadd.s32 $0xFFFF7000  }
0x2c: {  	[tilespmem:s7], [sflag:$0x1] =	stream.indirect.gather [hbm4b:s2+s6], $0x90, s15, s6, $0xb8;
	[tilespmem:$0x9A00] =	vst v63  }
0x2d: {  	_ =	swait.ge [sflag:s8], $0x9000  }
0x2e: {  	[sflag:s8] =	ssyncset.done $0x0  }
0x2f: {  	s16 =	sadd.s32 $0x4800, s26;
	[sflag:s8] =	ssyncadd.s32 $0xFFFF7000  }
0x30: {  	[hbm4b:s16+s3] =	stream.linear.scatter [tilespmem:s7], [sflag:$0x2], $0x9000, $0x38;
	[tilespmem:$0x9A00] =	vst v63  }
0x31: {  	_ =	swait.ge [sflag:s4], $0x9000  }
0x32: {  	[sflag:s4] =	ssyncset.done $0x0  }
0x33: {  	s17 =	simm.s32 $0x500;
	[sflag:s4] =	ssyncadd.s32 $0xFFFF7000  }
0x34: {  	[tilespmem:s7], [sflag:$0x1] =	stream.indirect.gather [hbm4b:s2+s6], $0x90, s17, s6, $0xb8;
	[tilespmem:$0x9A00] =	vst v63  }
0x35: {  	_ =	swait.ge [sflag:s8], $0x9000  }
0x36: {  	[sflag:s8] =	ssyncset.done $0x0  }
0x37: {  	s18 =	sadd.s32 $0x5A00, s26;
	[sflag:s8] =	ssyncadd.s32 $0xFFFF7000  }
0x38: {  	[hbm4b:s18+s3] =	stream.linear.scatter [tilespmem:s7], [sflag:$0x2], $0x9000, $0x38;
	[tilespmem:$0x9A00] =	vst v63  }
0x39: {  	_ =	swait.ge [sflag:s4], $0x9000  }
0x3a: {  	[sflag:s4] =	ssyncset.done $0x0  }
0x3b: {  	s19 =	simm.s32 $0x600;
	[sflag:s4] =	ssyncadd.s32 $0xFFFF7000  }
0x3c: {  	[tilespmem:s7], [sflag:$0x1] =	stream.indirect.gather [hbm4b:s2+s6], $0x90, s19, s6, $0xb8;
	[tilespmem:$0x9A00] =	vst v63  }
0x3d: {  	_ =	swait.ge [sflag:s8], $0x9000  }
0x3e: {  	[sflag:s8] =	ssyncset.done $0x0  }
0x3f: {  	s20 =	sadd.s32 $0x6C00, s26;
	[sflag:s8] =	ssyncadd.s32 $0xFFFF7000  }
0x40: {  	[hbm4b:s20+s3] =	stream.linear.scatter [tilespmem:s7], [sflag:$0x2], $0x9000, $0x38;
	[tilespmem:$0x9A00] =	vst v63  }
0x41: {  	_ =	swait.ge [sflag:s4], $0x9000  }
0x42: {  	[sflag:s4] =	ssyncset.done $0x0  }
0x43: {  	s21 =	simm.s32 $0x700;
	[sflag:s4] =	ssyncadd.s32 $0xFFFF7000  }
0x44: {  	[tilespmem:s7], [sflag:$0x1] =	stream.indirect.gather [hbm4b:s2+s6], $0x90, s21, s6, $0xb8;
	[tilespmem:$0x9A00] =	vst v63  }
0x45: {  	_ =	swait.ge [sflag:s8], $0x9000  }
0x46: {  	[sflag:s8] =	ssyncset.done $0x0  }
0x47: {  	s22 =	sadd.s32 $0x7E00, s26;
	[sflag:s8] =	ssyncadd.s32 $0xFFFF7000  }
0x48: {  	[hbm4b:s22+s3] =	stream.linear.scatter [tilespmem:s7], [sflag:$0x2], $0x9000, $0x38;
	[tilespmem:$0x9A00] =	vst v63  }
0x49: {  	_ =	swait.ge [sflag:s4], $0x9000  }
0x4a: {  	[sflag:s4] =	ssyncset.done $0x0  }
0x4b: {  	s23 =	simm.s32 $0x800;
	[sflag:s4] =	ssyncadd.s32 $0xFFFF7000  }
0x4c: {  	[tilespmem:s7], [sflag:$0x1] =	stream.indirect.gather [hbm4b:s2+s6], $0x90, s23, s6, $0xb8;
	[tilespmem:$0x9A00] =	vst v63  }
0x4d: {  	_ =	swait.ge [sflag:s8], $0x9000  }
0x4e: {  	[sflag:s8] =	ssyncset.done $0x0  }
0x4f: {  	s28 =	ssub.s32 $0x2, s25;
	s24 =	sadd.s32 $0x9000, s26;
	[sflag:s8] =	ssyncadd.s32 $0xFFFF7000  }
0x50: {  	[hbm4b:s24+s3] =	stream.linear.scatter [tilespmem:s7], [sflag:$0x2], $0x9000, $0x38;
	[tilespmem:$0x9A00] =	vst v63  }
0x51: {  	s29 =	sshrl.u32 s28, $0x1;
	_ =	swait.ge [sflag:s4], $0x9000  }
0x52: {  	s28 =	ssub.s32 s28, s29;
	[sflag:s4] =	ssyncset.done $0x0  }
0x53: {  	s25 =	simm.s32 $0x900;
	s28 =	smax.u32 s28, $0x1;
	[sflag:s4] =	ssyncadd.s32 $0xFFFF7000  }
0x54: {  	[tilespmem:s7], [sflag:$0x1] =	stream.indirect.gather [hbm4b:s2+s6], $0x90, s25, s6, $0xb8;
	[tilespmem:$0x9A00] =	vst v63  }
0x55: {  	p0 =	sne.s32 s28, $0x1;
	_ =	swait.ge [sflag:s8], $0x9000  }
.Ltmp0:
0x56: {  	[sflag:s8] =	ssyncset.done $0x0;
	(pc) =	sbr.rel @!p0 .LBB2_2-.Ltmp0, $4  }
0x57: {  	s26 =	sadd.s32 $0xA200, s26;
	[sflag:s8] =	ssyncadd.s32 $0xFFFF7000  }
0x58: {  	[hbm4b:s26+s3] =	stream.linear.scatter [tilespmem:s7], [sflag:$0x2], $0x9000, $0x38;
	[tilespmem:$0x9A00] =	vst v63  }
0x59: {  	_ =	swait.ge [sflag:s4], $0x9000  }
0x5a: {  	s28 =	sadd.s32 $0xFFFFFFFF, s28;
	[sflag:s4] =	ssyncset.done $0x0  }
.LBB2_1:
0x5b: {  	p0 =	sne.s32 s28, $0x1;
	s28 =	sadd.s32 $0xFFFFFFFF, s28;
	[sflag:s4] =	ssyncadd.s32 $0xFFFF7000  }
0x5c: {  	[tilespmem:s3], [sflag:$0x2] =	stream.linear.gather [hbm4b:s5+s3], $0xA00, $0x38;
	[tilespmem:$0x9A00] =	vst v63  }
0x5d: {  	_ =	swait.ge [sflag:s4], $0xA00  }
0x5e: {  	[sflag:s4] =	ssyncset.done $0x0  }
0x5f: {  	[sflag:s4] =	ssyncadd.s32 $0xFFFFF600  }
0x60: {  	[tilespmem:s7], [sflag:$0x1] =	stream.indirect.gather [hbm4b:s2+s6], $0x90, s3, s6, $0xb8;
	[tilespmem:$0x9A00] =	vst v63  }
0x61: {  	_ =	swait.ge [sflag:s8], $0x9000  }
0x62: {  	[sflag:s8] =	ssyncset.done $0x0  }
0x63: {  	[sflag:s8] =	ssyncadd.s32 $0xFFFF7000  }
0x64: {  	[hbm4b:s9+s3] =	stream.linear.scatter [tilespmem:s7], [sflag:$0x2], $0x9000, $0x38;
	[tilespmem:$0x9A00] =	vst v63  }
0x65: {  	_ =	swait.ge [sflag:s4], $0x9000  }
0x66: {  	[sflag:s4] =	ssyncset.done $0x0  }
0x67: {  	[sflag:s4] =	ssyncadd.s32 $0xFFFF7000  }
0x68: {  	[tilespmem:s7], [sflag:$0x1] =	stream.indirect.gather [hbm4b:s2+s6], $0x90, s6, s6, $0xb8;
	[tilespmem:$0x9A00] =	vst v63  }
0x69: {  	_ =	swait.ge [sflag:s8], $0x9000  }
0x6a: {  	[sflag:s8] =	ssyncset.done $0x0  }
0x6b: {  	[sflag:s8] =	ssyncadd.s32 $0xFFFF7000  }
0x6c: {  	[hbm4b:s10+s3] =	stream.linear.scatter [tilespmem:s7], [sflag:$0x2], $0x9000, $0x38;
	[tilespmem:$0x9A00] =	vst v63  }
0x6d: {  	_ =	swait.ge [sflag:s4], $0x9000  }
0x6e: {  	[sflag:s4] =	ssyncset.done $0x0  }
0x6f: {  	[sflag:s4] =	ssyncadd.s32 $0xFFFF7000  }
0x70: {  	[tilespmem:s7], [sflag:$0x1] =	stream.indirect.gather [hbm4b:s2+s6], $0x90, s11, s6, $0xb8;
	[tilespmem:$0x9A00] =	vst v63  }
0x71: {  	_ =	swait.ge [sflag:s8], $0x9000  }
0x72: {  	[sflag:s8] =	ssyncset.done $0x0  }
0x73: {  	[sflag:s8] =	ssyncadd.s32 $0xFFFF7000  }
0x74: {  	[hbm4b:s12+s3] =	stream.linear.scatter [tilespmem:s7], [sflag:$0x2], $0x9000, $0x38;
	[tilespmem:$0x9A00] =	vst v63  }
0x75: {  	_ =	swait.ge [sflag:s4], $0x9000  }
0x76: {  	[sflag:s4] =	ssyncset.done $0x0  }
0x77: {  	[sflag:s4] =	ssyncadd.s32 $0xFFFF7000  }
0x78: {  	[tilespmem:s7], [sflag:$0x1] =	stream.indirect.gather [hbm4b:s2+s6], $0x90, s13, s6, $0xb8;
	[tilespmem:$0x9A00] =	vst v63  }
0x79: {  	_ =	swait.ge [sflag:s8], $0x9000  }
0x7a: {  	[sflag:s8] =	ssyncset.done $0x0  }
0x7b: {  	[sflag:s8] =	ssyncadd.s32 $0xFFFF7000  }
0x7c: {  	[hbm4b:s14+s3] =	stream.linear.scatter [tilespmem:s7], [sflag:$0x2], $0x9000, $0x38;
	[tilespmem:$0x9A00] =	vst v63  }
0x7d: {  	_ =	swait.ge [sflag:s4], $0x9000  }
0x7e: {  	[sflag:s4] =	ssyncset.done $0x0  }
0x7f: {  	[sflag:s4] =	ssyncadd.s32 $0xFFFF7000  }
0x80: {  	[tilespmem:s7], [sflag:$0x1] =	stream.indirect.gather [hbm4b:s2+s6], $0x90, s15, s6, $0xb8;
	[tilespmem:$0x9A00] =	vst v63  }
0x81: {  	_ =	swait.ge [sflag:s8], $0x9000  }
0x82: {  	[sflag:s8] =	ssyncset.done $0x0  }
0x83: {  	[sflag:s8] =	ssyncadd.s32 $0xFFFF7000  }
0x84: {  	[hbm4b:s16+s3] =	stream.linear.scatter [tilespmem:s7], [sflag:$0x2], $0x9000, $0x38;
	[tilespmem:$0x9A00] =	vst v63  }
0x85: {  	_ =	swait.ge [sflag:s4], $0x9000  }
0x86: {  	[sflag:s4] =	ssyncset.done $0x0  }
0x87: {  	[sflag:s4] =	ssyncadd.s32 $0xFFFF7000  }
0x88: {  	[tilespmem:s7], [sflag:$0x1] =	stream.indirect.gather [hbm4b:s2+s6], $0x90, s17, s6, $0xb8;
	[tilespmem:$0x9A00] =	vst v63  }
0x89: {  	_ =	swait.ge [sflag:s8], $0x9000  }
0x8a: {  	[sflag:s8] =	ssyncset.done $0x0  }
0x8b: {  	[sflag:s8] =	ssyncadd.s32 $0xFFFF7000  }
0x8c: {  	[hbm4b:s18+s3] =	stream.linear.scatter [tilespmem:s7], [sflag:$0x2], $0x9000, $0x38;
	[tilespmem:$0x9A00] =	vst v63  }
0x8d: {  	_ =	swait.ge [sflag:s4], $0x9000  }
0x8e: {  	[sflag:s4] =	ssyncset.done $0x0  }
0x8f: {  	[sflag:s4] =	ssyncadd.s32 $0xFFFF7000  }
0x90: {  	[tilespmem:s7], [sflag:$0x1] =	stream.indirect.gather [hbm4b:s2+s6], $0x90, s19, s6, $0xb8;
	[tilespmem:$0x9A00] =	vst v63  }
0x91: {  	_ =	swait.ge [sflag:s8], $0x9000  }
0x92: {  	[sflag:s8] =	ssyncset.done $0x0  }
0x93: {  	[sflag:s8] =	ssyncadd.s32 $0xFFFF7000  }
0x94: {  	[hbm4b:s20+s3] =	stream.linear.scatter [tilespmem:s7], [sflag:$0x2], $0x9000, $0x38;
	[tilespmem:$0x9A00] =	vst v63  }
0x95: {  	_ =	swait.ge [sflag:s4], $0x9000  }
0x96: {  	[sflag:s4] =	ssyncset.done $0x0  }
0x97: {  	[sflag:s4] =	ssyncadd.s32 $0xFFFF7000  }
0x98: {  	[tilespmem:s7], [sflag:$0x1] =	stream.indirect.gather [hbm4b:s2+s6], $0x90, s21, s6, $0xb8;
	[tilespmem:$0x9A00] =	vst v63  }
0x99: {  	_ =	swait.ge [sflag:s8], $0x9000  }
0x9a: {  	[sflag:s8] =	ssyncset.done $0x0  }
0x9b: {  	[sflag:s8] =	ssyncadd.s32 $0xFFFF7000  }
0x9c: {  	[hbm4b:s22+s3] =	stream.linear.scatter [tilespmem:s7], [sflag:$0x2], $0x9000, $0x38;
	[tilespmem:$0x9A00] =	vst v63  }
0x9d: {  	_ =	swait.ge [sflag:s4], $0x9000  }
0x9e: {  	[sflag:s4] =	ssyncset.done $0x0  }
0x9f: {  	[sflag:s4] =	ssyncadd.s32 $0xFFFF7000  }
0xa0: {  	[tilespmem:s7], [sflag:$0x1] =	stream.indirect.gather [hbm4b:s2+s6], $0x90, s23, s6, $0xb8;
	[tilespmem:$0x9A00] =	vst v63  }
0xa1: {  	_ =	swait.ge [sflag:s8], $0x9000  }
0xa2: {  	[sflag:s8] =	ssyncset.done $0x0  }
0xa3: {  	[sflag:s8] =	ssyncadd.s32 $0xFFFF7000  }
0xa4: {  	[hbm4b:s24+s3] =	stream.linear.scatter [tilespmem:s7], [sflag:$0x2], $0x9000, $0x38;
	[tilespmem:$0x9A00] =	vst v63  }
0xa5: {  	_ =	swait.ge [sflag:s4], $0x9000  }
0xa6: {  	[sflag:s4] =	ssyncset.done $0x0  }
0xa7: {  	[sflag:s4] =	ssyncadd.s32 $0xFFFF7000  }
0xa8: {  	[tilespmem:s7], [sflag:$0x1] =	stream.indirect.gather [hbm4b:s2+s6], $0x90, s25, s6, $0xb8;
	[tilespmem:$0x9A00] =	vst v63  }
0xa9: {  	_ =	swait.ge [sflag:s8], $0x9000  }
.Ltmp1:
0xaa: {  	[sflag:s8] =	ssyncset.done $0x0;
	(pc) =	sbr.rel @p0 .LBB2_1-.Ltmp1, $4  }
0xab: {  	[sflag:s8] =	ssyncadd.s32 $0xFFFF7000  }
0xac: {  	[hbm4b:s26+s3] =	stream.linear.scatter [tilespmem:s7], [sflag:$0x2], $0x9000, $0x38;
	[tilespmem:$0x9A00] =	vst v63  }
0xad: {  	_ =	swait.ge [sflag:s4], $0x9000  }
0xae: {  	[sflag:s4] =	ssyncset.done $0x0  }
.LBB2_2:
0xaf: {  	[sflag:s4] =	ssyncadd.s32 $0xFFFF7000  }
0xb0: {  	_ =	sfence.sel $0x180000  }
0xb1: {  	[bflag:$0x0] =	sbarrier.arrive $0xFFFF  }
0xb2: {  	p0 =	sne.s32 s0, $0x0;
	_ =	strace $0x9000004A  }
0xb3: {  	s0 =	sadd.s32 @!p0 $0x100000, s1;
	[bflag:$0x2] =	sbarrier.arrive $0xFFFF  }
0xb4: {  	[sflag:s0] =	ssyncadd.tile.s32 @!p0 $0x1;
	_ =	shalt  }
.Lfunc_end2:
_tile_overlayer_lowered:
.L_overlay_start_2:
0xb5: {  	(tag) =	ssettag $0x2  }
0xb6: {  	s0 =	rddreg [dreg:$0x0];
	s2 =	stileid.u32  }
0xb7: {  	s1 =	rddreg [dreg:$0x1];
	p0 =	sne.s32 s2, $0x0  }
0xb8: {  	s3 =	rddreg [dreg:$0x2];
	[bflag:$0x3] =	sbarrier.arrive $0xFFFF;
	s2 =	simm.s32 @!p0 $0x1C02  }
0xb9: {  	[timem:s3], [sflag:s2] =	dma.local @!p0 [hbm:s0], s1  }
0xba: {  	s0 =	simm.s32 @!p0 $0x2  }
0xbb: {  	_ =	swait.ge @!p0 [sflag:s0], s1  }
0xbc: {  	s1 =	ssub.s32 @!p0 $0x0, s1;
	[sflag:s0] =	ssyncset.done @!p0 $0x0  }
0xbd: {  	[sflag:s0] =	ssyncadd.s32 @!p0 s1  }
0xbe: {  	[bflag:$0x3] =	sbarrier.arrive $0xFFFF  }
0xbf: {  	_ =	shalt  }

// kernel: kernel.8.cloned.1.call-start
scs
__scs_entry_jumppad:
0x0: {  	(pc) =	sbr.rel $0x88, $3  }
0x1: {  	(tag) =	ssettag $0x0;
	lr =	simm.s32 $0x1  }
0x2: {  	[smem:$0x3F93] =	sst lr;
	_ =	strace $0xD0000000  }
0x3: {  	_ = 	snop  }
0x4: {  	_ = 	snop  }
0x5: {  	_ = 	snop  }
0x6: {  	_ = 	snop  }
0x7: {  	_ = 	snop  }
__scs_overlays_trampoline_lowered:
0x8: {  	[smem:$0x3FA2] =	sst s0  }
0x9: {  	[smem:$0x3FA3] =	sst s1  }
0xa: {  	[smem:$0x3FA4] =	sst s2  }
0xb: {  	[smem:$0x3FA5] =	sst s3  }
0xc: {  	[smem:$0x3FA6] =	sst s4  }
0xd: {  	[smem:$0x3FA7] =	sst s5  }
0xe: {  	[smem:$0x3FA8] =	sst s6  }
0xf: {  	[smem:$0x3FA9] =	sst s7  }
0x10: {  	[smem:$0x3FAA] =	sst s8  }
0x11: {  	[smem:$0x3FAB] =	sst s9;
	s0 =	simm.s32 @!p0 $0x0  }
0x12: {  	s1 =	sld [smem:$0x3F91];
	s0 =	simm.s32 @p0 $0x1  }
0x13: {  	[smem:$0x3FAC] =	sst s0;
	s0 =	simm.s32 @!p1 $0x0  }
0x14: {  	s2 =	sld [smem:$0x3F90];
	s0 =	simm.s32 @p1 $0x1  }
0x15: {  	[smem:$0x3FAD] =	sst s0;
	s0 =	simm.s32 @!p2 $0x0  }
0x16: {  	s3 =	sld [smem:$0x3FDB];
	s0 =	simm.s32 @p2 $0x1  }
0x17: {  	s4 =	simm.s32 $0x1BF5;
	[smem:$0x3FAF] =	sst s0  }
0x18: {  	s0 =	sld [smem:$0x3F92];
	_ =	swait.ge [sflag:s4], $0x0  }
0x19: {  	s7 =	sld [smem:$0x3F93]  }
0x1a: {  	s8 =	sadd.s32 $0xFFFFE003, lr  }
0x1b: {  	s9 =	sadd.s32 $0xFFFFFEF7, lr;
	s5 =	simm.s32 $0xFFFFFFFF;
	p2 =	slt.u32 s8, $0xFFFFF086  }
0x1c: {  	p1 =	slt.u32 s9, $0xF7A;
	s5 =	simm.s32 @!p2 $0x0  }
0x1d: {  	s5 =	simm.s32 @p1 $0x1;
	p0 =	seq.s32 s7, s2  }
0x1e: {  	s7 =	smul.u32 @!p0 $0xF7A, s2;
	p2 =	seq.s32 @!p0 s5, $0x0  }
0x1f: {  	s9 =	smul.u32 $0xF7A, s1;
	s8 =	simm.s32 @!p0 $0x1BF5;
	p2 =	por !p2, p0  }
0x20: {  	[sflag:s8] =	ssyncset.s32 @!p0 $0xFFFFF086;
	s6 =	sadd.s32 @!p0 s3, s7;
	s7 =	simm.s32 @!p0 $0x108  }
0x21: {  	s3 =	sadd.s32 s3, s9;
	s6 =	sadd.s32 @!p0 $0x88, s6;
	s7 =	simm.s32 @p2 $0x1082  }
0x22: {  	[simem:s7], [sflag:s8] =	dma.local @!p0 [hbm:s6], $0xF7A  }
0x23: {  	s9 =	sor.u32 $0xD0000000, s2;
	s6 =	simm.s32 $0x108;
	_ =	swait.ge @!p0 [sflag:s8], $0x0  }
0x24: {  	s3 =	sadd.s32 $0x88, s3;
	s6 =	simm.s32 @!p1 $0x1082;
	[sflag:s4] =	ssyncset.s32 $0xFFFFF086  }
0x25: {  	[simem:s6], [sflag:s4] =	dma.local [hbm:s3], $0xF7A  }
0x26: {  	[smem:$0x3F93] =	sst s1;
	(tag) =	ssettag s2;
	_ =	strace s9  }
0x27: {  	s1 =	sld [smem:$0x3FA3]  }
0x28: {  	s2 =	sld [smem:$0x3FA4]  }
0x29: {  	s4 =	sld [smem:$0x3FA6]  }
0x2a: {  	p0 =	seq.s32 s5, $0x0;
	s5 =	sld [smem:$0x3FA7]  }
0x2b: {  	s6 =	sld [smem:$0x3FA8]  }
0x2c: {  	s7 =	sld [smem:$0x3FA9]  }
0x2d: {  	s3 =	simm.s32 $0x108;
	s8 =	sld [smem:$0x3FAA]  }
0x2e: {  	s3 =	simm.s32 @!p0 $0x1082;
	s9 =	sld [smem:$0x3FAB]  }
0x2f: {  	lr =	sadd.s32 s0, s3;
	s0 =	sld [smem:$0x3FA2]  }
0x30: {  	s3 =	sld [smem:$0x3FA5]  }
0x31: {  	[smem:$0x3FAE] =	sst s10  }
0x32: {  	s10 =	sld [smem:$0x3FAC];
	_ =	sdelay $0x3  }
0x33: {  	p0 =	seq.s32 s10, $0x1;
	s10 =	sld [smem:$0x3FAE];
	_ =	sdelay $0x3  }
0x34: {  	[smem:$0x3FAE] =	sst s10  }
0x35: {  	s10 =	sld [smem:$0x3FAD];
	_ =	sdelay $0x3  }
0x36: {  	p1 =	seq.s32 s10, $0x1;
	s10 =	sld [smem:$0x3FAE];
	_ =	sdelay $0x3  }
0x37: {  	[smem:$0x3FAE] =	sst s10  }
0x38: {  	s10 =	sld [smem:$0x3FAF]  }
0x39: {  	_ = 	snop;
	(pc) =	sbr.ind lr, $3  }
0x3a: {  	_ = 	snop  }
0x3b: {  	_ = 	snop  }
0x3c: {  	p2 =	seq.s32 s10, $0x1;
	s10 =	sld [smem:$0x3FAE]  }
0x3d: {  	_ =	shalt  }
0x3e: {  	_ =	shalt  }
0x3f: {  	_ =	shalt  }
0x40: {  	_ =	shalt  }
0x41: {  	_ =	shalt  }
0x42: {  	_ =	shalt  }
0x43: {  	_ =	shalt  }
0x44: {  	_ =	shalt  }
0x45: {  	_ =	shalt  }
0x46: {  	_ =	shalt  }
0x47: {  	_ =	shalt  }
0x48: {  	_ =	shalt  }
0x49: {  	_ =	shalt  }
0x4a: {  	_ =	shalt  }
0x4b: {  	_ =	shalt  }
0x4c: {  	_ =	shalt  }
0x4d: {  	_ =	shalt  }
0x4e: {  	_ =	shalt  }
0x4f: {  	_ =	shalt  }
0x50: {  	_ =	shalt  }
0x51: {  	_ =	shalt  }
0x52: {  	_ =	shalt  }
0x53: {  	_ =	shalt  }
0x54: {  	_ =	shalt  }
0x55: {  	_ =	shalt  }
0x56: {  	_ =	shalt  }
0x57: {  	_ =	shalt  }
0x58: {  	_ =	shalt  }
0x59: {  	_ =	shalt  }
0x5a: {  	_ =	shalt  }
0x5b: {  	_ =	shalt  }
0x5c: {  	_ =	shalt  }
0x5d: {  	_ =	shalt  }
0x5e: {  	_ =	shalt  }
0x5f: {  	_ =	shalt  }
0x60: {  	_ =	shalt  }
0x61: {  	_ =	shalt  }
0x62: {  	_ =	shalt  }
0x63: {  	_ =	shalt  }
0x64: {  	_ =	shalt  }
0x65: {  	_ =	shalt  }
0x66: {  	_ =	shalt  }
0x67: {  	_ =	shalt  }
0x68: {  	_ =	shalt  }
0x69: {  	_ =	shalt  }
0x6a: {  	_ =	shalt  }
0x6b: {  	_ =	shalt  }
0x6c: {  	_ =	shalt  }
0x6d: {  	_ =	shalt  }
0x6e: {  	_ =	shalt  }
0x6f: {  	_ =	shalt  }
0x70: {  	_ =	shalt  }
0x71: {  	_ =	shalt  }
0x72: {  	_ =	shalt  }
0x73: {  	_ =	shalt  }
0x74: {  	_ =	shalt  }
0x75: {  	_ =	shalt  }
0x76: {  	_ =	shalt  }
0x77: {  	_ =	shalt  }
0x78: {  	_ =	shalt  }
0x79: {  	_ =	shalt  }
0x7a: {  	_ =	shalt  }
0x7b: {  	_ =	shalt  }
0x7c: {  	_ =	shalt  }
0x7d: {  	_ =	shalt  }
0x7e: {  	_ =	shalt  }
0x7f: {  	_ =	shalt  }
0x80: {  	_ =	shalt  }
0x81: {  	_ =	shalt  }
0x82: {  	_ =	shalt  }
0x83: {  	_ =	shalt  }
0x84: {  	_ =	shalt  }
0x85: {  	_ =	shalt  }
0x86: {  	_ =	shalt  }
0x87: {  	_ =	shalt  }
.Lfunc_end0:
.L_simem_size_0:
called_computation_lowered:
.L_overlay_start_0:
0x88: {  	s2 =	sld [smem:$0x3FD9]  }
0x89: {  	s3 =	sld [smem:$0x3FFE];
	_ =	sdelay $0x1  }
0x8a: {  	s1 =	srdreg.scid  }
0x8b: {  	s0 =	sand.u32 $0x1, s1  }
0x8c: {  	s16 =	sshll.u32 s0, $0xA;
	s2 =	sadd.s32 s3, s2  }
0x8d: {  	s2 =	sadd.s32 s2, s16  }
0x8e: {  	[smem:$0x3FBA] =	sst s2  }
0x8f: {  	_ = 	snop  }
0x90: {  	(tm) =	ssettm $0x1  }
0x91: {  	s17 =	sld [smem:$0x3FFB];
	_ =	sdelay $0x3  }
0x92: {  	_ =	strace s17  }
0x93: {  	s2 =	sld [smem:$0x3FFC];
	_ =	sdelay $0x3  }
0x94: {  	_ =	strace s2  }
0x95: {  	s2 =	sld [smem:$0x3FFD];
	_ =	sdelay $0x3  }
0x96: {  	_ =	strace s2  }
0x97: {  	_ =	strace $0x8FFFFFFF  }
0x98: {  	s18 =	sld [smem:$0x3FDB];
	_ =	sdelay $0x1  }
0x99: {  	s19 =	simm.s32 $_scs_section_size  }
0x9a: {  	s4 =	simm.s32 $_size__tile_overlayer_lowered;
	s5 =	simm.s32 $_tile_overlayer_lowered  }
0x9b: {  	s22 =	simm.s32 $0x1BFF;
	s21 =	sshll.u32 s5, $0x1;
	s2 =	sadd.s32 s19, s18  }
0x9c: {  	s6 =	simm.s32 $0x0;
	s20 =	sshll.u32 s4, $0x1;
	s4 =	sadd.s32 s21, s2  }
0x9d: {  	[timem:s6], [sflag:s22] =	dma.local [hbm:s4], s20  }
0x9e: {  	_ =	swait.ge [sflag:s22], s20  }
0x9f: {  	s3 =	ssub.s32 $0x0, s20;
	[sflag:s22] =	ssyncset.done $0x0  }
0xa0: {  	[sflag:s22] =	ssyncadd.s32 s3;
	_ =	sdelay $0x1  }
0xa1: {  	s23 =	simm.s32 $0x1B8B  }
0xa2: {  	_ =	swait.ge [sflag:s23], $0x1  }
0xa3: {  	[sflag:s23] =	ssyncset.done $0x0  }
0xa4: {  	s25 =	simm.s32 $0x1B8E;
	s24 =	sld [smem:$0x3FFE];
	[sflag:s23] =	ssyncadd.s32 $0xFFFFFFFF  }
0xa5: {  	s26 =	simm.s32 $execute0_lowered;
	[smem:$0x3FD2] =	sst s25  }
0xa6: {  	s4 =	sshll.u32 s26, $0x1;
	_ =	strace $0x80000046;
	[dreg:$0x1] =	wrdreg $0xFFFFFFFF  }
0xa7: {  	s28 =	simm.s32 $_size_execute0_lowered;
	s2 =	sadd.s32 s2, s4;
	[dreg:$0x0] =	wrdreg $0x0  }
0xa8: {  	s4 =	sshll.u32 s28, $0x1;
	[dreg:$0x2] =	wrdreg s2  }
0xa9: {  	[dreg:$0x3] =	wrdreg s4  }
0xaa: {  	[dreg:$0x4] =	wrdreg $0xC0  }
0xab: {  	_ =	task [dreg:s6], $0x5FFFF  }
0xac: {  	[dreg:$0x1] =	wrdreg $0xFFFFFFFF  }
0xad: {  	[dreg:$0x0] =	wrdreg $0x60  }
0xae: {  	[dreg:$0x2] =	wrdreg s24  }
0xaf: {  	[dreg:$0x3] =	wrdreg $0x9  }
0xb0: {  	_ =	task.clear_ibuf [dreg:s6], $0x4FFFF;
	_ =	strace $0x90000046  }
0xb1: {  	s29 =	simm.s32 $0x9;
	_ =	strace $0x80000048  }
0xb2: {  	_ =	swait.ge [sflag:s29], $0x1  }
0xb3: {  	[sflag:s29] =	ssyncadd.s32 $0xFFFFFFFF  }
0xb4: {  	_ =	strace $0x90000048  }
0xb5: {  	_ =	sfence  }
0xb6: {  	s30 =	sld [smem:$0x0];
	_ =	sdelay $0x2  }
0xb7: {  	s31 =	sshll.u32 s1, $0xD;
	s1 =	sshrl.u32 s1, $0x2  }
0xb8: {  	s3 =	sand.u32 $0x4000, s31;
	s1 =	sadd.s32 s1, s30  }
0xb9: {  	s0 =	sor.u32 s3, s0;
	s1 =	sshll.u32 s1, $0x11  }
0xba: {  	s0 =	sor.u32 s1, s0  }
0xbb: {  	s0 =	sadd.s32 $0x8F2B, s0  }
0xbc: {  	[sflag:s0] =	ssyncadd.remote.s32 $0x1  }
0xbd: {  	_ =	sfence.sel $0xFFFF  }
0xbe: {  	[dreg:$0x0] =	wrdreg $0xFFFFFFFF;
	(pc) =	sbr.abs _section_cstart, $3  }
0xbf: {  	[dreg:$0x1] =	wrdreg $0xFFFFFFFF  }
0xc0: {  	_ =	task.clear_ibuf [dreg:s6], $0x2FFFF;
	_ =	strace $0x9FFFFFFF  }
0xc1: {  	(tm) =	ssettm $0x7FFFFFFF  }
tec
execute0_lowered:
.L_overlay_start_1:
0x0: {  	(tag) =	ssettag $0x1  }
0x1: {  	s1 =	srdreg.scid;
	s0 =	stileid.u32  }
0x2: {  	s25 =	sand.u32 $0x1, s1;
	s31 =	sshll.u32 s0, $0x1  }
0x3: {  	s10 =	sor.u32 s25, s31  }
0x4: {  	s9 =	rddreg [dreg:$0x0];
	s3 =	smul.u32 $0x140, s10  }
0x5: {  	s2 =	simm.s32 $0x0;
	s1 =	rddreg [dreg:$0x1]  }
0x6: {  	[smem:$0x7FF] =	sst s2;
	s3 =	sadd.s32 s3, s9  }
0x7: {  	_ =	strace $0x80000047;
	s4 =	sadd.s32 $0x45A00, s3;
	s3 =	simm.s32 $0x2  }
0x8: {  	[tilespmem:s2], [sflag:$0x2] =	stream.linear.gather [hbm4b:s4+s2], $0xA00, $0x38;
	[tilespmem:$0x9A00] =	vst v63  }
0x9: {  	_ =	swait.ge [sflag:s3], $0xA00  }
0xa: {  	s6 =	simm.s32 $0x100;
	s7 =	simm.s32 $0xA00;
	[sflag:s3] =	ssyncset.done $0x0  }
0xb: {  	s8 =	simm.s32 $0x1;
	s5 =	sadd.s32 $0x33A00, s9;
	[sflag:s3] =	ssyncadd.s32 $0xFFFFF600  }
0xc: {  	[tilespmem:s7], [sflag:$0x1] =	stream.indirect.gather [hbm4b:s5+s6], $0x90, s2, s6, $0xb8;
	[tilespmem:$0x9A00] =	vst v63  }
0xd: {  	s11 =	smul.u32 $0xB400, s10;
	_ =	swait.ge [sflag:s8], $0x9000  }
0xe: {  	s12 =	sadd.s32 $0x48200, s9;
	[sflag:s8] =	ssyncset.done $0x0  }
0xf: {  	s9 =	sadd.s32 s12, s11;
	[sflag:s8] =	ssyncadd.s32 $0xFFFF7000  }
0x10: {  	[hbm4b:s9+s2] =	stream.linear.scatter [tilespmem:s7], [sflag:$0x2], $0x9000, $0x38;
	[tilespmem:$0x9A00] =	vst v63  }
0x11: {  	_ =	swait.ge [sflag:s3], $0x9000  }
0x12: {  	[sflag:s3] =	ssyncset.done $0x0  }
0x13: {  	s10 =	smul.u32 $0x5A000, s10;
	[sflag:s3] =	ssyncadd.s32 $0xFFFF7000  }
0x14: {  	[tilespmem:s7], [sflag:$0x1] =	stream.indirect.gather [hbm4b:s5+s6], $0x90, s6, s6, $0xb8;
	[tilespmem:$0x9A00] =	vst v63  }
0x15: {  	s10 =	sshrl.u32 s10, $0x3;
	_ =	swait.ge [sflag:s8], $0x9000  }
0x16: {  	s26 =	sadd.s32 s12, s10;
	[sflag:s8] =	ssyncset.done $0x0  }
0x17: {  	s10 =	sadd.s32 $0x1200, s26;
	[sflag:s8] =	ssyncadd.s32 $0xFFFF7000  }
0x18: {  	[hbm4b:s10+s2] =	stream.linear.scatter [tilespmem:s7], [sflag:$0x2], $0x9000, $0x38;
	[tilespmem:$0x9A00] =	vst v63  }
0x19: {  	_ =	swait.ge [sflag:s3], $0x9000  }
0x1a: {  	[sflag:s3] =	ssyncset.done $0x0  }
0x1b: {  	s11 =	simm.s32 $0x200;
	[sflag:s3] =	ssyncadd.s32 $0xFFFF7000  }
0x1c: {  	[tilespmem:s7], [sflag:$0x1] =	stream.indirect.gather [hbm4b:s5+s6], $0x90, s11, s6, $0xb8;
	[tilespmem:$0x9A00] =	vst v63  }
0x1d: {  	_ =	swait.ge [sflag:s8], $0x9000  }
0x1e: {  	[sflag:s8] =	ssyncset.done $0x0  }
0x1f: {  	s12 =	sadd.s32 $0x2400, s26;
	[sflag:s8] =	ssyncadd.s32 $0xFFFF7000  }
0x20: {  	[hbm4b:s12+s2] =	stream.linear.scatter [tilespmem:s7], [sflag:$0x2], $0x9000, $0x38;
	[tilespmem:$0x9A00] =	vst v63  }
0x21: {  	_ =	swait.ge [sflag:s3], $0x9000  }
0x22: {  	[sflag:s3] =	ssyncset.done $0x0  }
0x23: {  	s13 =	simm.s32 $0x300;
	[sflag:s3] =	ssyncadd.s32 $0xFFFF7000  }
0x24: {  	[tilespmem:s7], [sflag:$0x1] =	stream.indirect.gather [hbm4b:s5+s6], $0x90, s13, s6, $0xb8;
	[tilespmem:$0x9A00] =	vst v63  }
0x25: {  	_ =	swait.ge [sflag:s8], $0x9000  }
0x26: {  	[sflag:s8] =	ssyncset.done $0x0  }
0x27: {  	s14 =	sadd.s32 $0x3600, s26;
	[sflag:s8] =	ssyncadd.s32 $0xFFFF7000  }
0x28: {  	[hbm4b:s14+s2] =	stream.linear.scatter [tilespmem:s7], [sflag:$0x2], $0x9000, $0x38;
	[tilespmem:$0x9A00] =	vst v63  }
0x29: {  	_ =	swait.ge [sflag:s3], $0x9000  }
0x2a: {  	[sflag:s3] =	ssyncset.done $0x0  }
0x2b: {  	s15 =	simm.s32 $0x400;
	[sflag:s3] =	ssyncadd.s32 $0xFFFF7000  }
0x2c: {  	[tilespmem:s7], [sflag:$0x1] =	stream.indirect.gather [hbm4b:s5+s6], $0x90, s15, s6, $0xb8;
	[tilespmem:$0x9A00] =	vst v63  }
0x2d: {  	_ =	swait.ge [sflag:s8], $0x9000  }
0x2e: {  	[sflag:s8] =	ssyncset.done $0x0  }
0x2f: {  	s16 =	sadd.s32 $0x4800, s26;
	[sflag:s8] =	ssyncadd.s32 $0xFFFF7000  }
0x30: {  	[hbm4b:s16+s2] =	stream.linear.scatter [tilespmem:s7], [sflag:$0x2], $0x9000, $0x38;
	[tilespmem:$0x9A00] =	vst v63  }
0x31: {  	_ =	swait.ge [sflag:s3], $0x9000  }
0x32: {  	[sflag:s3] =	ssyncset.done $0x0  }
0x33: {  	s17 =	simm.s32 $0x500;
	[sflag:s3] =	ssyncadd.s32 $0xFFFF7000  }
0x34: {  	[tilespmem:s7], [sflag:$0x1] =	stream.indirect.gather [hbm4b:s5+s6], $0x90, s17, s6, $0xb8;
	[tilespmem:$0x9A00] =	vst v63  }
0x35: {  	_ =	swait.ge [sflag:s8], $0x9000  }
0x36: {  	[sflag:s8] =	ssyncset.done $0x0  }
0x37: {  	s18 =	sadd.s32 $0x5A00, s26;
	[sflag:s8] =	ssyncadd.s32 $0xFFFF7000  }
0x38: {  	[hbm4b:s18+s2] =	stream.linear.scatter [tilespmem:s7], [sflag:$0x2], $0x9000, $0x38;
	[tilespmem:$0x9A00] =	vst v63  }
0x39: {  	_ =	swait.ge [sflag:s3], $0x9000  }
0x3a: {  	[sflag:s3] =	ssyncset.done $0x0  }
0x3b: {  	s19 =	simm.s32 $0x600;
	[sflag:s3] =	ssyncadd.s32 $0xFFFF7000  }
0x3c: {  	[tilespmem:s7], [sflag:$0x1] =	stream.indirect.gather [hbm4b:s5+s6], $0x90, s19, s6, $0xb8;
	[tilespmem:$0x9A00] =	vst v63  }
0x3d: {  	_ =	swait.ge [sflag:s8], $0x9000  }
0x3e: {  	[sflag:s8] =	ssyncset.done $0x0  }
0x3f: {  	s20 =	sadd.s32 $0x6C00, s26;
	[sflag:s8] =	ssyncadd.s32 $0xFFFF7000  }
0x40: {  	[hbm4b:s20+s2] =	stream.linear.scatter [tilespmem:s7], [sflag:$0x2], $0x9000, $0x38;
	[tilespmem:$0x9A00] =	vst v63  }
0x41: {  	_ =	swait.ge [sflag:s3], $0x9000  }
0x42: {  	[sflag:s3] =	ssyncset.done $0x0  }
0x43: {  	s21 =	simm.s32 $0x700;
	[sflag:s3] =	ssyncadd.s32 $0xFFFF7000  }
0x44: {  	[tilespmem:s7], [sflag:$0x1] =	stream.indirect.gather [hbm4b:s5+s6], $0x90, s21, s6, $0xb8;
	[tilespmem:$0x9A00] =	vst v63  }
0x45: {  	_ =	swait.ge [sflag:s8], $0x9000  }
0x46: {  	[sflag:s8] =	ssyncset.done $0x0  }
0x47: {  	s22 =	sadd.s32 $0x7E00, s26;
	[sflag:s8] =	ssyncadd.s32 $0xFFFF7000  }
0x48: {  	[hbm4b:s22+s2] =	stream.linear.scatter [tilespmem:s7], [sflag:$0x2], $0x9000, $0x38;
	[tilespmem:$0x9A00] =	vst v63  }
0x49: {  	_ =	swait.ge [sflag:s3], $0x9000  }
0x4a: {  	[sflag:s3] =	ssyncset.done $0x0  }
0x4b: {  	s23 =	simm.s32 $0x800;
	[sflag:s3] =	ssyncadd.s32 $0xFFFF7000  }
0x4c: {  	[tilespmem:s7], [sflag:$0x1] =	stream.indirect.gather [hbm4b:s5+s6], $0x90, s23, s6, $0xb8;
	[tilespmem:$0x9A00] =	vst v63  }
0x4d: {  	_ =	swait.ge [sflag:s8], $0x9000  }
0x4e: {  	[sflag:s8] =	ssyncset.done $0x0  }
0x4f: {  	s28 =	ssub.s32 $0x2, s25;
	s24 =	sadd.s32 $0x9000, s26;
	[sflag:s8] =	ssyncadd.s32 $0xFFFF7000  }
0x50: {  	[hbm4b:s24+s2] =	stream.linear.scatter [tilespmem:s7], [sflag:$0x2], $0x9000, $0x38;
	[tilespmem:$0x9A00] =	vst v63  }
0x51: {  	s29 =	sshrl.u32 s28, $0x1;
	_ =	swait.ge [sflag:s3], $0x9000  }
0x52: {  	s28 =	ssub.s32 s28, s29;
	[sflag:s3] =	ssyncset.done $0x0  }
0x53: {  	s25 =	simm.s32 $0x900;
	s28 =	smax.u32 s28, $0x1;
	[sflag:s3] =	ssyncadd.s32 $0xFFFF7000  }
0x54: {  	[tilespmem:s7], [sflag:$0x1] =	stream.indirect.gather [hbm4b:s5+s6], $0x90, s25, s6, $0xb8;
	[tilespmem:$0x9A00] =	vst v63  }
0x55: {  	p0 =	sne.s32 s28, $0x1;
	_ =	swait.ge [sflag:s8], $0x9000  }
.Ltmp0:
0x56: {  	[sflag:s8] =	ssyncset.done $0x0;
	(pc) =	sbr.rel @!p0 .LBB2_2-.Ltmp0, $4  }
0x57: {  	s26 =	sadd.s32 $0xA200, s26;
	[sflag:s8] =	ssyncadd.s32 $0xFFFF7000  }
0x58: {  	[hbm4b:s26+s2] =	stream.linear.scatter [tilespmem:s7], [sflag:$0x2], $0x9000, $0x38;
	[tilespmem:$0x9A00] =	vst v63  }
0x59: {  	_ =	swait.ge [sflag:s3], $0x9000  }
0x5a: {  	s28 =	sadd.s32 $0xFFFFFFFF, s28;
	[sflag:s3] =	ssyncset.done $0x0  }
.LBB2_1:
0x5b: {  	p0 =	sne.s32 s28, $0x1;
	s28 =	sadd.s32 $0xFFFFFFFF, s28;
	[sflag:s3] =	ssyncadd.s32 $0xFFFF7000  }
0x5c: {  	[tilespmem:s2], [sflag:$0x2] =	stream.linear.gather [hbm4b:s4+s2], $0xA00, $0x38;
	[tilespmem:$0x9A00] =	vst v63  }
0x5d: {  	_ =	swait.ge [sflag:s3], $0xA00  }
0x5e: {  	[sflag:s3] =	ssyncset.done $0x0  }
0x5f: {  	[sflag:s3] =	ssyncadd.s32 $0xFFFFF600  }
0x60: {  	[tilespmem:s7], [sflag:$0x1] =	stream.indirect.gather [hbm4b:s5+s6], $0x90, s2, s6, $0xb8;
	[tilespmem:$0x9A00] =	vst v63  }
0x61: {  	_ =	swait.ge [sflag:s8], $0x9000  }
0x62: {  	[sflag:s8] =	ssyncset.done $0x0  }
0x63: {  	[sflag:s8] =	ssyncadd.s32 $0xFFFF7000  }
0x64: {  	[hbm4b:s9+s2] =	stream.linear.scatter [tilespmem:s7], [sflag:$0x2], $0x9000, $0x38;
	[tilespmem:$0x9A00] =	vst v63  }
0x65: {  	_ =	swait.ge [sflag:s3], $0x9000  }
0x66: {  	[sflag:s3] =	ssyncset.done $0x0  }
0x67: {  	[sflag:s3] =	ssyncadd.s32 $0xFFFF7000  }
0x68: {  	[tilespmem:s7], [sflag:$0x1] =	stream.indirect.gather [hbm4b:s5+s6], $0x90, s6, s6, $0xb8;
	[tilespmem:$0x9A00] =	vst v63  }
0x69: {  	_ =	swait.ge [sflag:s8], $0x9000  }
0x6a: {  	[sflag:s8] =	ssyncset.done $0x0  }
0x6b: {  	[sflag:s8] =	ssyncadd.s32 $0xFFFF7000  }
0x6c: {  	[hbm4b:s10+s2] =	stream.linear.scatter [tilespmem:s7], [sflag:$0x2], $0x9000, $0x38;
	[tilespmem:$0x9A00] =	vst v63  }
0x6d: {  	_ =	swait.ge [sflag:s3], $0x9000  }
0x6e: {  	[sflag:s3] =	ssyncset.done $0x0  }
0x6f: {  	[sflag:s3] =	ssyncadd.s32 $0xFFFF7000  }
0x70: {  	[tilespmem:s7], [sflag:$0x1] =	stream.indirect.gather [hbm4b:s5+s6], $0x90, s11, s6, $0xb8;
	[tilespmem:$0x9A00] =	vst v63  }
0x71: {  	_ =	swait.ge [sflag:s8], $0x9000  }
0x72: {  	[sflag:s8] =	ssyncset.done $0x0  }
0x73: {  	[sflag:s8] =	ssyncadd.s32 $0xFFFF7000  }
0x74: {  	[hbm4b:s12+s2] =	stream.linear.scatter [tilespmem:s7], [sflag:$0x2], $0x9000, $0x38;
	[tilespmem:$0x9A00] =	vst v63  }
0x75: {  	_ =	swait.ge [sflag:s3], $0x9000  }
0x76: {  	[sflag:s3] =	ssyncset.done $0x0  }
0x77: {  	[sflag:s3] =	ssyncadd.s32 $0xFFFF7000  }
0x78: {  	[tilespmem:s7], [sflag:$0x1] =	stream.indirect.gather [hbm4b:s5+s6], $0x90, s13, s6, $0xb8;
	[tilespmem:$0x9A00] =	vst v63  }
0x79: {  	_ =	swait.ge [sflag:s8], $0x9000  }
0x7a: {  	[sflag:s8] =	ssyncset.done $0x0  }
0x7b: {  	[sflag:s8] =	ssyncadd.s32 $0xFFFF7000  }
0x7c: {  	[hbm4b:s14+s2] =	stream.linear.scatter [tilespmem:s7], [sflag:$0x2], $0x9000, $0x38;
	[tilespmem:$0x9A00] =	vst v63  }
0x7d: {  	_ =	swait.ge [sflag:s3], $0x9000  }
0x7e: {  	[sflag:s3] =	ssyncset.done $0x0  }
0x7f: {  	[sflag:s3] =	ssyncadd.s32 $0xFFFF7000  }
0x80: {  	[tilespmem:s7], [sflag:$0x1] =	stream.indirect.gather [hbm4b:s5+s6], $0x90, s15, s6, $0xb8;
	[tilespmem:$0x9A00] =	vst v63  }
0x81: {  	_ =	swait.ge [sflag:s8], $0x9000  }
0x82: {  	[sflag:s8] =	ssyncset.done $0x0  }
0x83: {  	[sflag:s8] =	ssyncadd.s32 $0xFFFF7000  }
0x84: {  	[hbm4b:s16+s2] =	stream.linear.scatter [tilespmem:s7], [sflag:$0x2], $0x9000, $0x38;
	[tilespmem:$0x9A00] =	vst v63  }
0x85: {  	_ =	swait.ge [sflag:s3], $0x9000  }
0x86: {  	[sflag:s3] =	ssyncset.done $0x0  }
0x87: {  	[sflag:s3] =	ssyncadd.s32 $0xFFFF7000  }
0x88: {  	[tilespmem:s7], [sflag:$0x1] =	stream.indirect.gather [hbm4b:s5+s6], $0x90, s17, s6, $0xb8;
	[tilespmem:$0x9A00] =	vst v63  }
0x89: {  	_ =	swait.ge [sflag:s8], $0x9000  }
0x8a: {  	[sflag:s8] =	ssyncset.done $0x0  }
0x8b: {  	[sflag:s8] =	ssyncadd.s32 $0xFFFF7000  }
0x8c: {  	[hbm4b:s18+s2] =	stream.linear.scatter [tilespmem:s7], [sflag:$0x2], $0x9000, $0x38;
	[tilespmem:$0x9A00] =	vst v63  }
0x8d: {  	_ =	swait.ge [sflag:s3], $0x9000  }
0x8e: {  	[sflag:s3] =	ssyncset.done $0x0  }
0x8f: {  	[sflag:s3] =	ssyncadd.s32 $0xFFFF7000  }
0x90: {  	[tilespmem:s7], [sflag:$0x1] =	stream.indirect.gather [hbm4b:s5+s6], $0x90, s19, s6, $0xb8;
	[tilespmem:$0x9A00] =	vst v63  }
0x91: {  	_ =	swait.ge [sflag:s8], $0x9000  }
0x92: {  	[sflag:s8] =	ssyncset.done $0x0  }
0x93: {  	[sflag:s8] =	ssyncadd.s32 $0xFFFF7000  }
0x94: {  	[hbm4b:s20+s2] =	stream.linear.scatter [tilespmem:s7], [sflag:$0x2], $0x9000, $0x38;
	[tilespmem:$0x9A00] =	vst v63  }
0x95: {  	_ =	swait.ge [sflag:s3], $0x9000  }
0x96: {  	[sflag:s3] =	ssyncset.done $0x0  }
0x97: {  	[sflag:s3] =	ssyncadd.s32 $0xFFFF7000  }
0x98: {  	[tilespmem:s7], [sflag:$0x1] =	stream.indirect.gather [hbm4b:s5+s6], $0x90, s21, s6, $0xb8;
	[tilespmem:$0x9A00] =	vst v63  }
0x99: {  	_ =	swait.ge [sflag:s8], $0x9000  }
0x9a: {  	[sflag:s8] =	ssyncset.done $0x0  }
0x9b: {  	[sflag:s8] =	ssyncadd.s32 $0xFFFF7000  }
0x9c: {  	[hbm4b:s22+s2] =	stream.linear.scatter [tilespmem:s7], [sflag:$0x2], $0x9000, $0x38;
	[tilespmem:$0x9A00] =	vst v63  }
0x9d: {  	_ =	swait.ge [sflag:s3], $0x9000  }
0x9e: {  	[sflag:s3] =	ssyncset.done $0x0  }
0x9f: {  	[sflag:s3] =	ssyncadd.s32 $0xFFFF7000  }
0xa0: {  	[tilespmem:s7], [sflag:$0x1] =	stream.indirect.gather [hbm4b:s5+s6], $0x90, s23, s6, $0xb8;
	[tilespmem:$0x9A00] =	vst v63  }
0xa1: {  	_ =	swait.ge [sflag:s8], $0x9000  }
0xa2: {  	[sflag:s8] =	ssyncset.done $0x0  }
0xa3: {  	[sflag:s8] =	ssyncadd.s32 $0xFFFF7000  }
0xa4: {  	[hbm4b:s24+s2] =	stream.linear.scatter [tilespmem:s7], [sflag:$0x2], $0x9000, $0x38;
	[tilespmem:$0x9A00] =	vst v63  }
0xa5: {  	_ =	swait.ge [sflag:s3], $0x9000  }
0xa6: {  	[sflag:s3] =	ssyncset.done $0x0  }
0xa7: {  	[sflag:s3] =	ssyncadd.s32 $0xFFFF7000  }
0xa8: {  	[tilespmem:s7], [sflag:$0x1] =	stream.indirect.gather [hbm4b:s5+s6], $0x90, s25, s6, $0xb8;
	[tilespmem:$0x9A00] =	vst v63  }
0xa9: {  	_ =	swait.ge [sflag:s8], $0x9000  }
.Ltmp1:
0xaa: {  	[sflag:s8] =	ssyncset.done $0x0;
	(pc) =	sbr.rel @p0 .LBB2_1-.Ltmp1, $4  }
0xab: {  	[sflag:s8] =	ssyncadd.s32 $0xFFFF7000  }
0xac: {  	[hbm4b:s26+s2] =	stream.linear.scatter [tilespmem:s7], [sflag:$0x2], $0x9000, $0x38;
	[tilespmem:$0x9A00] =	vst v63  }
0xad: {  	_ =	swait.ge [sflag:s3], $0x9000  }
0xae: {  	[sflag:s3] =	ssyncset.done $0x0  }
.LBB2_2:
0xaf: {  	[sflag:s3] =	ssyncadd.s32 $0xFFFF7000  }
0xb0: {  	_ =	sfence.sel $0x180000  }
0xb1: {  	[bflag:$0x0] =	sbarrier.arrive $0xFFFF  }
0xb2: {  	p0 =	sne.s32 s0, $0x0;
	_ =	strace $0x90000047  }
0xb3: {  	s0 =	sadd.s32 @!p0 $0x100000, s1;
	[bflag:$0x2] =	sbarrier.arrive $0xFFFF  }
0xb4: {  	[sflag:s0] =	ssyncadd.tile.s32 @!p0 $0x1;
	_ =	shalt  }
.Lfunc_end2:
_tile_overlayer_lowered:
.L_overlay_start_2:
0xb5: {  	(tag) =	ssettag $0x2  }
0xb6: {  	s0 =	rddreg [dreg:$0x0];
	s2 =	stileid.u32  }
0xb7: {  	s1 =	rddreg [dreg:$0x1];
	p0 =	sne.s32 s2, $0x0  }
0xb8: {  	s3 =	rddreg [dreg:$0x2];
	[bflag:$0x3] =	sbarrier.arrive $0xFFFF;
	s2 =	simm.s32 @!p0 $0x1C02  }
0xb9: {  	[timem:s3], [sflag:s2] =	dma.local @!p0 [hbm:s0], s1  }
0xba: {  	s0 =	simm.s32 @!p0 $0x2  }
0xbb: {  	_ =	swait.ge @!p0 [sflag:s0], s1  }
0xbc: {  	s1 =	ssub.s32 @!p0 $0x0, s1;
	[sflag:s0] =	ssyncset.done @!p0 $0x0  }
0xbd: {  	[sflag:s0] =	ssyncadd.s32 @!p0 s1  }
0xbe: {  	[bflag:$0x3] =	sbarrier.arrive $0xFFFF  }
0xbf: {  	_ =	shalt  }

</sc_bundles>
